<compile_context>
chip_gen: v7x
topology: tpu7x:2x2x1
jax: 0.10.2.dev20260603
libtpu: 0.0.44.dev20260713+nightly
codegen_flags: <defaults>
</compile_context>

<pallas_src>
import functools

import jax
import jax.numpy as jnp
from jax import lax
from jax.experimental import pallas as pl
from jax.experimental.pallas import tpu as pltpu
from jax.experimental.pallas import tpu_sc as plsc

EMB = 128
EPS = 1e-6
LANES = 16
CHUNK = 80
RING = 4
KS = EMB // LANES


def _newton_rsqrt(x):
    bits = lax.bitcast_convert_type(x, jnp.int32)
    y = lax.bitcast_convert_type(
        jnp.full(x.shape, 0x5F3759DF, jnp.int32) - (bits >> 1), jnp.float32)
    h = 0.5 * x
    y = y * (1.5 - h * y * y)
    return y


def _hsum_splat(v):
    cs = plsc.cumsum(v)
    last = jnp.full((LANES,), LANES - 1, dtype=jnp.int32)
    return cs.at[last].get(mode="promise_in_bounds")


@functools.lru_cache(maxsize=None)
def _build(n_tokens: int, seq_len: int):
    info = plsc.get_sparse_core_info()
    nc, ns = info.num_cores, info.num_subcores
    nw = nc * ns
    assert n_tokens % (nw * CHUNK * RING) == 0
    n_per_w = n_tokens // nw
    n_chunks = n_per_w // CHUNK
    n_blocks = n_chunks // RING

    mesh = plsc.VectorSubcoreMesh(core_axis_name="c", subcore_axis_name="s")

    @functools.partial(
        pl.kernel,
        mesh=mesh,
        out_type=jax.ShapeDtypeStruct((n_tokens, EMB), jnp.float32),
        compiler_params=pltpu.CompilerParams(needs_layout_passes=False),
        scratch_types=(
            [pltpu.VMEM((CHUNK, EMB), jnp.float32) for _ in range(RING)]
            + [
                pltpu.VMEM((3 * seq_len * EMB,), jnp.float32),
                pltpu.VMEM((n_chunks * 2 * CHUNK + LANES,), jnp.int32),
                pltpu.VMEM((2 * EMB,), jnp.float32),
            ]
            + [pltpu.SemaphoreType.DMA for _ in range(2 * RING)]
        ),
    )
    def ln_kernel(idxcat_hbm, word_hbm, ps_hbm, gb_hbm, out_hbm, *scr):
        w_v = scr[0:RING]
        ps_v, idx_v, gb_v = scr[RING], scr[RING + 1], scr[RING + 2]
        sem_g = scr[RING + 3:2 * RING + 3]
        sem_o = scr[2 * RING + 3:3 * RING + 3]

        wid = lax.axis_index("s") * nc + lax.axis_index("c")
        base0 = wid * n_per_w
        pltpu.sync_copy(ps_hbm, ps_v)
        pltpu.sync_copy(gb_hbm, gb_v)
        pltpu.sync_copy(
            idxcat_hbm.at[pl.ds(wid * n_chunks * 2 * CHUNK, n_chunks * 2 * CHUNK)],
            idx_v.at[pl.ds(0, n_chunks * 2 * CHUNK)])

        def gather_start(ci, slot):
            pltpu.make_async_copy(
                word_hbm.at[idx_v.at[pl.ds(ci * 2 * CHUNK, CHUNK)]],
                w_v[slot], sem_g[slot]).start()

        for r in range(RING - 1):
            gather_start(jnp.int32(r), r)

        def compute_chunk(ci, p, carry_in):
            cbase = ci * 2 * CHUNK + CHUNK
            gl = [gb_v[pl.ds(k * LANES, LANES)] for k in range(KS)]
            bl = [gb_v[pl.ds(EMB + k * LANES, LANES)] for k in range(KS)]

            @plsc.parallel_loop(0, CHUNK, unroll=2)
            def token_grp(g):
                cv = idx_v[pl.ds(cbase + g, LANES)]
                for j in range(1):
                    t = g + j
                    pbase = cv[j] * EMB
                    vs = []
                    s = None
                    q = None
                    for k in range(KS):
                        v = (w_v[p][t, pl.ds(k * LANES, LANES)]
                             + ps_v[pl.ds(pbase + k * LANES, LANES)])
                        vs.append(v)
                        s = v if s is None else s + v
                        q = v * v if q is None else q + v * v
                    mean = _hsum_splat(s) * (1.0 / EMB)
                    ex2 = _hsum_splat(q) * (1.0 / EMB)
                    rstd = _newton_rsqrt(ex2 - mean * mean + EPS)
                    mr = mean * rstd
                    for k in range(KS):
                        w_v[p][t, pl.ds(k * LANES, LANES)] = (
                            vs[k] * rstd - mr) * gl[k] + bl[k]

            return carry_in

        def gather_wait(ci, p):
            pltpu.make_async_copy(
                word_hbm.at[idx_v.at[pl.ds(ci * 2 * CHUNK, CHUNK)]],
                w_v[p], sem_g[p]).wait()

        def out_start(ci, p):
            pltpu.make_async_copy(
                w_v[p], out_hbm.at[pl.ds(base0 + ci * CHUNK, CHUNK)],
                sem_o[p]).start()

        def out_wait(ci, p):
            pltpu.make_async_copy(
                w_v[p], out_hbm.at[pl.ds(base0 + ci * CHUNK, CHUNK)],
                sem_o[p]).wait()

        def block_body(blk, carry_gb):
            for p in range(RING):
                ci = blk * RING + p
                s3 = (p + RING - 1) % RING

                gather_wait(ci, p)
                carry_gb = compute_chunk(ci, p, carry_gb)

                if p == 0:
                    @pl.when(blk >= 1)
                    def _drain():
                        out_wait(ci - 1, s3)
                else:
                    out_wait(ci - 1, s3)

                @pl.when(ci + RING - 1 < n_chunks)
                def _issue():
                    gather_start(ci + RING - 1, s3)

                out_start(ci, p)
            return carry_gb

        carry = lax.fori_loop(0, n_blocks, block_body, 0)

        pltpu.make_async_copy(
            w_v[RING - 1],
            out_hbm.at[pl.ds(base0 + (n_chunks - 1) * CHUNK, CHUNK)],
            sem_o[RING - 1]).wait()

    return ln_kernel


def kernel(src, seg, word_table, pos_table, seg_table, gamma, beta):
    b, l = src.shape
    n = b * l
    src_c = src.reshape(n // CHUNK, CHUNK).astype(jnp.int32)
    cidx_c = (seg.astype(jnp.int32)
              + jnp.arange(l, dtype=jnp.int32)[None, :] * 3
              ).reshape(n // CHUNK, CHUNK)
    idxcat = jnp.stack([src_c, cidx_c], axis=1).reshape(n * 2)
    ps_table = (pos_table[:l, None, :] + seg_table[None, :, :]).reshape(3 * l * EMB)
    gb = jnp.concatenate([gamma, beta]).astype(jnp.float32)
    out = _build(n, l)(idxcat, word_table.astype(jnp.float32), ps_table, gb)
    return out.reshape(b, l, EMB)

# --- scband reference (transcript-rebuilt; emitter-appended) ---
"""Pipeline reference for scband-word-pos-seg-embedding-40785009443329 (READ-ONLY COPY).

The authoritative reference and input builder live on the scoring server;
editing this copy changes nothing except your own understanding.
"""

import jax, jax.numpy as jnp
import numpy as np

VOCAB = 100000
EMB = 128
MAX_SEQ = 512
B = 1024
L = 200
EPS = 1e-6


def setup_inputs(seed: int = 0) -> dict:
    key = jax.random.key(seed)
    k_src, k_seg, k_w, k_p, k_s = jax.random.split(key, 5)
    src = jax.random.randint(k_src, (B, L), 0, VOCAB, dtype=jnp.int64 if jax.config.jax_enable_x64 else jnp.int32)
    seg = jax.random.randint(k_seg, (B, L), 0, 3, dtype=jnp.int64 if jax.config.jax_enable_x64 else jnp.int32)
    word_table = jax.random.normal(k_w, (VOCAB, EMB), dtype=jnp.float32) * 0.02
    pos_table = jax.random.normal(k_p, (MAX_SEQ, EMB), dtype=jnp.float32) * 0.02
    seg_table = jax.random.normal(k_s, (3, EMB), dtype=jnp.float32) * 0.02
    gamma = jnp.ones((EMB,), dtype=jnp.float32)
    beta = jnp.zeros((EMB,), dtype=jnp.float32)
    return {"src": src, "seg": seg, "word_table": word_table, "pos_table": pos_table, "seg_table": seg_table, "gamma": gamma, "beta": beta}


def _layer_norm(x, gamma, beta, eps=EPS):
    mean = jnp.mean(x, axis=-1, keepdims=True)
    var = jnp.mean((x - mean) ** 2, axis=-1, keepdims=True)
    return gamma * (x - mean) / jnp.sqrt(var + eps) + beta


def reference(src, seg, word_table, pos_table, seg_table, gamma, beta):
    # word embedding: gather rows by token id
    word_emb = jnp.take(word_table, src, axis=0)            # [B, L, EMB]
    # position embedding: arange(L) broadcast over batch
    pos_ids = jnp.arange(L, dtype=src.dtype)
    pos_emb = jnp.take(pos_table, pos_ids, axis=0)[None, :, :]  # [1, L, EMB]
    # segment embedding
    seg_emb = jnp.take(seg_table, seg, axis=0)              # [B, L, EMB]
    emb = word_emb + pos_emb + seg_emb
    emb = _layer_norm(emb, gamma, beta)
    # dropout is identity in eval/reference mode
    return emb

if __name__ == "__main__":
    import jax
    _d = setup_inputs()
    print(jax.jit(kernel)(*tuple(_d.values())))

</pallas_src>

<mosaic_0001>
#map = affine_map<(d0, d1) -> (0)>
#map1 = affine_map<(d0, d1) -> (0, 0)>
module attributes {stable_mosaic.version = 14 : i64} {
  func.func @ln_kernel(%arg0: i32, %arg1: i32, %arg2: memref<409600xi32, #tpu.memory_space<hbm>>, %arg3: memref<100000x128xf32, #tpu.memory_space<hbm>>, %arg4: memref<76800xf32, #tpu.memory_space<hbm>>, %arg5: memref<256xf32, #tpu.memory_space<hbm>>, %arg6: memref<204800x128xf32, #tpu.memory_space<hbm>>, %arg7: memref<80x128xf32, #tpu.memory_space<vmem>>, %arg8: memref<80x128xf32, #tpu.memory_space<vmem>>, %arg9: memref<80x128xf32, #tpu.memory_space<vmem>>, %arg10: memref<80x128xf32, #tpu.memory_space<vmem>>, %arg11: memref<76800xf32, #tpu.memory_space<vmem>>, %arg12: memref<12816xi32, #tpu.memory_space<vmem>>, %arg13: memref<256xf32, #tpu.memory_space<vmem>>, %arg14: memref<!tpu.dma_semaphore, #tpu.memory_space<semaphore_mem>>, %arg15: memref<!tpu.dma_semaphore, #tpu.memory_space<semaphore_mem>>, %arg16: memref<!tpu.dma_semaphore, #tpu.memory_space<semaphore_mem>>, %arg17: memref<!tpu.dma_semaphore, #tpu.memory_space<semaphore_mem>>, %arg18: memref<!tpu.dma_semaphore, #tpu.memory_space<semaphore_mem>>, %arg19: memref<!tpu.dma_semaphore, #tpu.memory_space<semaphore_mem>>, %arg20: memref<!tpu.dma_semaphore, #tpu.memory_space<semaphore_mem>>, %arg21: memref<!tpu.dma_semaphore, #tpu.memory_space<semaphore_mem>>) attributes {dimension_semantics = [#tpu.dimension_semantics<core_parallel>, #tpu.dimension_semantics<subcore_parallel>], iteration_bounds = array<i64: 2, 16>, scalar_prefetch = 0 : i64, scratch_operands = 15 : i64, tpu.core_type = #tpu.core_type<sc_vector_subcore>, window_params = [{transform_indices = #map}, {transform_indices = #map1}, {transform_indices = #map}, {transform_indices = #map}, {transform_indices = #map1}]} {
    %mul3A = arith.constant 2 : i32
    %mul3A_0 = arith.muli %arg1, %mul3A : i32
    %add3A = arith.addi %mul3A_0, %arg0 : i32
    %mul3A_1 = arith.constant 6400 : i32
    %mul3A_2 = arith.muli %add3A, %mul3A_1 : i32
    "tpu.region"() ({
      %run_scoped3A = tpu.sem_alloc : memref<!tpu.dma_semaphore, #tpu.memory_space<semaphore_mem>>
      tpu.enqueue_dma source(%arg4 : memref<76800xf32, #tpu.memory_space<hbm>>) target(%arg11 : memref<76800xf32, #tpu.memory_space<vmem>>) target_semaphore(%run_scoped3A : memref<!tpu.dma_semaphore, #tpu.memory_space<semaphore_mem>>)
      tpu.wait_dma2 semaphore(%run_scoped3A : memref<!tpu.dma_semaphore, #tpu.memory_space<semaphore_mem>>) src(%arg4 : memref<76800xf32, #tpu.memory_space<hbm>>) dst(%arg11 : memref<76800xf32, #tpu.memory_space<vmem>>)
      tpu.yield
    }) : () -> ()
    "tpu.region"() ({
      %run_scoped3A = tpu.sem_alloc : memref<!tpu.dma_semaphore, #tpu.memory_space<semaphore_mem>>
      tpu.enqueue_dma source(%arg5 : memref<256xf32, #tpu.memory_space<hbm>>) target(%arg13 : memref<256xf32, #tpu.memory_space<vmem>>) target_semaphore(%run_scoped3A : memref<!tpu.dma_semaphore, #tpu.memory_space<semaphore_mem>>)
      tpu.wait_dma2 semaphore(%run_scoped3A : memref<!tpu.dma_semaphore, #tpu.memory_space<semaphore_mem>>) src(%arg5 : memref<256xf32, #tpu.memory_space<hbm>>) dst(%arg13 : memref<256xf32, #tpu.memory_space<vmem>>)
      tpu.yield
    }) : () -> ()
    %mul3A_3 = arith.constant 80 : i32
    %mul3A_4 = arith.muli %add3A, %mul3A_3 : i32
    %mul3A_5 = arith.constant 2 : i32
    %mul3A_6 = arith.muli %mul3A_4, %mul3A_5 : i32
    %mul3A_7 = arith.constant 80 : i32
    %mul3A_8 = arith.muli %mul3A_6, %mul3A_7 : i32
    "tpu.region"() ({
      %run_scoped3A = tpu.sem_alloc : memref<!tpu.dma_semaphore, #tpu.memory_space<semaphore_mem>>
      %dma_start3A_45 = arith.constant 0 : i32
      %dma_start3A_46 = tpu.memref_slice %arg12[%dma_start3A_45] : memref<12816xi32, #tpu.memory_space<vmem>> -> memref<12800xi32, #tpu.memory_space<vmem>>
      %dma_start3A_47 = tpu.memref_slice %arg2[%mul3A_8] : memref<409600xi32, #tpu.memory_space<hbm>> -> memref<12800xi32, #tpu.memory_space<hbm>>
      %dma_start3A_48 = arith.constant 0 : i32
      %dma_start3A_49 = tpu.memref_slice %arg12[%dma_start3A_48] : memref<12816xi32, #tpu.memory_space<vmem>> -> memref<12800xi32, #tpu.memory_space<vmem>>
      %dma_start3A_50 = tpu.memref_slice %arg2[%mul3A_8] : memref<409600xi32, #tpu.memory_space<hbm>> -> memref<12800xi32, #tpu.memory_space<hbm>>
      tpu.enqueue_dma source(%dma_start3A_50 : memref<12800xi32, #tpu.memory_space<hbm>>) target(%dma_start3A_49 : memref<12800xi32, #tpu.memory_space<vmem>>) target_semaphore(%run_scoped3A : memref<!tpu.dma_semaphore, #tpu.memory_space<semaphore_mem>>)
      %dma_wait3A_51 = arith.constant 0 : i32
      %dma_wait3A_52 = tpu.memref_slice %arg12[%dma_wait3A_51] : memref<12816xi32, #tpu.memory_space<vmem>> -> memref<12800xi32, #tpu.memory_space<vmem>>
      %dma_wait3A_53 = tpu.memref_slice %arg2[%mul3A_8] : memref<409600xi32, #tpu.memory_space<hbm>> -> memref<12800xi32, #tpu.memory_space<hbm>>
      %dma_wait3A_54 = arith.constant 0 : i32
      %dma_wait3A_55 = tpu.memref_slice %arg12[%dma_wait3A_54] : memref<12816xi32, #tpu.memory_space<vmem>> -> memref<12800xi32, #tpu.memory_space<vmem>>
      %dma_wait3A_56 = tpu.memref_slice %arg2[%mul3A_8] : memref<409600xi32, #tpu.memory_space<hbm>> -> memref<12800xi32, #tpu.memory_space<hbm>>
      tpu.wait_dma2 semaphore(%run_scoped3A : memref<!tpu.dma_semaphore, #tpu.memory_space<semaphore_mem>>) src(%dma_wait3A_56 : memref<12800xi32, #tpu.memory_space<hbm>>) dst(%dma_wait3A_55 : memref<12800xi32, #tpu.memory_space<vmem>>)
      tpu.yield
    }) : () -> ()
    %mul3A_9 = arith.constant 0 : i32
    %mul3A_10 = arith.constant 2 : i32
    %mul3A_11 = arith.muli %mul3A_9, %mul3A_10 : i32
    %mul3A_12 = arith.constant 80 : i32
    %mul3A_13 = arith.muli %mul3A_11, %mul3A_12 : i32
    %dma_start3A = tpu.memref_slice %arg12[%mul3A_13] : memref<12816xi32, #tpu.memory_space<vmem>> -> memref<80xi32, #tpu.memory_space<vmem>>
    %dma_start3A_14 = arith.constant 0 : i32
    %dma_start3A_15 = arith.constant 0 : i32
    %dma_start3A_16 = tpu.memref_slice %arg3[%dma_start3A_14, %dma_start3A_15] : memref<100000x128xf32, #tpu.memory_space<hbm>> -> memref<100000x128xf32, #tpu.memory_space<hbm>>
    tpu.enqueue_indirect_dma source(%dma_start3A_16 : memref<100000x128xf32, #tpu.memory_space<hbm>>) target(%arg7 : memref<80x128xf32, #tpu.memory_space<vmem>>) offsets(%dma_start3A : memref<80xi32, #tpu.memory_space<vmem>>) semaphore(%arg14 : memref<!tpu.dma_semaphore, #tpu.memory_space<semaphore_mem>>)
    %mul3A_17 = arith.constant 1 : i32
    %mul3A_18 = arith.constant 2 : i32
    %mul3A_19 = arith.muli %mul3A_17, %mul3A_18 : i32
    %mul3A_20 = arith.constant 80 : i32
    %mul3A_21 = arith.muli %mul3A_19, %mul3A_20 : i32
    %dma_start3A_22 = tpu.memref_slice %arg12[%mul3A_21] : memref<12816xi32, #tpu.memory_space<vmem>> -> memref<80xi32, #tpu.memory_space<vmem>>
    %dma_start3A_23 = arith.constant 0 : i32
    %dma_start3A_24 = arith.constant 0 : i32
    %dma_start3A_25 = tpu.memref_slice %arg3[%dma_start3A_23, %dma_start3A_24] : memref<100000x128xf32, #tpu.memory_space<hbm>> -> memref<100000x128xf32, #tpu.memory_space<hbm>>
    tpu.enqueue_indirect_dma source(%dma_start3A_25 : memref<100000x128xf32, #tpu.memory_space<hbm>>) target(%arg8 : memref<80x128xf32, #tpu.memory_space<vmem>>) offsets(%dma_start3A_22 : memref<80xi32, #tpu.memory_space<vmem>>) semaphore(%arg15 : memref<!tpu.dma_semaphore, #tpu.memory_space<semaphore_mem>>)
    %mul3A_26 = arith.constant 2 : i32
    %mul3A_27 = arith.constant 2 : i32
    %mul3A_28 = arith.muli %mul3A_26, %mul3A_27 : i32
    %mul3A_29 = arith.constant 80 : i32
    %mul3A_30 = arith.muli %mul3A_28, %mul3A_29 : i32
    %dma_start3A_31 = tpu.memref_slice %arg12[%mul3A_30] : memref<12816xi32, #tpu.memory_space<vmem>> -> memref<80xi32, #tpu.memory_space<vmem>>
    %dma_start3A_32 = arith.constant 0 : i32
    %dma_start3A_33 = arith.constant 0 : i32
    %dma_start3A_34 = tpu.memref_slice %arg3[%dma_start3A_32, %dma_start3A_33] : memref<100000x128xf32, #tpu.memory_space<hbm>> -> memref<100000x128xf32, #tpu.memory_space<hbm>>
    tpu.enqueue_indirect_dma source(%dma_start3A_34 : memref<100000x128xf32, #tpu.memory_space<hbm>>) target(%arg9 : memref<80x128xf32, #tpu.memory_space<vmem>>) offsets(%dma_start3A_31 : memref<80xi32, #tpu.memory_space<vmem>>) semaphore(%arg16 : memref<!tpu.dma_semaphore, #tpu.memory_space<semaphore_mem>>)
    %scan3A = arith.constant 0 : i32
    %scan3A_35 = arith.constant 0 : i32
    %scan3A_36 = arith.constant 20 : i32
    %scan3A_37 = arith.addi %scan3A_35, %scan3A_36 : i32
    %scan3A_38 = arith.constant 1 : i32
    scf.for %scan3A_45 = %scan3A_35 to %scan3A_37 step %scan3A_38  : i32 {
      %mul3A_46 = arith.constant 4 : i32
      %mul3A_47 = arith.muli %scan3A_45, %mul3A_46 : i32
      %add3A_48 = arith.constant 0 : i32
      %add3A_49 = arith.addi %mul3A_47, %add3A_48 : i32
      %mul3A_50 = arith.constant 2 : i32
      %mul3A_51 = arith.muli %add3A_49, %mul3A_50 : i32
      %mul3A_52 = arith.constant 80 : i32
      %mul3A_53 = arith.muli %mul3A_51, %mul3A_52 : i32
      %dma_wait3A_54 = tpu.memref_slice %arg12[%mul3A_53] : memref<12816xi32, #tpu.memory_space<vmem>> -> memref<80xi32, #tpu.memory_space<vmem>>
      %dma_wait3A_55 = arith.constant 0 : i32
      %dma_wait3A_56 = arith.constant 0 : i32
      %dma_wait3A_57 = tpu.memref_slice %arg3[%dma_wait3A_55, %dma_wait3A_56] : memref<100000x128xf32, #tpu.memory_space<hbm>> -> memref<100000x128xf32, #tpu.memory_space<hbm>>
      tpu.wait_indirect_dma semaphore(%arg14 : memref<!tpu.dma_semaphore, #tpu.memory_space<semaphore_mem>>) src(%dma_wait3A_57 : memref<100000x128xf32, #tpu.memory_space<hbm>>) dst(%arg7 : memref<80x128xf32, #tpu.memory_space<vmem>>)
      %mul3A_58 = arith.constant 2 : i32
      %mul3A_59 = arith.muli %add3A_49, %mul3A_58 : i32
      %mul3A_60 = arith.constant 80 : i32
      %mul3A_61 = arith.muli %mul3A_59, %mul3A_60 : i32
      %add3A_62 = arith.constant 80 : i32
      %add3A_63 = arith.addi %mul3A_61, %add3A_62 : i32
      %get3A = arith.constant 0 : index
      %get3A_64 = tpu.vector_load %arg13[%get3A] {strides = array<i32>} : memref<256xf32, #tpu.memory_space<vmem>>, vector<16xf32>,
      %get3A_65 = arith.constant 16 : index
      %get3A_66 = tpu.vector_load %arg13[%get3A_65] {strides = array<i32>} : memref<256xf32, #tpu.memory_space<vmem>>, vector<16xf32>,
      %get3A_67 = arith.constant 32 : index
      %get3A_68 = tpu.vector_load %arg13[%get3A_67] {strides = array<i32>} : memref<256xf32, #tpu.memory_space<vmem>>, vector<16xf32>,
      %get3A_69 = arith.constant 48 : index
      %get3A_70 = tpu.vector_load %arg13[%get3A_69] {strides = array<i32>} : memref<256xf32, #tpu.memory_space<vmem>>, vector<16xf32>,
      %get3A_71 = arith.constant 64 : index
      %get3A_72 = tpu.vector_load %arg13[%get3A_71] {strides = array<i32>} : memref<256xf32, #tpu.memory_space<vmem>>, vector<16xf32>,
      %get3A_73 = arith.constant 80 : index
      %get3A_74 = tpu.vector_load %arg13[%get3A_73] {strides = array<i32>} : memref<256xf32, #tpu.memory_space<vmem>>, vector<16xf32>,
      %get3A_75 = arith.constant 96 : index
      %get3A_76 = tpu.vector_load %arg13[%get3A_75] {strides = array<i32>} : memref<256xf32, #tpu.memory_space<vmem>>, vector<16xf32>,
      %get3A_77 = arith.constant 112 : index
      %get3A_78 = tpu.vector_load %arg13[%get3A_77] {strides = array<i32>} : memref<256xf32, #tpu.memory_space<vmem>>, vector<16xf32>,
      %get3A_79 = arith.constant 128 : index
      %get3A_80 = tpu.vector_load %arg13[%get3A_79] {strides = array<i32>} : memref<256xf32, #tpu.memory_space<vmem>>, vector<16xf32>,
      %get3A_81 = arith.constant 144 : index
      %get3A_82 = tpu.vector_load %arg13[%get3A_81] {strides = array<i32>} : memref<256xf32, #tpu.memory_space<vmem>>, vector<16xf32>,
      %get3A_83 = arith.constant 160 : index
      %get3A_84 = tpu.vector_load %arg13[%get3A_83] {strides = array<i32>} : memref<256xf32, #tpu.memory_space<vmem>>, vector<16xf32>,
      %get3A_85 = arith.constant 176 : index
      %get3A_86 = tpu.vector_load %arg13[%get3A_85] {strides = array<i32>} : memref<256xf32, #tpu.memory_space<vmem>>, vector<16xf32>,
      %get3A_87 = arith.constant 192 : index
      %get3A_88 = tpu.vector_load %arg13[%get3A_87] {strides = array<i32>} : memref<256xf32, #tpu.memory_space<vmem>>, vector<16xf32>,
      %get3A_89 = arith.constant 208 : index
      %get3A_90 = tpu.vector_load %arg13[%get3A_89] {strides = array<i32>} : memref<256xf32, #tpu.memory_space<vmem>>, vector<16xf32>,
      %get3A_91 = arith.constant 224 : index
      %get3A_92 = tpu.vector_load %arg13[%get3A_91] {strides = array<i32>} : memref<256xf32, #tpu.memory_space<vmem>>, vector<16xf32>,
      %get3A_93 = arith.constant 240 : index
      %get3A_94 = tpu.vector_load %arg13[%get3A_93] {strides = array<i32>} : memref<256xf32, #tpu.memory_space<vmem>>, vector<16xf32>,
      %parallel_loop3A = arith.constant 0 : i32
      %parallel_loop3A_95 = arith.constant 80 : i32
      %parallel_loop3A_96 = arith.constant 1 : i32
      scf.for %parallel_loop3A_347 = %parallel_loop3A to %parallel_loop3A_95 step %parallel_loop3A_96  : i32 {
        %parallel_loop3A_348 = arith.addi %add3A_63, %parallel_loop3A_347 : i32
        %parallel_loop3A_349 = arith.index_cast %parallel_loop3A_348 : i32 to index
        %parallel_loop3A_350 = tpu.vector_load %arg12[%parallel_loop3A_349] {strides = array<i32>} : memref<12816xi32, #tpu.memory_space<vmem>>, vector<16xi32>,
        %parallel_loop3A_351 = arith.constant 0 : i32
        %parallel_loop3A_352 = arith.addi %parallel_loop3A_347, %parallel_loop3A_351 : i32
        %parallel_loop3A_353 = vector.extract_strided_slice %parallel_loop3A_350 {offsets = [0], sizes = [1], strides = [1]} : vector<16xi32> to vector<1xi32>
        %parallel_loop3A_354 = vector.extract %parallel_loop3A_353[0] : i32 from vector<1xi32>
        %parallel_loop3A_355 = arith.constant 128 : i32
        %parallel_loop3A_356 = arith.muli %parallel_loop3A_354, %parallel_loop3A_355 : i32
        %parallel_loop3A_357 = arith.index_cast %parallel_loop3A_352 : i32 to index
        %parallel_loop3A_358 = arith.constant 0 : index
        %parallel_loop3A_359 = tpu.vector_load %arg7[%parallel_loop3A_357, %parallel_loop3A_358] {strides = array<i32>} : memref<80x128xf32, #tpu.memory_space<vmem>>, vector<16xf32>,
        %parallel_loop3A_360 = arith.constant 0 : i32
        %parallel_loop3A_361 = arith.addi %parallel_loop3A_356, %parallel_loop3A_360 : i32
        %parallel_loop3A_362 = arith.index_cast %parallel_loop3A_361 : i32 to index
        %parallel_loop3A_363 = tpu.vector_load %arg11[%parallel_loop3A_362] {strides = array<i32>} : memref<76800xf32, #tpu.memory_space<vmem>>, vector<16xf32>,
        %parallel_loop3A_364 = arith.addf %parallel_loop3A_359, %parallel_loop3A_363 : vector<16xf32>
        %parallel_loop3A_365 = arith.mulf %parallel_loop3A_364, %parallel_loop3A_364 : vector<16xf32>
        %parallel_loop3A_366 = arith.index_cast %parallel_loop3A_352 : i32 to index
        %parallel_loop3A_367 = arith.constant 16 : index
        %parallel_loop3A_368 = tpu.vector_load %arg7[%parallel_loop3A_366, %parallel_loop3A_367] {strides = array<i32>} : memref<80x128xf32, #tpu.memory_space<vmem>>, vector<16xf32>,
        %parallel_loop3A_369 = arith.constant 16 : i32
        %parallel_loop3A_370 = arith.addi %parallel_loop3A_356, %parallel_loop3A_369 : i32
        %parallel_loop3A_371 = arith.index_cast %parallel_loop3A_370 : i32 to index
        %parallel_loop3A_372 = tpu.vector_load %arg11[%parallel_loop3A_371] {strides = array<i32>} : memref<76800xf32, #tpu.memory_space<vmem>>, vector<16xf32>,
        %parallel_loop3A_373 = arith.addf %parallel_loop3A_368, %parallel_loop3A_372 : vector<16xf32>
        %parallel_loop3A_374 = arith.addf %parallel_loop3A_364, %parallel_loop3A_373 : vector<16xf32>
        %parallel_loop3A_375 = arith.mulf %parallel_loop3A_373, %parallel_loop3A_373 : vector<16xf32>
        %parallel_loop3A_376 = arith.addf %parallel_loop3A_365, %parallel_loop3A_375 : vector<16xf32>
        %parallel_loop3A_377 = arith.index_cast %parallel_loop3A_352 : i32 to index
        %parallel_loop3A_378 = arith.constant 32 : index
        %parallel_loop3A_379 = tpu.vector_load %arg7[%parallel_loop3A_377, %parallel_loop3A_378] {strides = array<i32>} : memref<80x128xf32, #tpu.memory_space<vmem>>, vector<16xf32>,
        %parallel_loop3A_380 = arith.constant 32 : i32
        %parallel_loop3A_381 = arith.addi %parallel_loop3A_356, %parallel_loop3A_380 : i32
        %parallel_loop3A_382 = arith.index_cast %parallel_loop3A_381 : i32 to index
        %parallel_loop3A_383 = tpu.vector_load %arg11[%parallel_loop3A_382] {strides = array<i32>} : memref<76800xf32, #tpu.memory_space<vmem>>, vector<16xf32>,
        %parallel_loop3A_384 = arith.addf %parallel_loop3A_379, %parallel_loop3A_383 : vector<16xf32>
        %parallel_loop3A_385 = arith.addf %parallel_loop3A_374, %parallel_loop3A_384 : vector<16xf32>
        %parallel_loop3A_386 = arith.mulf %parallel_loop3A_384, %parallel_loop3A_384 : vector<16xf32>
        %parallel_loop3A_387 = arith.addf %parallel_loop3A_376, %parallel_loop3A_386 : vector<16xf32>
        %parallel_loop3A_388 = arith.index_cast %parallel_loop3A_352 : i32 to index
        %parallel_loop3A_389 = arith.constant 48 : index
        %parallel_loop3A_390 = tpu.vector_load %arg7[%parallel_loop3A_388, %parallel_loop3A_389] {strides = array<i32>} : memref<80x128xf32, #tpu.memory_space<vmem>>, vector<16xf32>,
        %parallel_loop3A_391 = arith.constant 48 : i32
        %parallel_loop3A_392 = arith.addi %parallel_loop3A_356, %parallel_loop3A_391 : i32
        %parallel_loop3A_393 = arith.index_cast %parallel_loop3A_392 : i32 to index
        %parallel_loop3A_394 = tpu.vector_load %arg11[%parallel_loop3A_393] {strides = array<i32>} : memref<76800xf32, #tpu.memory_space<vmem>>, vector<16xf32>,
        %parallel_loop3A_395 = arith.addf %parallel_loop3A_390, %parallel_loop3A_394 : vector<16xf32>
        %parallel_loop3A_396 = arith.addf %parallel_loop3A_385, %parallel_loop3A_395 : vector<16xf32>
        %parallel_loop3A_397 = arith.mulf %parallel_loop3A_395, %parallel_loop3A_395 : vector<16xf32>
        %parallel_loop3A_398 = arith.addf %parallel_loop3A_387, %parallel_loop3A_397 : vector<16xf32>
        %parallel_loop3A_399 = arith.index_cast %parallel_loop3A_352 : i32 to index
        %parallel_loop3A_400 = arith.constant 64 : index
        %parallel_loop3A_401 = tpu.vector_load %arg7[%parallel_loop3A_399, %parallel_loop3A_400] {strides = array<i32>} : memref<80x128xf32, #tpu.memory_space<vmem>>, vector<16xf32>,
        %parallel_loop3A_402 = arith.constant 64 : i32
        %parallel_loop3A_403 = arith.addi %parallel_loop3A_356, %parallel_loop3A_402 : i32
        %parallel_loop3A_404 = arith.index_cast %parallel_loop3A_403 : i32 to index
        %parallel_loop3A_405 = tpu.vector_load %arg11[%parallel_loop3A_404] {strides = array<i32>} : memref<76800xf32, #tpu.memory_space<vmem>>, vector<16xf32>,
        %parallel_loop3A_406 = arith.addf %parallel_loop3A_401, %parallel_loop3A_405 : vector<16xf32>
        %parallel_loop3A_407 = arith.addf %parallel_loop3A_396, %parallel_loop3A_406 : vector<16xf32>
        %parallel_loop3A_408 = arith.mulf %parallel_loop3A_406, %parallel_loop3A_406 : vector<16xf32>
        %parallel_loop3A_409 = arith.addf %parallel_loop3A_398, %parallel_loop3A_408 : vector<16xf32>
        %parallel_loop3A_410 = arith.index_cast %parallel_loop3A_352 : i32 to index
        %parallel_loop3A_411 = arith.constant 80 : index
        %parallel_loop3A_412 = tpu.vector_load %arg7[%parallel_loop3A_410, %parallel_loop3A_411] {strides = array<i32>} : memref<80x128xf32, #tpu.memory_space<vmem>>, vector<16xf32>,
        %parallel_loop3A_413 = arith.constant 80 : i32
        %parallel_loop3A_414 = arith.addi %parallel_loop3A_356, %parallel_loop3A_413 : i32
        %parallel_loop3A_415 = arith.index_cast %parallel_loop3A_414 : i32 to index
        %parallel_loop3A_416 = tpu.vector_load %arg11[%parallel_loop3A_415] {strides = array<i32>} : memref<76800xf32, #tpu.memory_space<vmem>>, vector<16xf32>,
        %parallel_loop3A_417 = arith.addf %parallel_loop3A_412, %parallel_loop3A_416 : vector<16xf32>
        %parallel_loop3A_418 = arith.addf %parallel_loop3A_407, %parallel_loop3A_417 : vector<16xf32>
        %parallel_loop3A_419 = arith.mulf %parallel_loop3A_417, %parallel_loop3A_417 : vector<16xf32>
        %parallel_loop3A_420 = arith.addf %parallel_loop3A_409, %parallel_loop3A_419 : vector<16xf32>
        %parallel_loop3A_421 = arith.index_cast %parallel_loop3A_352 : i32 to index
        %parallel_loop3A_422 = arith.constant 96 : index
        %parallel_loop3A_423 = tpu.vector_load %arg7[%parallel_loop3A_421, %parallel_loop3A_422] {strides = array<i32>} : memref<80x128xf32, #tpu.memory_space<vmem>>, vector<16xf32>,
        %parallel_loop3A_424 = arith.constant 96 : i32
        %parallel_loop3A_425 = arith.addi %parallel_loop3A_356, %parallel_loop3A_424 : i32
        %parallel_loop3A_426 = arith.index_cast %parallel_loop3A_425 : i32 to index
        %parallel_loop3A_427 = tpu.vector_load %arg11[%parallel_loop3A_426] {strides = array<i32>} : memref<76800xf32, #tpu.memory_space<vmem>>, vector<16xf32>,
        %parallel_loop3A_428 = arith.addf %parallel_loop3A_423, %parallel_loop3A_427 : vector<16xf32>
        %parallel_loop3A_429 = arith.addf %parallel_loop3A_418, %parallel_loop3A_428 : vector<16xf32>
        %parallel_loop3A_430 = arith.mulf %parallel_loop3A_428, %parallel_loop3A_428 : vector<16xf32>
        %parallel_loop3A_431 = arith.addf %parallel_loop3A_420, %parallel_loop3A_430 : vector<16xf32>
        %parallel_loop3A_432 = arith.index_cast %parallel_loop3A_352 : i32 to index
        %parallel_loop3A_433 = arith.constant 112 : index
        %parallel_loop3A_434 = tpu.vector_load %arg7[%parallel_loop3A_432, %parallel_loop3A_433] {strides = array<i32>} : memref<80x128xf32, #tpu.memory_space<vmem>>, vector<16xf32>,
        %parallel_loop3A_435 = arith.constant 112 : i32
        %parallel_loop3A_436 = arith.addi %parallel_loop3A_356, %parallel_loop3A_435 : i32
        %parallel_loop3A_437 = arith.index_cast %parallel_loop3A_436 : i32 to index
        %parallel_loop3A_438 = tpu.vector_load %arg11[%parallel_loop3A_437] {strides = array<i32>} : memref<76800xf32, #tpu.memory_space<vmem>>, vector<16xf32>,
        %parallel_loop3A_439 = arith.addf %parallel_loop3A_434, %parallel_loop3A_438 : vector<16xf32>
        %parallel_loop3A_440 = arith.addf %parallel_loop3A_429, %parallel_loop3A_439 : vector<16xf32>
        %parallel_loop3A_441 = arith.mulf %parallel_loop3A_439, %parallel_loop3A_439 : vector<16xf32>
        %parallel_loop3A_442 = arith.addf %parallel_loop3A_431, %parallel_loop3A_441 : vector<16xf32>
        %parallel_loop3A_443 = arith.constant true
        %parallel_loop3A_444 = vector.broadcast %parallel_loop3A_443 : i1 to vector<16xi1>
        %parallel_loop3A_445 = tpu.scan <sum>, %parallel_loop3A_440 masked %parallel_loop3A_444 : vector<16xf32>, vector<16xi1> -> vector<16xf32>
        %parallel_loop3A_446 = arith.constant 15 : i32
        %parallel_loop3A_447 = vector.broadcast %parallel_loop3A_446 : i32 to vector<16xi32>
        %parallel_loop3A_448 = arith.constant 0 : i32
        %parallel_loop3A_449 = vector.broadcast %parallel_loop3A_448 : i32 to vector<16xi32>
        %parallel_loop3A_450 = arith.cmpi slt, %parallel_loop3A_447, %parallel_loop3A_449 : vector<16xi32>
        %parallel_loop3A_451 = arith.constant 16 : i32
        %parallel_loop3A_452 = vector.broadcast %parallel_loop3A_451 : i32 to vector<16xi32>
        %parallel_loop3A_453 = arith.addi %parallel_loop3A_447, %parallel_loop3A_452 : vector<16xi32>
        %parallel_loop3A_454 = arith.select %parallel_loop3A_450, %parallel_loop3A_453, %parallel_loop3A_447 : vector<16xi1>, vector<16xi32>
        %parallel_loop3A_455 = vector.shape_cast %parallel_loop3A_454 : vector<16xi32> to vector<16x1xi32>
        %parallel_loop3A_456 = vector.shape_cast %parallel_loop3A_455 : vector<16x1xi32> to vector<16xi32>
        %parallel_loop3A_457 = tpu.dynamic_gather %parallel_loop3A_445[%parallel_loop3A_456] in [0] : vector<16xf32>, vector<16xi32> -> vector<16xf32>
        %parallel_loop3A_458 = arith.constant 7.812500e-03 : f32
        %parallel_loop3A_459 = vector.broadcast %parallel_loop3A_458 : f32 to vector<16xf32>
        %parallel_loop3A_460 = arith.mulf %parallel_loop3A_457, %parallel_loop3A_459 : vector<16xf32>
        %parallel_loop3A_461 = arith.constant true
        %parallel_loop3A_462 = vector.broadcast %parallel_loop3A_461 : i1 to vector<16xi1>
        %parallel_loop3A_463 = tpu.scan <sum>, %parallel_loop3A_442 masked %parallel_loop3A_462 : vector<16xf32>, vector<16xi1> -> vector<16xf32>
        %parallel_loop3A_464 = arith.constant 15 : i32
        %parallel_loop3A_465 = vector.broadcast %parallel_loop3A_464 : i32 to vector<16xi32>
        %parallel_loop3A_466 = arith.constant 0 : i32
        %parallel_loop3A_467 = vector.broadcast %parallel_loop3A_466 : i32 to vector<16xi32>
        %parallel_loop3A_468 = arith.cmpi slt, %parallel_loop3A_465, %parallel_loop3A_467 : vector<16xi32>
        %parallel_loop3A_469 = arith.constant 16 : i32
        %parallel_loop3A_470 = vector.broadcast %parallel_loop3A_469 : i32 to vector<16xi32>
        %parallel_loop3A_471 = arith.addi %parallel_loop3A_465, %parallel_loop3A_470 : vector<16xi32>
        %parallel_loop3A_472 = arith.select %parallel_loop3A_468, %parallel_loop3A_471, %parallel_loop3A_465 : vector<16xi1>, vector<16xi32>
        %parallel_loop3A_473 = vector.shape_cast %parallel_loop3A_472 : vector<16xi32> to vector<16x1xi32>
        %parallel_loop3A_474 = vector.shape_cast %parallel_loop3A_473 : vector<16x1xi32> to vector<16xi32>
        %parallel_loop3A_475 = tpu.dynamic_gather %parallel_loop3A_463[%parallel_loop3A_474] in [0] : vector<16xf32>, vector<16xi32> -> vector<16xf32>
        %parallel_loop3A_476 = arith.constant 7.812500e-03 : f32
        %parallel_loop3A_477 = vector.broadcast %parallel_loop3A_476 : f32 to vector<16xf32>
        %parallel_loop3A_478 = arith.mulf %parallel_loop3A_475, %parallel_loop3A_477 : vector<16xf32>
        %parallel_loop3A_479 = arith.mulf %parallel_loop3A_460, %parallel_loop3A_460 : vector<16xf32>
        %parallel_loop3A_480 = arith.subf %parallel_loop3A_478, %parallel_loop3A_479 : vector<16xf32>
        %parallel_loop3A_481 = arith.constant 9.99999997E-7 : f32
        %parallel_loop3A_482 = vector.broadcast %parallel_loop3A_481 : f32 to vector<16xf32>
        %parallel_loop3A_483 = arith.addf %parallel_loop3A_480, %parallel_loop3A_482 : vector<16xf32>
        %parallel_loop3A_484 = tpu.bitcast %parallel_loop3A_483 : vector<16xf32> -> vector<16xi32>
        %parallel_loop3A_485 = arith.constant 1597463007 : i32
        %parallel_loop3A_486 = vector.broadcast %parallel_loop3A_485 : i32 to vector<16xi32>
        %parallel_loop3A_487 = arith.constant 1 : i32
        %parallel_loop3A_488 = vector.broadcast %parallel_loop3A_487 : i32 to vector<16xi32>
        %parallel_loop3A_489 = arith.shrsi %parallel_loop3A_484, %parallel_loop3A_488 : vector<16xi32>
        %parallel_loop3A_490 = arith.subi %parallel_loop3A_486, %parallel_loop3A_489 : vector<16xi32>
        %parallel_loop3A_491 = tpu.bitcast %parallel_loop3A_490 : vector<16xi32> -> vector<16xf32>
        %parallel_loop3A_492 = arith.constant 5.000000e-01 : f32
        %parallel_loop3A_493 = vector.broadcast %parallel_loop3A_492 : f32 to vector<16xf32>
        %parallel_loop3A_494 = arith.mulf %parallel_loop3A_493, %parallel_loop3A_483 : vector<16xf32>
        %parallel_loop3A_495 = arith.mulf %parallel_loop3A_494, %parallel_loop3A_491 : vector<16xf32>
        %parallel_loop3A_496 = arith.mulf %parallel_loop3A_495, %parallel_loop3A_491 : vector<16xf32>
        %parallel_loop3A_497 = arith.constant 1.500000e+00 : f32
        %parallel_loop3A_498 = vector.broadcast %parallel_loop3A_497 : f32 to vector<16xf32>
        %parallel_loop3A_499 = arith.subf %parallel_loop3A_498, %parallel_loop3A_496 : vector<16xf32>
        %parallel_loop3A_500 = arith.mulf %parallel_loop3A_491, %parallel_loop3A_499 : vector<16xf32>
        %parallel_loop3A_501 = arith.mulf %parallel_loop3A_460, %parallel_loop3A_500 : vector<16xf32>
        %parallel_loop3A_502 = arith.mulf %parallel_loop3A_364, %parallel_loop3A_500 : vector<16xf32>
        %parallel_loop3A_503 = arith.subf %parallel_loop3A_502, %parallel_loop3A_501 : vector<16xf32>
        %parallel_loop3A_504 = arith.mulf %parallel_loop3A_503, %get3A_64 : vector<16xf32>
        %parallel_loop3A_505 = arith.addf %parallel_loop3A_504, %get3A_80 : vector<16xf32>
        %parallel_loop3A_506 = arith.index_cast %parallel_loop3A_352 : i32 to index
        %parallel_loop3A_507 = arith.constant 0 : index
        %parallel_loop3A_508 = tpu.vector_load %arg7[%parallel_loop3A_506, %parallel_loop3A_507] {strides = array<i32>} : memref<80x128xf32, #tpu.memory_space<vmem>>, vector<16xf32>,
        tpu.vector_store %arg7[%parallel_loop3A_506, %parallel_loop3A_507], %parallel_loop3A_505 {strides = array<i32>} : memref<80x128xf32, #tpu.memory_space<vmem>>, vector<16xf32>,
        %parallel_loop3A_509 = arith.mulf %parallel_loop3A_373, %parallel_loop3A_500 : vector<16xf32>
        %parallel_loop3A_510 = arith.subf %parallel_loop3A_509, %parallel_loop3A_501 : vector<16xf32>
        %parallel_loop3A_511 = arith.mulf %parallel_loop3A_510, %get3A_66 : vector<16xf32>
        %parallel_loop3A_512 = arith.addf %parallel_loop3A_511, %get3A_82 : vector<16xf32>
        %parallel_loop3A_513 = arith.index_cast %parallel_loop3A_352 : i32 to index
        %parallel_loop3A_514 = arith.constant 16 : index
        %parallel_loop3A_515 = tpu.vector_load %arg7[%parallel_loop3A_513, %parallel_loop3A_514] {strides = array<i32>} : memref<80x128xf32, #tpu.memory_space<vmem>>, vector<16xf32>,
        tpu.vector_store %arg7[%parallel_loop3A_513, %parallel_loop3A_514], %parallel_loop3A_512 {strides = array<i32>} : memref<80x128xf32, #tpu.memory_space<vmem>>, vector<16xf32>,
        %parallel_loop3A_516 = arith.mulf %parallel_loop3A_384, %parallel_loop3A_500 : vector<16xf32>
        %parallel_loop3A_517 = arith.subf %parallel_loop3A_516, %parallel_loop3A_501 : vector<16xf32>
        %parallel_loop3A_518 = arith.mulf %parallel_loop3A_517, %get3A_68 : vector<16xf32>
        %parallel_loop3A_519 = arith.addf %parallel_loop3A_518, %get3A_84 : vector<16xf32>
        %parallel_loop3A_520 = arith.index_cast %parallel_loop3A_352 : i32 to index
        %parallel_loop3A_521 = arith.constant 32 : index
        %parallel_loop3A_522 = tpu.vector_load %arg7[%parallel_loop3A_520, %parallel_loop3A_521] {strides = array<i32>} : memref<80x128xf32, #tpu.memory_space<vmem>>, vector<16xf32>,
        tpu.vector_store %arg7[%parallel_loop3A_520, %parallel_loop3A_521], %parallel_loop3A_519 {strides = array<i32>} : memref<80x128xf32, #tpu.memory_space<vmem>>, vector<16xf32>,
        %parallel_loop3A_523 = arith.mulf %parallel_loop3A_395, %parallel_loop3A_500 : vector<16xf32>
        %parallel_loop3A_524 = arith.subf %parallel_loop3A_523, %parallel_loop3A_501 : vector<16xf32>
        %parallel_loop3A_525 = arith.mulf %parallel_loop3A_524, %get3A_70 : vector<16xf32>
        %parallel_loop3A_526 = arith.addf %parallel_loop3A_525, %get3A_86 : vector<16xf32>
        %parallel_loop3A_527 = arith.index_cast %parallel_loop3A_352 : i32 to index
        %parallel_loop3A_528 = arith.constant 48 : index
        %parallel_loop3A_529 = tpu.vector_load %arg7[%parallel_loop3A_527, %parallel_loop3A_528] {strides = array<i32>} : memref<80x128xf32, #tpu.memory_space<vmem>>, vector<16xf32>,
        tpu.vector_store %arg7[%parallel_loop3A_527, %parallel_loop3A_528], %parallel_loop3A_526 {strides = array<i32>} : memref<80x128xf32, #tpu.memory_space<vmem>>, vector<16xf32>,
        %parallel_loop3A_530 = arith.mulf %parallel_loop3A_406, %parallel_loop3A_500 : vector<16xf32>
        %parallel_loop3A_531 = arith.subf %parallel_loop3A_530, %parallel_loop3A_501 : vector<16xf32>
        %parallel_loop3A_532 = arith.mulf %parallel_loop3A_531, %get3A_72 : vector<16xf32>
        %parallel_loop3A_533 = arith.addf %parallel_loop3A_532, %get3A_88 : vector<16xf32>
        %parallel_loop3A_534 = arith.index_cast %parallel_loop3A_352 : i32 to index
        %parallel_loop3A_535 = arith.constant 64 : index
        %parallel_loop3A_536 = tpu.vector_load %arg7[%parallel_loop3A_534, %parallel_loop3A_535] {strides = array<i32>} : memref<80x128xf32, #tpu.memory_space<vmem>>, vector<16xf32>,
        tpu.vector_store %arg7[%parallel_loop3A_534, %parallel_loop3A_535], %parallel_loop3A_533 {strides = array<i32>} : memref<80x128xf32, #tpu.memory_space<vmem>>, vector<16xf32>,
        %parallel_loop3A_537 = arith.mulf %parallel_loop3A_417, %parallel_loop3A_500 : vector<16xf32>
        %parallel_loop3A_538 = arith.subf %parallel_loop3A_537, %parallel_loop3A_501 : vector<16xf32>
        %parallel_loop3A_539 = arith.mulf %parallel_loop3A_538, %get3A_74 : vector<16xf32>
        %parallel_loop3A_540 = arith.addf %parallel_loop3A_539, %get3A_90 : vector<16xf32>
        %parallel_loop3A_541 = arith.index_cast %parallel_loop3A_352 : i32 to index
        %parallel_loop3A_542 = arith.constant 80 : index
        %parallel_loop3A_543 = tpu.vector_load %arg7[%parallel_loop3A_541, %parallel_loop3A_542] {strides = array<i32>} : memref<80x128xf32, #tpu.memory_space<vmem>>, vector<16xf32>,
        tpu.vector_store %arg7[%parallel_loop3A_541, %parallel_loop3A_542], %parallel_loop3A_540 {strides = array<i32>} : memref<80x128xf32, #tpu.memory_space<vmem>>, vector<16xf32>,
        %parallel_loop3A_544 = arith.mulf %parallel_loop3A_428, %parallel_loop3A_500 : vector<16xf32>
        %parallel_loop3A_545 = arith.subf %parallel_loop3A_544, %parallel_loop3A_501 : vector<16xf32>
        %parallel_loop3A_546 = arith.mulf %parallel_loop3A_545, %get3A_76 : vector<16xf32>
        %parallel_loop3A_547 = arith.addf %parallel_loop3A_546, %get3A_92 : vector<16xf32>
        %parallel_loop3A_548 = arith.index_cast %parallel_loop3A_352 : i32 to index
        %parallel_loop3A_549 = arith.constant 96 : index
        %parallel_loop3A_550 = tpu.vector_load %arg7[%parallel_loop3A_548, %parallel_loop3A_549] {strides = array<i32>} : memref<80x128xf32, #tpu.memory_space<vmem>>, vector<16xf32>,
        tpu.vector_store %arg7[%parallel_loop3A_548, %parallel_loop3A_549], %parallel_loop3A_547 {strides = array<i32>} : memref<80x128xf32, #tpu.memory_space<vmem>>, vector<16xf32>,
        %parallel_loop3A_551 = arith.mulf %parallel_loop3A_439, %parallel_loop3A_500 : vector<16xf32>
        %parallel_loop3A_552 = arith.subf %parallel_loop3A_551, %parallel_loop3A_501 : vector<16xf32>
        %parallel_loop3A_553 = arith.mulf %parallel_loop3A_552, %get3A_78 : vector<16xf32>
        %parallel_loop3A_554 = arith.addf %parallel_loop3A_553, %get3A_94 : vector<16xf32>
        %parallel_loop3A_555 = arith.index_cast %parallel_loop3A_352 : i32 to index
        %parallel_loop3A_556 = arith.constant 112 : index
        %parallel_loop3A_557 = tpu.vector_load %arg7[%parallel_loop3A_555, %parallel_loop3A_556] {strides = array<i32>} : memref<80x128xf32, #tpu.memory_space<vmem>>, vector<16xf32>,
        tpu.vector_store %arg7[%parallel_loop3A_555, %parallel_loop3A_556], %parallel_loop3A_554 {strides = array<i32>} : memref<80x128xf32, #tpu.memory_space<vmem>>, vector<16xf32>,
      } {sc.loop_unroll_factor = 2 : i64, sc.parallel_access}
      %ge3A = arith.constant 1 : i32
      %ge3A_97 = arith.cmpi sge, %scan3A_45, %ge3A : i32
      %convert_element_type3A = arith.extui %ge3A_97 : i1 to i32
      %cond3A = arith.constant 0 : i32
      %cond3A_98 = arith.cmpi ne, %convert_element_type3A, %cond3A : i32
      scf.if %cond3A_98 {
        %sub3A_347 = arith.constant 1 : i32
        %sub3A_348 = arith.subi %add3A_49, %sub3A_347 : i32
        %mul3A_349 = arith.constant 80 : i32
        %mul3A_350 = arith.muli %sub3A_348, %mul3A_349 : i32
        %add3A_351 = arith.addi %mul3A_2, %mul3A_350 : i32
        %dma_wait3A_352 = arith.constant 0 : i32
        %dma_wait3A_353 = tpu.memref_slice %arg6[%add3A_351, %dma_wait3A_352] : memref<204800x128xf32, #tpu.memory_space<hbm>> -> memref<80x128xf32, #tpu.memory_space<hbm>>
        %dma_wait3A_354 = arith.constant 0 : i32
        %dma_wait3A_355 = tpu.memref_slice %arg6[%add3A_351, %dma_wait3A_354] : memref<204800x128xf32, #tpu.memory_space<hbm>> -> memref<80x128xf32, #tpu.memory_space<hbm>>
        tpu.wait_dma2 semaphore(%arg21 : memref<!tpu.dma_semaphore, #tpu.memory_space<semaphore_mem>>) src(%arg10 : memref<80x128xf32, #tpu.memory_space<vmem>>) dst(%dma_wait3A_355 : memref<80x128xf32, #tpu.memory_space<hbm>>)
      } else {
      }
      %add3A_99 = arith.constant 4 : i32
      %add3A_100 = arith.addi %add3A_49, %add3A_99 : i32
      %sub3A = arith.constant 1 : i32
      %sub3A_101 = arith.subi %add3A_100, %sub3A : i32
      %lt3A = arith.constant 80 : i32
      %lt3A_102 = arith.cmpi slt, %sub3A_101, %lt3A : i32
      %convert_element_type3A_103 = arith.extui %lt3A_102 : i1 to i32
      %cond3A_104 = arith.constant 0 : i32
      %cond3A_105 = arith.cmpi ne, %convert_element_type3A_103, %cond3A_104 : i32
      scf.if %cond3A_105 {
        %add3A_347 = arith.constant 4 : i32
        %add3A_348 = arith.addi %add3A_49, %add3A_347 : i32
        %sub3A_349 = arith.constant 1 : i32
        %sub3A_350 = arith.subi %add3A_348, %sub3A_349 : i32
        %mul3A_351 = arith.constant 2 : i32
        %mul3A_352 = arith.muli %sub3A_350, %mul3A_351 : i32
        %mul3A_353 = arith.constant 80 : i32
        %mul3A_354 = arith.muli %mul3A_352, %mul3A_353 : i32
        %dma_start3A_355 = tpu.memref_slice %arg12[%mul3A_354] : memref<12816xi32, #tpu.memory_space<vmem>> -> memref<80xi32, #tpu.memory_space<vmem>>
        %dma_start3A_356 = arith.constant 0 : i32
        %dma_start3A_357 = arith.constant 0 : i32
        %dma_start3A_358 = tpu.memref_slice %arg3[%dma_start3A_356, %dma_start3A_357] : memref<100000x128xf32, #tpu.memory_space<hbm>> -> memref<100000x128xf32, #tpu.memory_space<hbm>>
        tpu.enqueue_indirect_dma source(%dma_start3A_358 : memref<100000x128xf32, #tpu.memory_space<hbm>>) target(%arg10 : memref<80x128xf32, #tpu.memory_space<vmem>>) offsets(%dma_start3A_355 : memref<80xi32, #tpu.memory_space<vmem>>) semaphore(%arg17 : memref<!tpu.dma_semaphore, #tpu.memory_space<semaphore_mem>>)
      } else {
      }
      %mul3A_106 = arith.constant 80 : i32
      %mul3A_107 = arith.muli %add3A_49, %mul3A_106 : i32
      %add3A_108 = arith.addi %mul3A_2, %mul3A_107 : i32
      %dma_start3A_109 = arith.constant 0 : i32
      %dma_start3A_110 = tpu.memref_slice %arg6[%add3A_108, %dma_start3A_109] : memref<204800x128xf32, #tpu.memory_space<hbm>> -> memref<80x128xf32, #tpu.memory_space<hbm>>
      %dma_start3A_111 = arith.constant 0 : i32
      %dma_start3A_112 = tpu.memref_slice %arg6[%add3A_108, %dma_start3A_111] : memref<204800x128xf32, #tpu.memory_space<hbm>> -> memref<80x128xf32, #tpu.memory_space<hbm>>
      tpu.enqueue_dma source(%arg7 : memref<80x128xf32, #tpu.memory_space<vmem>>) target(%dma_start3A_112 : memref<80x128xf32, #tpu.memory_space<hbm>>) target_semaphore(%arg18 : memref<!tpu.dma_semaphore, #tpu.memory_space<semaphore_mem>>)
      %mul3A_113 = arith.constant 4 : i32
      %mul3A_114 = arith.muli %scan3A_45, %mul3A_113 : i32
      %add3A_115 = arith.constant 1 : i32
      %add3A_116 = arith.addi %mul3A_114, %add3A_115 : i32
      %mul3A_117 = arith.constant 2 : i32
      %mul3A_118 = arith.muli %add3A_116, %mul3A_117 : i32
      %mul3A_119 = arith.constant 80 : i32
      %mul3A_120 = arith.muli %mul3A_118, %mul3A_119 : i32
      %dma_wait3A_121 = tpu.memref_slice %arg12[%mul3A_120] : memref<12816xi32, #tpu.memory_space<vmem>> -> memref<80xi32, #tpu.memory_space<vmem>>
      %dma_wait3A_122 = arith.constant 0 : i32
      %dma_wait3A_123 = arith.constant 0 : i32
      %dma_wait3A_124 = tpu.memref_slice %arg3[%dma_wait3A_122, %dma_wait3A_123] : memref<100000x128xf32, #tpu.memory_space<hbm>> -> memref<100000x128xf32, #tpu.memory_space<hbm>>
      tpu.wait_indirect_dma semaphore(%arg15 : memref<!tpu.dma_semaphore, #tpu.memory_space<semaphore_mem>>) src(%dma_wait3A_124 : memref<100000x128xf32, #tpu.memory_space<hbm>>) dst(%arg8 : memref<80x128xf32, #tpu.memory_space<vmem>>)
      %mul3A_125 = arith.constant 2 : i32
      %mul3A_126 = arith.muli %add3A_116, %mul3A_125 : i32
      %mul3A_127 = arith.constant 80 : i32
      %mul3A_128 = arith.muli %mul3A_126, %mul3A_127 : i32
      %add3A_129 = arith.constant 80 : i32
      %add3A_130 = arith.addi %mul3A_128, %add3A_129 : i32
      %get3A_131 = arith.constant 0 : index
      %get3A_132 = tpu.vector_load %arg13[%get3A_131] {strides = array<i32>} : memref<256xf32, #tpu.memory_space<vmem>>, vector<16xf32>,
      %get3A_133 = arith.constant 16 : index
      %get3A_134 = tpu.vector_load %arg13[%get3A_133] {strides = array<i32>} : memref<256xf32, #tpu.memory_space<vmem>>, vector<16xf32>,
      %get3A_135 = arith.constant 32 : index
      %get3A_136 = tpu.vector_load %arg13[%get3A_135] {strides = array<i32>} : memref<256xf32, #tpu.memory_space<vmem>>, vector<16xf32>,
      %get3A_137 = arith.constant 48 : index
      %get3A_138 = tpu.vector_load %arg13[%get3A_137] {strides = array<i32>} : memref<256xf32, #tpu.memory_space<vmem>>, vector<16xf32>,
      %get3A_139 = arith.constant 64 : index
      %get3A_140 = tpu.vector_load %arg13[%get3A_139] {strides = array<i32>} : memref<256xf32, #tpu.memory_space<vmem>>, vector<16xf32>,
      %get3A_141 = arith.constant 80 : index
      %get3A_142 = tpu.vector_load %arg13[%get3A_141] {strides = array<i32>} : memref<256xf32, #tpu.memory_space<vmem>>, vector<16xf32>,
      %get3A_143 = arith.constant 96 : index
      %get3A_144 = tpu.vector_load %arg13[%get3A_143] {strides = array<i32>} : memref<256xf32, #tpu.memory_space<vmem>>, vector<16xf32>,
      %get3A_145 = arith.constant 112 : index
      %get3A_146 = tpu.vector_load %arg13[%get3A_145] {strides = array<i32>} : memref<256xf32, #tpu.memory_space<vmem>>, vector<16xf32>,
      %get3A_147 = arith.constant 128 : index
      %get3A_148 = tpu.vector_load %arg13[%get3A_147] {strides = array<i32>} : memref<256xf32, #tpu.memory_space<vmem>>, vector<16xf32>,
      %get3A_149 = arith.constant 144 : index
      %get3A_150 = tpu.vector_load %arg13[%get3A_149] {strides = array<i32>} : memref<256xf32, #tpu.memory_space<vmem>>, vector<16xf32>,
      %get3A_151 = arith.constant 160 : index
      %get3A_152 = tpu.vector_load %arg13[%get3A_151] {strides = array<i32>} : memref<256xf32, #tpu.memory_space<vmem>>, vector<16xf32>,
      %get3A_153 = arith.constant 176 : index
      %get3A_154 = tpu.vector_load %arg13[%get3A_153] {strides = array<i32>} : memref<256xf32, #tpu.memory_space<vmem>>, vector<16xf32>,
      %get3A_155 = arith.constant 192 : index
      %get3A_156 = tpu.vector_load %arg13[%get3A_155] {strides = array<i32>} : memref<256xf32, #tpu.memory_space<vmem>>, vector<16xf32>,
      %get3A_157 = arith.constant 208 : index
      %get3A_158 = tpu.vector_load %arg13[%get3A_157] {strides = array<i32>} : memref<256xf32, #tpu.memory_space<vmem>>, vector<16xf32>,
      %get3A_159 = arith.constant 224 : index
      %get3A_160 = tpu.vector_load %arg13[%get3A_159] {strides = array<i32>} : memref<256xf32, #tpu.memory_space<vmem>>, vector<16xf32>,
      %get3A_161 = arith.constant 240 : index
      %get3A_162 = tpu.vector_load %arg13[%get3A_161] {strides = array<i32>} : memref<256xf32, #tpu.memory_space<vmem>>, vector<16xf32>,
      %parallel_loop3A_163 = arith.constant 0 : i32
      %parallel_loop3A_164 = arith.constant 80 : i32
      %parallel_loop3A_165 = arith.constant 1 : i32
      scf.for %parallel_loop3A_347 = %parallel_loop3A_163 to %parallel_loop3A_164 step %parallel_loop3A_165  : i32 {
        %parallel_loop3A_348 = arith.addi %add3A_130, %parallel_loop3A_347 : i32
        %parallel_loop3A_349 = arith.index_cast %parallel_loop3A_348 : i32 to index
        %parallel_loop3A_350 = tpu.vector_load %arg12[%parallel_loop3A_349] {strides = array<i32>} : memref<12816xi32, #tpu.memory_space<vmem>>, vector<16xi32>,
        %parallel_loop3A_351 = arith.constant 0 : i32
        %parallel_loop3A_352 = arith.addi %parallel_loop3A_347, %parallel_loop3A_351 : i32
        %parallel_loop3A_353 = vector.extract_strided_slice %parallel_loop3A_350 {offsets = [0], sizes = [1], strides = [1]} : vector<16xi32> to vector<1xi32>
        %parallel_loop3A_354 = vector.extract %parallel_loop3A_353[0] : i32 from vector<1xi32>
        %parallel_loop3A_355 = arith.constant 128 : i32
        %parallel_loop3A_356 = arith.muli %parallel_loop3A_354, %parallel_loop3A_355 : i32
        %parallel_loop3A_357 = arith.index_cast %parallel_loop3A_352 : i32 to index
        %parallel_loop3A_358 = arith.constant 0 : index
        %parallel_loop3A_359 = tpu.vector_load %arg8[%parallel_loop3A_357, %parallel_loop3A_358] {strides = array<i32>} : memref<80x128xf32, #tpu.memory_space<vmem>>, vector<16xf32>,
        %parallel_loop3A_360 = arith.constant 0 : i32
        %parallel_loop3A_361 = arith.addi %parallel_loop3A_356, %parallel_loop3A_360 : i32
        %parallel_loop3A_362 = arith.index_cast %parallel_loop3A_361 : i32 to index
        %parallel_loop3A_363 = tpu.vector_load %arg11[%parallel_loop3A_362] {strides = array<i32>} : memref<76800xf32, #tpu.memory_space<vmem>>, vector<16xf32>,
        %parallel_loop3A_364 = arith.addf %parallel_loop3A_359, %parallel_loop3A_363 : vector<16xf32>
        %parallel_loop3A_365 = arith.mulf %parallel_loop3A_364, %parallel_loop3A_364 : vector<16xf32>
        %parallel_loop3A_366 = arith.index_cast %parallel_loop3A_352 : i32 to index
        %parallel_loop3A_367 = arith.constant 16 : index
        %parallel_loop3A_368 = tpu.vector_load %arg8[%parallel_loop3A_366, %parallel_loop3A_367] {strides = array<i32>} : memref<80x128xf32, #tpu.memory_space<vmem>>, vector<16xf32>,
        %parallel_loop3A_369 = arith.constant 16 : i32
        %parallel_loop3A_370 = arith.addi %parallel_loop3A_356, %parallel_loop3A_369 : i32
        %parallel_loop3A_371 = arith.index_cast %parallel_loop3A_370 : i32 to index
        %parallel_loop3A_372 = tpu.vector_load %arg11[%parallel_loop3A_371] {strides = array<i32>} : memref<76800xf32, #tpu.memory_space<vmem>>, vector<16xf32>,
        %parallel_loop3A_373 = arith.addf %parallel_loop3A_368, %parallel_loop3A_372 : vector<16xf32>
        %parallel_loop3A_374 = arith.addf %parallel_loop3A_364, %parallel_loop3A_373 : vector<16xf32>
        %parallel_loop3A_375 = arith.mulf %parallel_loop3A_373, %parallel_loop3A_373 : vector<16xf32>
        %parallel_loop3A_376 = arith.addf %parallel_loop3A_365, %parallel_loop3A_375 : vector<16xf32>
        %parallel_loop3A_377 = arith.index_cast %parallel_loop3A_352 : i32 to index
        %parallel_loop3A_378 = arith.constant 32 : index
        %parallel_loop3A_379 = tpu.vector_load %arg8[%parallel_loop3A_377, %parallel_loop3A_378] {strides = array<i32>} : memref<80x128xf32, #tpu.memory_space<vmem>>, vector<16xf32>,
        %parallel_loop3A_380 = arith.constant 32 : i32
        %parallel_loop3A_381 = arith.addi %parallel_loop3A_356, %parallel_loop3A_380 : i32
        %parallel_loop3A_382 = arith.index_cast %parallel_loop3A_381 : i32 to index
        %parallel_loop3A_383 = tpu.vector_load %arg11[%parallel_loop3A_382] {strides = array<i32>} : memref<76800xf32, #tpu.memory_space<vmem>>, vector<16xf32>,
        %parallel_loop3A_384 = arith.addf %parallel_loop3A_379, %parallel_loop3A_383 : vector<16xf32>
        %parallel_loop3A_385 = arith.addf %parallel_loop3A_374, %parallel_loop3A_384 : vector<16xf32>
        %parallel_loop3A_386 = arith.mulf %parallel_loop3A_384, %parallel_loop3A_384 : vector<16xf32>
        %parallel_loop3A_387 = arith.addf %parallel_loop3A_376, %parallel_loop3A_386 : vector<16xf32>
        %parallel_loop3A_388 = arith.index_cast %parallel_loop3A_352 : i32 to index
        %parallel_loop3A_389 = arith.constant 48 : index
        %parallel_loop3A_390 = tpu.vector_load %arg8[%parallel_loop3A_388, %parallel_loop3A_389] {strides = array<i32>} : memref<80x128xf32, #tpu.memory_space<vmem>>, vector<16xf32>,
        %parallel_loop3A_391 = arith.constant 48 : i32
        %parallel_loop3A_392 = arith.addi %parallel_loop3A_356, %parallel_loop3A_391 : i32
        %parallel_loop3A_393 = arith.index_cast %parallel_loop3A_392 : i32 to index
        %parallel_loop3A_394 = tpu.vector_load %arg11[%parallel_loop3A_393] {strides = array<i32>} : memref<76800xf32, #tpu.memory_space<vmem>>, vector<16xf32>,
        %parallel_loop3A_395 = arith.addf %parallel_loop3A_390, %parallel_loop3A_394 : vector<16xf32>
        %parallel_loop3A_396 = arith.addf %parallel_loop3A_385, %parallel_loop3A_395 : vector<16xf32>
        %parallel_loop3A_397 = arith.mulf %parallel_loop3A_395, %parallel_loop3A_395 : vector<16xf32>
        %parallel_loop3A_398 = arith.addf %parallel_loop3A_387, %parallel_loop3A_397 : vector<16xf32>
        %parallel_loop3A_399 = arith.index_cast %parallel_loop3A_352 : i32 to index
        %parallel_loop3A_400 = arith.constant 64 : index
        %parallel_loop3A_401 = tpu.vector_load %arg8[%parallel_loop3A_399, %parallel_loop3A_400] {strides = array<i32>} : memref<80x128xf32, #tpu.memory_space<vmem>>, vector<16xf32>,
        %parallel_loop3A_402 = arith.constant 64 : i32
        %parallel_loop3A_403 = arith.addi %parallel_loop3A_356, %parallel_loop3A_402 : i32
        %parallel_loop3A_404 = arith.index_cast %parallel_loop3A_403 : i32 to index
        %parallel_loop3A_405 = tpu.vector_load %arg11[%parallel_loop3A_404] {strides = array<i32>} : memref<76800xf32, #tpu.memory_space<vmem>>, vector<16xf32>,
        %parallel_loop3A_406 = arith.addf %parallel_loop3A_401, %parallel_loop3A_405 : vector<16xf32>
        %parallel_loop3A_407 = arith.addf %parallel_loop3A_396, %parallel_loop3A_406 : vector<16xf32>
        %parallel_loop3A_408 = arith.mulf %parallel_loop3A_406, %parallel_loop3A_406 : vector<16xf32>
        %parallel_loop3A_409 = arith.addf %parallel_loop3A_398, %parallel_loop3A_408 : vector<16xf32>
        %parallel_loop3A_410 = arith.index_cast %parallel_loop3A_352 : i32 to index
        %parallel_loop3A_411 = arith.constant 80 : index
        %parallel_loop3A_412 = tpu.vector_load %arg8[%parallel_loop3A_410, %parallel_loop3A_411] {strides = array<i32>} : memref<80x128xf32, #tpu.memory_space<vmem>>, vector<16xf32>,
        %parallel_loop3A_413 = arith.constant 80 : i32
        %parallel_loop3A_414 = arith.addi %parallel_loop3A_356, %parallel_loop3A_413 : i32
        %parallel_loop3A_415 = arith.index_cast %parallel_loop3A_414 : i32 to index
        %parallel_loop3A_416 = tpu.vector_load %arg11[%parallel_loop3A_415] {strides = array<i32>} : memref<76800xf32, #tpu.memory_space<vmem>>, vector<16xf32>,
        %parallel_loop3A_417 = arith.addf %parallel_loop3A_412, %parallel_loop3A_416 : vector<16xf32>
        %parallel_loop3A_418 = arith.addf %parallel_loop3A_407, %parallel_loop3A_417 : vector<16xf32>
        %parallel_loop3A_419 = arith.mulf %parallel_loop3A_417, %parallel_loop3A_417 : vector<16xf32>
        %parallel_loop3A_420 = arith.addf %parallel_loop3A_409, %parallel_loop3A_419 : vector<16xf32>
        %parallel_loop3A_421 = arith.index_cast %parallel_loop3A_352 : i32 to index
        %parallel_loop3A_422 = arith.constant 96 : index
        %parallel_loop3A_423 = tpu.vector_load %arg8[%parallel_loop3A_421, %parallel_loop3A_422] {strides = array<i32>} : memref<80x128xf32, #tpu.memory_space<vmem>>, vector<16xf32>,
        %parallel_loop3A_424 = arith.constant 96 : i32
        %parallel_loop3A_425 = arith.addi %parallel_loop3A_356, %parallel_loop3A_424 : i32
        %parallel_loop3A_426 = arith.index_cast %parallel_loop3A_425 : i32 to index
        %parallel_loop3A_427 = tpu.vector_load %arg11[%parallel_loop3A_426] {strides = array<i32>} : memref<76800xf32, #tpu.memory_space<vmem>>, vector<16xf32>,
        %parallel_loop3A_428 = arith.addf %parallel_loop3A_423, %parallel_loop3A_427 : vector<16xf32>
        %parallel_loop3A_429 = arith.addf %parallel_loop3A_418, %parallel_loop3A_428 : vector<16xf32>
        %parallel_loop3A_430 = arith.mulf %parallel_loop3A_428, %parallel_loop3A_428 : vector<16xf32>
        %parallel_loop3A_431 = arith.addf %parallel_loop3A_420, %parallel_loop3A_430 : vector<16xf32>
        %parallel_loop3A_432 = arith.index_cast %parallel_loop3A_352 : i32 to index
        %parallel_loop3A_433 = arith.constant 112 : index
        %parallel_loop3A_434 = tpu.vector_load %arg8[%parallel_loop3A_432, %parallel_loop3A_433] {strides = array<i32>} : memref<80x128xf32, #tpu.memory_space<vmem>>, vector<16xf32>,
        %parallel_loop3A_435 = arith.constant 112 : i32
        %parallel_loop3A_436 = arith.addi %parallel_loop3A_356, %parallel_loop3A_435 : i32
        %parallel_loop3A_437 = arith.index_cast %parallel_loop3A_436 : i32 to index
        %parallel_loop3A_438 = tpu.vector_load %arg11[%parallel_loop3A_437] {strides = array<i32>} : memref<76800xf32, #tpu.memory_space<vmem>>, vector<16xf32>,
        %parallel_loop3A_439 = arith.addf %parallel_loop3A_434, %parallel_loop3A_438 : vector<16xf32>
        %parallel_loop3A_440 = arith.addf %parallel_loop3A_429, %parallel_loop3A_439 : vector<16xf32>
        %parallel_loop3A_441 = arith.mulf %parallel_loop3A_439, %parallel_loop3A_439 : vector<16xf32>
        %parallel_loop3A_442 = arith.addf %parallel_loop3A_431, %parallel_loop3A_441 : vector<16xf32>
        %parallel_loop3A_443 = arith.constant true
        %parallel_loop3A_444 = vector.broadcast %parallel_loop3A_443 : i1 to vector<16xi1>
        %parallel_loop3A_445 = tpu.scan <sum>, %parallel_loop3A_440 masked %parallel_loop3A_444 : vector<16xf32>, vector<16xi1> -> vector<16xf32>
        %parallel_loop3A_446 = arith.constant 15 : i32
        %parallel_loop3A_447 = vector.broadcast %parallel_loop3A_446 : i32 to vector<16xi32>
        %parallel_loop3A_448 = arith.constant 0 : i32
        %parallel_loop3A_449 = vector.broadcast %parallel_loop3A_448 : i32 to vector<16xi32>
        %parallel_loop3A_450 = arith.cmpi slt, %parallel_loop3A_447, %parallel_loop3A_449 : vector<16xi32>
        %parallel_loop3A_451 = arith.constant 16 : i32
        %parallel_loop3A_452 = vector.broadcast %parallel_loop3A_451 : i32 to vector<16xi32>
        %parallel_loop3A_453 = arith.addi %parallel_loop3A_447, %parallel_loop3A_452 : vector<16xi32>
        %parallel_loop3A_454 = arith.select %parallel_loop3A_450, %parallel_loop3A_453, %parallel_loop3A_447 : vector<16xi1>, vector<16xi32>
        %parallel_loop3A_455 = vector.shape_cast %parallel_loop3A_454 : vector<16xi32> to vector<16x1xi32>
        %parallel_loop3A_456 = vector.shape_cast %parallel_loop3A_455 : vector<16x1xi32> to vector<16xi32>
        %parallel_loop3A_457 = tpu.dynamic_gather %parallel_loop3A_445[%parallel_loop3A_456] in [0] : vector<16xf32>, vector<16xi32> -> vector<16xf32>
        %parallel_loop3A_458 = arith.constant 7.812500e-03 : f32
        %parallel_loop3A_459 = vector.broadcast %parallel_loop3A_458 : f32 to vector<16xf32>
        %parallel_loop3A_460 = arith.mulf %parallel_loop3A_457, %parallel_loop3A_459 : vector<16xf32>
        %parallel_loop3A_461 = arith.constant true
        %parallel_loop3A_462 = vector.broadcast %parallel_loop3A_461 : i1 to vector<16xi1>
        %parallel_loop3A_463 = tpu.scan <sum>, %parallel_loop3A_442 masked %parallel_loop3A_462 : vector<16xf32>, vector<16xi1> -> vector<16xf32>
        %parallel_loop3A_464 = arith.constant 15 : i32
        %parallel_loop3A_465 = vector.broadcast %parallel_loop3A_464 : i32 to vector<16xi32>
        %parallel_loop3A_466 = arith.constant 0 : i32
        %parallel_loop3A_467 = vector.broadcast %parallel_loop3A_466 : i32 to vector<16xi32>
        %parallel_loop3A_468 = arith.cmpi slt, %parallel_loop3A_465, %parallel_loop3A_467 : vector<16xi32>
        %parallel_loop3A_469 = arith.constant 16 : i32
        %parallel_loop3A_470 = vector.broadcast %parallel_loop3A_469 : i32 to vector<16xi32>
        %parallel_loop3A_471 = arith.addi %parallel_loop3A_465, %parallel_loop3A_470 : vector<16xi32>
        %parallel_loop3A_472 = arith.select %parallel_loop3A_468, %parallel_loop3A_471, %parallel_loop3A_465 : vector<16xi1>, vector<16xi32>
        %parallel_loop3A_473 = vector.shape_cast %parallel_loop3A_472 : vector<16xi32> to vector<16x1xi32>
        %parallel_loop3A_474 = vector.shape_cast %parallel_loop3A_473 : vector<16x1xi32> to vector<16xi32>
        %parallel_loop3A_475 = tpu.dynamic_gather %parallel_loop3A_463[%parallel_loop3A_474] in [0] : vector<16xf32>, vector<16xi32> -> vector<16xf32>
        %parallel_loop3A_476 = arith.constant 7.812500e-03 : f32
        %parallel_loop3A_477 = vector.broadcast %parallel_loop3A_476 : f32 to vector<16xf32>
        %parallel_loop3A_478 = arith.mulf %parallel_loop3A_475, %parallel_loop3A_477 : vector<16xf32>
        %parallel_loop3A_479 = arith.mulf %parallel_loop3A_460, %parallel_loop3A_460 : vector<16xf32>
        %parallel_loop3A_480 = arith.subf %parallel_loop3A_478, %parallel_loop3A_479 : vector<16xf32>
        %parallel_loop3A_481 = arith.constant 9.99999997E-7 : f32
        %parallel_loop3A_482 = vector.broadcast %parallel_loop3A_481 : f32 to vector<16xf32>
        %parallel_loop3A_483 = arith.addf %parallel_loop3A_480, %parallel_loop3A_482 : vector<16xf32>
        %parallel_loop3A_484 = tpu.bitcast %parallel_loop3A_483 : vector<16xf32> -> vector<16xi32>
        %parallel_loop3A_485 = arith.constant 1597463007 : i32
        %parallel_loop3A_486 = vector.broadcast %parallel_loop3A_485 : i32 to vector<16xi32>
        %parallel_loop3A_487 = arith.constant 1 : i32
        %parallel_loop3A_488 = vector.broadcast %parallel_loop3A_487 : i32 to vector<16xi32>
        %parallel_loop3A_489 = arith.shrsi %parallel_loop3A_484, %parallel_loop3A_488 : vector<16xi32>
        %parallel_loop3A_490 = arith.subi %parallel_loop3A_486, %parallel_loop3A_489 : vector<16xi32>
        %parallel_loop3A_491 = tpu.bitcast %parallel_loop3A_490 : vector<16xi32> -> vector<16xf32>
        %parallel_loop3A_492 = arith.constant 5.000000e-01 : f32
        %parallel_loop3A_493 = vector.broadcast %parallel_loop3A_492 : f32 to vector<16xf32>
        %parallel_loop3A_494 = arith.mulf %parallel_loop3A_493, %parallel_loop3A_483 : vector<16xf32>
        %parallel_loop3A_495 = arith.mulf %parallel_loop3A_494, %parallel_loop3A_491 : vector<16xf32>
        %parallel_loop3A_496 = arith.mulf %parallel_loop3A_495, %parallel_loop3A_491 : vector<16xf32>
        %parallel_loop3A_497 = arith.constant 1.500000e+00 : f32
        %parallel_loop3A_498 = vector.broadcast %parallel_loop3A_497 : f32 to vector<16xf32>
        %parallel_loop3A_499 = arith.subf %parallel_loop3A_498, %parallel_loop3A_496 : vector<16xf32>
        %parallel_loop3A_500 = arith.mulf %parallel_loop3A_491, %parallel_loop3A_499 : vector<16xf32>
        %parallel_loop3A_501 = arith.mulf %parallel_loop3A_460, %parallel_loop3A_500 : vector<16xf32>
        %parallel_loop3A_502 = arith.mulf %parallel_loop3A_364, %parallel_loop3A_500 : vector<16xf32>
        %parallel_loop3A_503 = arith.subf %parallel_loop3A_502, %parallel_loop3A_501 : vector<16xf32>
        %parallel_loop3A_504 = arith.mulf %parallel_loop3A_503, %get3A_132 : vector<16xf32>
        %parallel_loop3A_505 = arith.addf %parallel_loop3A_504, %get3A_148 : vector<16xf32>
        %parallel_loop3A_506 = arith.index_cast %parallel_loop3A_352 : i32 to index
        %parallel_loop3A_507 = arith.constant 0 : index
        %parallel_loop3A_508 = tpu.vector_load %arg8[%parallel_loop3A_506, %parallel_loop3A_507] {strides = array<i32>} : memref<80x128xf32, #tpu.memory_space<vmem>>, vector<16xf32>,
        tpu.vector_store %arg8[%parallel_loop3A_506, %parallel_loop3A_507], %parallel_loop3A_505 {strides = array<i32>} : memref<80x128xf32, #tpu.memory_space<vmem>>, vector<16xf32>,
        %parallel_loop3A_509 = arith.mulf %parallel_loop3A_373, %parallel_loop3A_500 : vector<16xf32>
        %parallel_loop3A_510 = arith.subf %parallel_loop3A_509, %parallel_loop3A_501 : vector<16xf32>
        %parallel_loop3A_511 = arith.mulf %parallel_loop3A_510, %get3A_134 : vector<16xf32>
        %parallel_loop3A_512 = arith.addf %parallel_loop3A_511, %get3A_150 : vector<16xf32>
        %parallel_loop3A_513 = arith.index_cast %parallel_loop3A_352 : i32 to index
        %parallel_loop3A_514 = arith.constant 16 : index
        %parallel_loop3A_515 = tpu.vector_load %arg8[%parallel_loop3A_513, %parallel_loop3A_514] {strides = array<i32>} : memref<80x128xf32, #tpu.memory_space<vmem>>, vector<16xf32>,
        tpu.vector_store %arg8[%parallel_loop3A_513, %parallel_loop3A_514], %parallel_loop3A_512 {strides = array<i32>} : memref<80x128xf32, #tpu.memory_space<vmem>>, vector<16xf32>,
        %parallel_loop3A_516 = arith.mulf %parallel_loop3A_384, %parallel_loop3A_500 : vector<16xf32>
        %parallel_loop3A_517 = arith.subf %parallel_loop3A_516, %parallel_loop3A_501 : vector<16xf32>
        %parallel_loop3A_518 = arith.mulf %parallel_loop3A_517, %get3A_136 : vector<16xf32>
        %parallel_loop3A_519 = arith.addf %parallel_loop3A_518, %get3A_152 : vector<16xf32>
        %parallel_loop3A_520 = arith.index_cast %parallel_loop3A_352 : i32 to index
        %parallel_loop3A_521 = arith.constant 32 : index
        %parallel_loop3A_522 = tpu.vector_load %arg8[%parallel_loop3A_520, %parallel_loop3A_521] {strides = array<i32>} : memref<80x128xf32, #tpu.memory_space<vmem>>, vector<16xf32>,
        tpu.vector_store %arg8[%parallel_loop3A_520, %parallel_loop3A_521], %parallel_loop3A_519 {strides = array<i32>} : memref<80x128xf32, #tpu.memory_space<vmem>>, vector<16xf32>,
        %parallel_loop3A_523 = arith.mulf %parallel_loop3A_395, %parallel_loop3A_500 : vector<16xf32>
        %parallel_loop3A_524 = arith.subf %parallel_loop3A_523, %parallel_loop3A_501 : vector<16xf32>
        %parallel_loop3A_525 = arith.mulf %parallel_loop3A_524, %get3A_138 : vector<16xf32>
        %parallel_loop3A_526 = arith.addf %parallel_loop3A_525, %get3A_154 : vector<16xf32>
        %parallel_loop3A_527 = arith.index_cast %parallel_loop3A_352 : i32 to index
        %parallel_loop3A_528 = arith.constant 48 : index
        %parallel_loop3A_529 = tpu.vector_load %arg8[%parallel_loop3A_527, %parallel_loop3A_528] {strides = array<i32>} : memref<80x128xf32, #tpu.memory_space<vmem>>, vector<16xf32>,
        tpu.vector_store %arg8[%parallel_loop3A_527, %parallel_loop3A_528], %parallel_loop3A_526 {strides = array<i32>} : memref<80x128xf32, #tpu.memory_space<vmem>>, vector<16xf32>,
        %parallel_loop3A_530 = arith.mulf %parallel_loop3A_406, %parallel_loop3A_500 : vector<16xf32>
        %parallel_loop3A_531 = arith.subf %parallel_loop3A_530, %parallel_loop3A_501 : vector<16xf32>
        %parallel_loop3A_532 = arith.mulf %parallel_loop3A_531, %get3A_140 : vector<16xf32>
        %parallel_loop3A_533 = arith.addf %parallel_loop3A_532, %get3A_156 : vector<16xf32>
        %parallel_loop3A_534 = arith.index_cast %parallel_loop3A_352 : i32 to index
        %parallel_loop3A_535 = arith.constant 64 : index
        %parallel_loop3A_536 = tpu.vector_load %arg8[%parallel_loop3A_534, %parallel_loop3A_535] {strides = array<i32>} : memref<80x128xf32, #tpu.memory_space<vmem>>, vector<16xf32>,
        tpu.vector_store %arg8[%parallel_loop3A_534, %parallel_loop3A_535], %parallel_loop3A_533 {strides = array<i32>} : memref<80x128xf32, #tpu.memory_space<vmem>>, vector<16xf32>,
        %parallel_loop3A_537 = arith.mulf %parallel_loop3A_417, %parallel_loop3A_500 : vector<16xf32>
        %parallel_loop3A_538 = arith.subf %parallel_loop3A_537, %parallel_loop3A_501 : vector<16xf32>
        %parallel_loop3A_539 = arith.mulf %parallel_loop3A_538, %get3A_142 : vector<16xf32>
        %parallel_loop3A_540 = arith.addf %parallel_loop3A_539, %get3A_158 : vector<16xf32>
        %parallel_loop3A_541 = arith.index_cast %parallel_loop3A_352 : i32 to index
        %parallel_loop3A_542 = arith.constant 80 : index
        %parallel_loop3A_543 = tpu.vector_load %arg8[%parallel_loop3A_541, %parallel_loop3A_542] {strides = array<i32>} : memref<80x128xf32, #tpu.memory_space<vmem>>, vector<16xf32>,
        tpu.vector_store %arg8[%parallel_loop3A_541, %parallel_loop3A_542], %parallel_loop3A_540 {strides = array<i32>} : memref<80x128xf32, #tpu.memory_space<vmem>>, vector<16xf32>,
        %parallel_loop3A_544 = arith.mulf %parallel_loop3A_428, %parallel_loop3A_500 : vector<16xf32>
        %parallel_loop3A_545 = arith.subf %parallel_loop3A_544, %parallel_loop3A_501 : vector<16xf32>
        %parallel_loop3A_546 = arith.mulf %parallel_loop3A_545, %get3A_144 : vector<16xf32>
        %parallel_loop3A_547 = arith.addf %parallel_loop3A_546, %get3A_160 : vector<16xf32>
        %parallel_loop3A_548 = arith.index_cast %parallel_loop3A_352 : i32 to index
        %parallel_loop3A_549 = arith.constant 96 : index
        %parallel_loop3A_550 = tpu.vector_load %arg8[%parallel_loop3A_548, %parallel_loop3A_549] {strides = array<i32>} : memref<80x128xf32, #tpu.memory_space<vmem>>, vector<16xf32>,
        tpu.vector_store %arg8[%parallel_loop3A_548, %parallel_loop3A_549], %parallel_loop3A_547 {strides = array<i32>} : memref<80x128xf32, #tpu.memory_space<vmem>>, vector<16xf32>,
        %parallel_loop3A_551 = arith.mulf %parallel_loop3A_439, %parallel_loop3A_500 : vector<16xf32>
        %parallel_loop3A_552 = arith.subf %parallel_loop3A_551, %parallel_loop3A_501 : vector<16xf32>
        %parallel_loop3A_553 = arith.mulf %parallel_loop3A_552, %get3A_146 : vector<16xf32>
        %parallel_loop3A_554 = arith.addf %parallel_loop3A_553, %get3A_162 : vector<16xf32>
        %parallel_loop3A_555 = arith.index_cast %parallel_loop3A_352 : i32 to index
        %parallel_loop3A_556 = arith.constant 112 : index
        %parallel_loop3A_557 = tpu.vector_load %arg8[%parallel_loop3A_555, %parallel_loop3A_556] {strides = array<i32>} : memref<80x128xf32, #tpu.memory_space<vmem>>, vector<16xf32>,
        tpu.vector_store %arg8[%parallel_loop3A_555, %parallel_loop3A_556], %parallel_loop3A_554 {strides = array<i32>} : memref<80x128xf32, #tpu.memory_space<vmem>>, vector<16xf32>,
      } {sc.loop_unroll_factor = 2 : i64, sc.parallel_access}
      %sub3A_166 = arith.constant 1 : i32
      %sub3A_167 = arith.subi %add3A_116, %sub3A_166 : i32
      %mul3A_168 = arith.constant 80 : i32
      %mul3A_169 = arith.muli %sub3A_167, %mul3A_168 : i32
      %add3A_170 = arith.addi %mul3A_2, %mul3A_169 : i32
      %dma_wait3A_171 = arith.constant 0 : i32
      %dma_wait3A_172 = tpu.memref_slice %arg6[%add3A_170, %dma_wait3A_171] : memref<204800x128xf32, #tpu.memory_space<hbm>> -> memref<80x128xf32, #tpu.memory_space<hbm>>
      %dma_wait3A_173 = arith.constant 0 : i32
      %dma_wait3A_174 = tpu.memref_slice %arg6[%add3A_170, %dma_wait3A_173] : memref<204800x128xf32, #tpu.memory_space<hbm>> -> memref<80x128xf32, #tpu.memory_space<hbm>>
      tpu.wait_dma2 semaphore(%arg18 : memref<!tpu.dma_semaphore, #tpu.memory_space<semaphore_mem>>) src(%arg7 : memref<80x128xf32, #tpu.memory_space<vmem>>) dst(%dma_wait3A_174 : memref<80x128xf32, #tpu.memory_space<hbm>>)
      %add3A_175 = arith.constant 4 : i32
      %add3A_176 = arith.addi %add3A_116, %add3A_175 : i32
      %sub3A_177 = arith.constant 1 : i32
      %sub3A_178 = arith.subi %add3A_176, %sub3A_177 : i32
      %lt3A_179 = arith.constant 80 : i32
      %lt3A_180 = arith.cmpi slt, %sub3A_178, %lt3A_179 : i32
      %convert_element_type3A_181 = arith.extui %lt3A_180 : i1 to i32
      %cond3A_182 = arith.constant 0 : i32
      %cond3A_183 = arith.cmpi ne, %convert_element_type3A_181, %cond3A_182 : i32
      scf.if %cond3A_183 {
        %add3A_347 = arith.constant 4 : i32
        %add3A_348 = arith.addi %add3A_116, %add3A_347 : i32
        %sub3A_349 = arith.constant 1 : i32
        %sub3A_350 = arith.subi %add3A_348, %sub3A_349 : i32
        %mul3A_351 = arith.constant 2 : i32
        %mul3A_352 = arith.muli %sub3A_350, %mul3A_351 : i32
        %mul3A_353 = arith.constant 80 : i32
        %mul3A_354 = arith.muli %mul3A_352, %mul3A_353 : i32
        %dma_start3A_355 = tpu.memref_slice %arg12[%mul3A_354] : memref<12816xi32, #tpu.memory_space<vmem>> -> memref<80xi32, #tpu.memory_space<vmem>>
        %dma_start3A_356 = arith.constant 0 : i32
        %dma_start3A_357 = arith.constant 0 : i32
        %dma_start3A_358 = tpu.memref_slice %arg3[%dma_start3A_356, %dma_start3A_357] : memref<100000x128xf32, #tpu.memory_space<hbm>> -> memref<100000x128xf32, #tpu.memory_space<hbm>>
        tpu.enqueue_indirect_dma source(%dma_start3A_358 : memref<100000x128xf32, #tpu.memory_space<hbm>>) target(%arg7 : memref<80x128xf32, #tpu.memory_space<vmem>>) offsets(%dma_start3A_355 : memref<80xi32, #tpu.memory_space<vmem>>) semaphore(%arg14 : memref<!tpu.dma_semaphore, #tpu.memory_space<semaphore_mem>>)
      } else {
      }
      %mul3A_184 = arith.constant 80 : i32
      %mul3A_185 = arith.muli %add3A_116, %mul3A_184 : i32
      %add3A_186 = arith.addi %mul3A_2, %mul3A_185 : i32
      %dma_start3A_187 = arith.constant 0 : i32
      %dma_start3A_188 = tpu.memref_slice %arg6[%add3A_186, %dma_start3A_187] : memref<204800x128xf32, #tpu.memory_space<hbm>> -> memref<80x128xf32, #tpu.memory_space<hbm>>
      %dma_start3A_189 = arith.constant 0 : i32
      %dma_start3A_190 = tpu.memref_slice %arg6[%add3A_186, %dma_start3A_189] : memref<204800x128xf32, #tpu.memory_space<hbm>> -> memref<80x128xf32, #tpu.memory_space<hbm>>
      tpu.enqueue_dma source(%arg8 : memref<80x128xf32, #tpu.memory_space<vmem>>) target(%dma_start3A_190 : memref<80x128xf32, #tpu.memory_space<hbm>>) target_semaphore(%arg19 : memref<!tpu.dma_semaphore, #tpu.memory_space<semaphore_mem>>)
      %mul3A_191 = arith.constant 4 : i32
      %mul3A_192 = arith.muli %scan3A_45, %mul3A_191 : i32
      %add3A_193 = arith.constant 2 : i32
      %add3A_194 = arith.addi %mul3A_192, %add3A_193 : i32
      %mul3A_195 = arith.constant 2 : i32
      %mul3A_196 = arith.muli %add3A_194, %mul3A_195 : i32
      %mul3A_197 = arith.constant 80 : i32
      %mul3A_198 = arith.muli %mul3A_196, %mul3A_197 : i32
      %dma_wait3A_199 = tpu.memref_slice %arg12[%mul3A_198] : memref<12816xi32, #tpu.memory_space<vmem>> -> memref<80xi32, #tpu.memory_space<vmem>>
      %dma_wait3A_200 = arith.constant 0 : i32
      %dma_wait3A_201 = arith.constant 0 : i32
      %dma_wait3A_202 = tpu.memref_slice %arg3[%dma_wait3A_200, %dma_wait3A_201] : memref<100000x128xf32, #tpu.memory_space<hbm>> -> memref<100000x128xf32, #tpu.memory_space<hbm>>
      tpu.wait_indirect_dma semaphore(%arg16 : memref<!tpu.dma_semaphore, #tpu.memory_space<semaphore_mem>>) src(%dma_wait3A_202 : memref<100000x128xf32, #tpu.memory_space<hbm>>) dst(%arg9 : memref<80x128xf32, #tpu.memory_space<vmem>>)
      %mul3A_203 = arith.constant 2 : i32
      %mul3A_204 = arith.muli %add3A_194, %mul3A_203 : i32
      %mul3A_205 = arith.constant 80 : i32
      %mul3A_206 = arith.muli %mul3A_204, %mul3A_205 : i32
      %add3A_207 = arith.constant 80 : i32
      %add3A_208 = arith.addi %mul3A_206, %add3A_207 : i32
      %get3A_209 = arith.constant 0 : index
      %get3A_210 = tpu.vector_load %arg13[%get3A_209] {strides = array<i32>} : memref<256xf32, #tpu.memory_space<vmem>>, vector<16xf32>,
      %get3A_211 = arith.constant 16 : index
      %get3A_212 = tpu.vector_load %arg13[%get3A_211] {strides = array<i32>} : memref<256xf32, #tpu.memory_space<vmem>>, vector<16xf32>,
      %get3A_213 = arith.constant 32 : index
      %get3A_214 = tpu.vector_load %arg13[%get3A_213] {strides = array<i32>} : memref<256xf32, #tpu.memory_space<vmem>>, vector<16xf32>,
      %get3A_215 = arith.constant 48 : index
      %get3A_216 = tpu.vector_load %arg13[%get3A_215] {strides = array<i32>} : memref<256xf32, #tpu.memory_space<vmem>>, vector<16xf32>,
      %get3A_217 = arith.constant 64 : index
      %get3A_218 = tpu.vector_load %arg13[%get3A_217] {strides = array<i32>} : memref<256xf32, #tpu.memory_space<vmem>>, vector<16xf32>,
      %get3A_219 = arith.constant 80 : index
      %get3A_220 = tpu.vector_load %arg13[%get3A_219] {strides = array<i32>} : memref<256xf32, #tpu.memory_space<vmem>>, vector<16xf32>,
      %get3A_221 = arith.constant 96 : index
      %get3A_222 = tpu.vector_load %arg13[%get3A_221] {strides = array<i32>} : memref<256xf32, #tpu.memory_space<vmem>>, vector<16xf32>,
      %get3A_223 = arith.constant 112 : index
      %get3A_224 = tpu.vector_load %arg13[%get3A_223] {strides = array<i32>} : memref<256xf32, #tpu.memory_space<vmem>>, vector<16xf32>,
      %get3A_225 = arith.constant 128 : index
      %get3A_226 = tpu.vector_load %arg13[%get3A_225] {strides = array<i32>} : memref<256xf32, #tpu.memory_space<vmem>>, vector<16xf32>,
      %get3A_227 = arith.constant 144 : index
      %get3A_228 = tpu.vector_load %arg13[%get3A_227] {strides = array<i32>} : memref<256xf32, #tpu.memory_space<vmem>>, vector<16xf32>,
      %get3A_229 = arith.constant 160 : index
      %get3A_230 = tpu.vector_load %arg13[%get3A_229] {strides = array<i32>} : memref<256xf32, #tpu.memory_space<vmem>>, vector<16xf32>,
      %get3A_231 = arith.constant 176 : index
      %get3A_232 = tpu.vector_load %arg13[%get3A_231] {strides = array<i32>} : memref<256xf32, #tpu.memory_space<vmem>>, vector<16xf32>,
      %get3A_233 = arith.constant 192 : index
      %get3A_234 = tpu.vector_load %arg13[%get3A_233] {strides = array<i32>} : memref<256xf32, #tpu.memory_space<vmem>>, vector<16xf32>,
      %get3A_235 = arith.constant 208 : index
      %get3A_236 = tpu.vector_load %arg13[%get3A_235] {strides = array<i32>} : memref<256xf32, #tpu.memory_space<vmem>>, vector<16xf32>,
      %get3A_237 = arith.constant 224 : index
      %get3A_238 = tpu.vector_load %arg13[%get3A_237] {strides = array<i32>} : memref<256xf32, #tpu.memory_space<vmem>>, vector<16xf32>,
      %get3A_239 = arith.constant 240 : index
      %get3A_240 = tpu.vector_load %arg13[%get3A_239] {strides = array<i32>} : memref<256xf32, #tpu.memory_space<vmem>>, vector<16xf32>,
      %parallel_loop3A_241 = arith.constant 0 : i32
      %parallel_loop3A_242 = arith.constant 80 : i32
      %parallel_loop3A_243 = arith.constant 1 : i32
      scf.for %parallel_loop3A_347 = %parallel_loop3A_241 to %parallel_loop3A_242 step %parallel_loop3A_243  : i32 {
        %parallel_loop3A_348 = arith.addi %add3A_208, %parallel_loop3A_347 : i32
        %parallel_loop3A_349 = arith.index_cast %parallel_loop3A_348 : i32 to index
        %parallel_loop3A_350 = tpu.vector_load %arg12[%parallel_loop3A_349] {strides = array<i32>} : memref<12816xi32, #tpu.memory_space<vmem>>, vector<16xi32>,
        %parallel_loop3A_351 = arith.constant 0 : i32
        %parallel_loop3A_352 = arith.addi %parallel_loop3A_347, %parallel_loop3A_351 : i32
        %parallel_loop3A_353 = vector.extract_strided_slice %parallel_loop3A_350 {offsets = [0], sizes = [1], strides = [1]} : vector<16xi32> to vector<1xi32>
        %parallel_loop3A_354 = vector.extract %parallel_loop3A_353[0] : i32 from vector<1xi32>
        %parallel_loop3A_355 = arith.constant 128 : i32
        %parallel_loop3A_356 = arith.muli %parallel_loop3A_354, %parallel_loop3A_355 : i32
        %parallel_loop3A_357 = arith.index_cast %parallel_loop3A_352 : i32 to index
        %parallel_loop3A_358 = arith.constant 0 : index
        %parallel_loop3A_359 = tpu.vector_load %arg9[%parallel_loop3A_357, %parallel_loop3A_358] {strides = array<i32>} : memref<80x128xf32, #tpu.memory_space<vmem>>, vector<16xf32>,
        %parallel_loop3A_360 = arith.constant 0 : i32
        %parallel_loop3A_361 = arith.addi %parallel_loop3A_356, %parallel_loop3A_360 : i32
        %parallel_loop3A_362 = arith.index_cast %parallel_loop3A_361 : i32 to index
        %parallel_loop3A_363 = tpu.vector_load %arg11[%parallel_loop3A_362] {strides = array<i32>} : memref<76800xf32, #tpu.memory_space<vmem>>, vector<16xf32>,
        %parallel_loop3A_364 = arith.addf %parallel_loop3A_359, %parallel_loop3A_363 : vector<16xf32>
        %parallel_loop3A_365 = arith.mulf %parallel_loop3A_364, %parallel_loop3A_364 : vector<16xf32>
        %parallel_loop3A_366 = arith.index_cast %parallel_loop3A_352 : i32 to index
        %parallel_loop3A_367 = arith.constant 16 : index
        %parallel_loop3A_368 = tpu.vector_load %arg9[%parallel_loop3A_366, %parallel_loop3A_367] {strides = array<i32>} : memref<80x128xf32, #tpu.memory_space<vmem>>, vector<16xf32>,
        %parallel_loop3A_369 = arith.constant 16 : i32
        %parallel_loop3A_370 = arith.addi %parallel_loop3A_356, %parallel_loop3A_369 : i32
        %parallel_loop3A_371 = arith.index_cast %parallel_loop3A_370 : i32 to index
        %parallel_loop3A_372 = tpu.vector_load %arg11[%parallel_loop3A_371] {strides = array<i32>} : memref<76800xf32, #tpu.memory_space<vmem>>, vector<16xf32>,
        %parallel_loop3A_373 = arith.addf %parallel_loop3A_368, %parallel_loop3A_372 : vector<16xf32>
        %parallel_loop3A_374 = arith.addf %parallel_loop3A_364, %parallel_loop3A_373 : vector<16xf32>
        %parallel_loop3A_375 = arith.mulf %parallel_loop3A_373, %parallel_loop3A_373 : vector<16xf32>
        %parallel_loop3A_376 = arith.addf %parallel_loop3A_365, %parallel_loop3A_375 : vector<16xf32>
        %parallel_loop3A_377 = arith.index_cast %parallel_loop3A_352 : i32 to index
        %parallel_loop3A_378 = arith.constant 32 : index
        %parallel_loop3A_379 = tpu.vector_load %arg9[%parallel_loop3A_377, %parallel_loop3A_378] {strides = array<i32>} : memref<80x128xf32, #tpu.memory_space<vmem>>, vector<16xf32>,
        %parallel_loop3A_380 = arith.constant 32 : i32
        %parallel_loop3A_381 = arith.addi %parallel_loop3A_356, %parallel_loop3A_380 : i32
        %parallel_loop3A_382 = arith.index_cast %parallel_loop3A_381 : i32 to index
        %parallel_loop3A_383 = tpu.vector_load %arg11[%parallel_loop3A_382] {strides = array<i32>} : memref<76800xf32, #tpu.memory_space<vmem>>, vector<16xf32>,
        %parallel_loop3A_384 = arith.addf %parallel_loop3A_379, %parallel_loop3A_383 : vector<16xf32>
        %parallel_loop3A_385 = arith.addf %parallel_loop3A_374, %parallel_loop3A_384 : vector<16xf32>
        %parallel_loop3A_386 = arith.mulf %parallel_loop3A_384, %parallel_loop3A_384 : vector<16xf32>
        %parallel_loop3A_387 = arith.addf %parallel_loop3A_376, %parallel_loop3A_386 : vector<16xf32>
        %parallel_loop3A_388 = arith.index_cast %parallel_loop3A_352 : i32 to index
        %parallel_loop3A_389 = arith.constant 48 : index
        %parallel_loop3A_390 = tpu.vector_load %arg9[%parallel_loop3A_388, %parallel_loop3A_389] {strides = array<i32>} : memref<80x128xf32, #tpu.memory_space<vmem>>, vector<16xf32>,
        %parallel_loop3A_391 = arith.constant 48 : i32
        %parallel_loop3A_392 = arith.addi %parallel_loop3A_356, %parallel_loop3A_391 : i32
        %parallel_loop3A_393 = arith.index_cast %parallel_loop3A_392 : i32 to index
        %parallel_loop3A_394 = tpu.vector_load %arg11[%parallel_loop3A_393] {strides = array<i32>} : memref<76800xf32, #tpu.memory_space<vmem>>, vector<16xf32>,
        %parallel_loop3A_395 = arith.addf %parallel_loop3A_390, %parallel_loop3A_394 : vector<16xf32>
        %parallel_loop3A_396 = arith.addf %parallel_loop3A_385, %parallel_loop3A_395 : vector<16xf32>
        %parallel_loop3A_397 = arith.mulf %parallel_loop3A_395, %parallel_loop3A_395 : vector<16xf32>
        %parallel_loop3A_398 = arith.addf %parallel_loop3A_387, %parallel_loop3A_397 : vector<16xf32>
        %parallel_loop3A_399 = arith.index_cast %parallel_loop3A_352 : i32 to index
        %parallel_loop3A_400 = arith.constant 64 : index
        %parallel_loop3A_401 = tpu.vector_load %arg9[%parallel_loop3A_399, %parallel_loop3A_400] {strides = array<i32>} : memref<80x128xf32, #tpu.memory_space<vmem>>, vector<16xf32>,
        %parallel_loop3A_402 = arith.constant 64 : i32
        %parallel_loop3A_403 = arith.addi %parallel_loop3A_356, %parallel_loop3A_402 : i32
        %parallel_loop3A_404 = arith.index_cast %parallel_loop3A_403 : i32 to index
        %parallel_loop3A_405 = tpu.vector_load %arg11[%parallel_loop3A_404] {strides = array<i32>} : memref<76800xf32, #tpu.memory_space<vmem>>, vector<16xf32>,
        %parallel_loop3A_406 = arith.addf %parallel_loop3A_401, %parallel_loop3A_405 : vector<16xf32>
        %parallel_loop3A_407 = arith.addf %parallel_loop3A_396, %parallel_loop3A_406 : vector<16xf32>
        %parallel_loop3A_408 = arith.mulf %parallel_loop3A_406, %parallel_loop3A_406 : vector<16xf32>
        %parallel_loop3A_409 = arith.addf %parallel_loop3A_398, %parallel_loop3A_408 : vector<16xf32>
        %parallel_loop3A_410 = arith.index_cast %parallel_loop3A_352 : i32 to index
        %parallel_loop3A_411 = arith.constant 80 : index
        %parallel_loop3A_412 = tpu.vector_load %arg9[%parallel_loop3A_410, %parallel_loop3A_411] {strides = array<i32>} : memref<80x128xf32, #tpu.memory_space<vmem>>, vector<16xf32>,
        %parallel_loop3A_413 = arith.constant 80 : i32
        %parallel_loop3A_414 = arith.addi %parallel_loop3A_356, %parallel_loop3A_413 : i32
        %parallel_loop3A_415 = arith.index_cast %parallel_loop3A_414 : i32 to index
        %parallel_loop3A_416 = tpu.vector_load %arg11[%parallel_loop3A_415] {strides = array<i32>} : memref<76800xf32, #tpu.memory_space<vmem>>, vector<16xf32>,
        %parallel_loop3A_417 = arith.addf %parallel_loop3A_412, %parallel_loop3A_416 : vector<16xf32>
        %parallel_loop3A_418 = arith.addf %parallel_loop3A_407, %parallel_loop3A_417 : vector<16xf32>
        %parallel_loop3A_419 = arith.mulf %parallel_loop3A_417, %parallel_loop3A_417 : vector<16xf32>
        %parallel_loop3A_420 = arith.addf %parallel_loop3A_409, %parallel_loop3A_419 : vector<16xf32>
        %parallel_loop3A_421 = arith.index_cast %parallel_loop3A_352 : i32 to index
        %parallel_loop3A_422 = arith.constant 96 : index
        %parallel_loop3A_423 = tpu.vector_load %arg9[%parallel_loop3A_421, %parallel_loop3A_422] {strides = array<i32>} : memref<80x128xf32, #tpu.memory_space<vmem>>, vector<16xf32>,
        %parallel_loop3A_424 = arith.constant 96 : i32
        %parallel_loop3A_425 = arith.addi %parallel_loop3A_356, %parallel_loop3A_424 : i32
        %parallel_loop3A_426 = arith.index_cast %parallel_loop3A_425 : i32 to index
        %parallel_loop3A_427 = tpu.vector_load %arg11[%parallel_loop3A_426] {strides = array<i32>} : memref<76800xf32, #tpu.memory_space<vmem>>, vector<16xf32>,
        %parallel_loop3A_428 = arith.addf %parallel_loop3A_423, %parallel_loop3A_427 : vector<16xf32>
        %parallel_loop3A_429 = arith.addf %parallel_loop3A_418, %parallel_loop3A_428 : vector<16xf32>
        %parallel_loop3A_430 = arith.mulf %parallel_loop3A_428, %parallel_loop3A_428 : vector<16xf32>
        %parallel_loop3A_431 = arith.addf %parallel_loop3A_420, %parallel_loop3A_430 : vector<16xf32>
        %parallel_loop3A_432 = arith.index_cast %parallel_loop3A_352 : i32 to index
        %parallel_loop3A_433 = arith.constant 112 : index
        %parallel_loop3A_434 = tpu.vector_load %arg9[%parallel_loop3A_432, %parallel_loop3A_433] {strides = array<i32>} : memref<80x128xf32, #tpu.memory_space<vmem>>, vector<16xf32>,
        %parallel_loop3A_435 = arith.constant 112 : i32
        %parallel_loop3A_436 = arith.addi %parallel_loop3A_356, %parallel_loop3A_435 : i32
        %parallel_loop3A_437 = arith.index_cast %parallel_loop3A_436 : i32 to index
        %parallel_loop3A_438 = tpu.vector_load %arg11[%parallel_loop3A_437] {strides = array<i32>} : memref<76800xf32, #tpu.memory_space<vmem>>, vector<16xf32>,
        %parallel_loop3A_439 = arith.addf %parallel_loop3A_434, %parallel_loop3A_438 : vector<16xf32>
        %parallel_loop3A_440 = arith.addf %parallel_loop3A_429, %parallel_loop3A_439 : vector<16xf32>
        %parallel_loop3A_441 = arith.mulf %parallel_loop3A_439, %parallel_loop3A_439 : vector<16xf32>
        %parallel_loop3A_442 = arith.addf %parallel_loop3A_431, %parallel_loop3A_441 : vector<16xf32>
        %parallel_loop3A_443 = arith.constant true
        %parallel_loop3A_444 = vector.broadcast %parallel_loop3A_443 : i1 to vector<16xi1>
        %parallel_loop3A_445 = tpu.scan <sum>, %parallel_loop3A_440 masked %parallel_loop3A_444 : vector<16xf32>, vector<16xi1> -> vector<16xf32>
        %parallel_loop3A_446 = arith.constant 15 : i32
        %parallel_loop3A_447 = vector.broadcast %parallel_loop3A_446 : i32 to vector<16xi32>
        %parallel_loop3A_448 = arith.constant 0 : i32
        %parallel_loop3A_449 = vector.broadcast %parallel_loop3A_448 : i32 to vector<16xi32>
        %parallel_loop3A_450 = arith.cmpi slt, %parallel_loop3A_447, %parallel_loop3A_449 : vector<16xi32>
        %parallel_loop3A_451 = arith.constant 16 : i32
        %parallel_loop3A_452 = vector.broadcast %parallel_loop3A_451 : i32 to vector<16xi32>
        %parallel_loop3A_453 = arith.addi %parallel_loop3A_447, %parallel_loop3A_452 : vector<16xi32>
        %parallel_loop3A_454 = arith.select %parallel_loop3A_450, %parallel_loop3A_453, %parallel_loop3A_447 : vector<16xi1>, vector<16xi32>
        %parallel_loop3A_455 = vector.shape_cast %parallel_loop3A_454 : vector<16xi32> to vector<16x1xi32>
        %parallel_loop3A_456 = vector.shape_cast %parallel_loop3A_455 : vector<16x1xi32> to vector<16xi32>
        %parallel_loop3A_457 = tpu.dynamic_gather %parallel_loop3A_445[%parallel_loop3A_456] in [0] : vector<16xf32>, vector<16xi32> -> vector<16xf32>
        %parallel_loop3A_458 = arith.constant 7.812500e-03 : f32
        %parallel_loop3A_459 = vector.broadcast %parallel_loop3A_458 : f32 to vector<16xf32>
        %parallel_loop3A_460 = arith.mulf %parallel_loop3A_457, %parallel_loop3A_459 : vector<16xf32>
        %parallel_loop3A_461 = arith.constant true
        %parallel_loop3A_462 = vector.broadcast %parallel_loop3A_461 : i1 to vector<16xi1>
        %parallel_loop3A_463 = tpu.scan <sum>, %parallel_loop3A_442 masked %parallel_loop3A_462 : vector<16xf32>, vector<16xi1> -> vector<16xf32>
        %parallel_loop3A_464 = arith.constant 15 : i32
        %parallel_loop3A_465 = vector.broadcast %parallel_loop3A_464 : i32 to vector<16xi32>
        %parallel_loop3A_466 = arith.constant 0 : i32
        %parallel_loop3A_467 = vector.broadcast %parallel_loop3A_466 : i32 to vector<16xi32>
        %parallel_loop3A_468 = arith.cmpi slt, %parallel_loop3A_465, %parallel_loop3A_467 : vector<16xi32>
        %parallel_loop3A_469 = arith.constant 16 : i32
        %parallel_loop3A_470 = vector.broadcast %parallel_loop3A_469 : i32 to vector<16xi32>
        %parallel_loop3A_471 = arith.addi %parallel_loop3A_465, %parallel_loop3A_470 : vector<16xi32>
        %parallel_loop3A_472 = arith.select %parallel_loop3A_468, %parallel_loop3A_471, %parallel_loop3A_465 : vector<16xi1>, vector<16xi32>
        %parallel_loop3A_473 = vector.shape_cast %parallel_loop3A_472 : vector<16xi32> to vector<16x1xi32>
        %parallel_loop3A_474 = vector.shape_cast %parallel_loop3A_473 : vector<16x1xi32> to vector<16xi32>
        %parallel_loop3A_475 = tpu.dynamic_gather %parallel_loop3A_463[%parallel_loop3A_474] in [0] : vector<16xf32>, vector<16xi32> -> vector<16xf32>
        %parallel_loop3A_476 = arith.constant 7.812500e-03 : f32
        %parallel_loop3A_477 = vector.broadcast %parallel_loop3A_476 : f32 to vector<16xf32>
        %parallel_loop3A_478 = arith.mulf %parallel_loop3A_475, %parallel_loop3A_477 : vector<16xf32>
        %parallel_loop3A_479 = arith.mulf %parallel_loop3A_460, %parallel_loop3A_460 : vector<16xf32>
        %parallel_loop3A_480 = arith.subf %parallel_loop3A_478, %parallel_loop3A_479 : vector<16xf32>
        %parallel_loop3A_481 = arith.constant 9.99999997E-7 : f32
        %parallel_loop3A_482 = vector.broadcast %parallel_loop3A_481 : f32 to vector<16xf32>
        %parallel_loop3A_483 = arith.addf %parallel_loop3A_480, %parallel_loop3A_482 : vector<16xf32>
        %parallel_loop3A_484 = tpu.bitcast %parallel_loop3A_483 : vector<16xf32> -> vector<16xi32>
        %parallel_loop3A_485 = arith.constant 1597463007 : i32
        %parallel_loop3A_486 = vector.broadcast %parallel_loop3A_485 : i32 to vector<16xi32>
        %parallel_loop3A_487 = arith.constant 1 : i32
        %parallel_loop3A_488 = vector.broadcast %parallel_loop3A_487 : i32 to vector<16xi32>
        %parallel_loop3A_489 = arith.shrsi %parallel_loop3A_484, %parallel_loop3A_488 : vector<16xi32>
        %parallel_loop3A_490 = arith.subi %parallel_loop3A_486, %parallel_loop3A_489 : vector<16xi32>
        %parallel_loop3A_491 = tpu.bitcast %parallel_loop3A_490 : vector<16xi32> -> vector<16xf32>
        %parallel_loop3A_492 = arith.constant 5.000000e-01 : f32
        %parallel_loop3A_493 = vector.broadcast %parallel_loop3A_492 : f32 to vector<16xf32>
        %parallel_loop3A_494 = arith.mulf %parallel_loop3A_493, %parallel_loop3A_483 : vector<16xf32>
        %parallel_loop3A_495 = arith.mulf %parallel_loop3A_494, %parallel_loop3A_491 : vector<16xf32>
        %parallel_loop3A_496 = arith.mulf %parallel_loop3A_495, %parallel_loop3A_491 : vector<16xf32>
        %parallel_loop3A_497 = arith.constant 1.500000e+00 : f32
        %parallel_loop3A_498 = vector.broadcast %parallel_loop3A_497 : f32 to vector<16xf32>
        %parallel_loop3A_499 = arith.subf %parallel_loop3A_498, %parallel_loop3A_496 : vector<16xf32>
        %parallel_loop3A_500 = arith.mulf %parallel_loop3A_491, %parallel_loop3A_499 : vector<16xf32>
        %parallel_loop3A_501 = arith.mulf %parallel_loop3A_460, %parallel_loop3A_500 : vector<16xf32>
        %parallel_loop3A_502 = arith.mulf %parallel_loop3A_364, %parallel_loop3A_500 : vector<16xf32>
        %parallel_loop3A_503 = arith.subf %parallel_loop3A_502, %parallel_loop3A_501 : vector<16xf32>
        %parallel_loop3A_504 = arith.mulf %parallel_loop3A_503, %get3A_210 : vector<16xf32>
        %parallel_loop3A_505 = arith.addf %parallel_loop3A_504, %get3A_226 : vector<16xf32>
        %parallel_loop3A_506 = arith.index_cast %parallel_loop3A_352 : i32 to index
        %parallel_loop3A_507 = arith.constant 0 : index
        %parallel_loop3A_508 = tpu.vector_load %arg9[%parallel_loop3A_506, %parallel_loop3A_507] {strides = array<i32>} : memref<80x128xf32, #tpu.memory_space<vmem>>, vector<16xf32>,
        tpu.vector_store %arg9[%parallel_loop3A_506, %parallel_loop3A_507], %parallel_loop3A_505 {strides = array<i32>} : memref<80x128xf32, #tpu.memory_space<vmem>>, vector<16xf32>,
        %parallel_loop3A_509 = arith.mulf %parallel_loop3A_373, %parallel_loop3A_500 : vector<16xf32>
        %parallel_loop3A_510 = arith.subf %parallel_loop3A_509, %parallel_loop3A_501 : vector<16xf32>
        %parallel_loop3A_511 = arith.mulf %parallel_loop3A_510, %get3A_212 : vector<16xf32>
        %parallel_loop3A_512 = arith.addf %parallel_loop3A_511, %get3A_228 : vector<16xf32>
        %parallel_loop3A_513 = arith.index_cast %parallel_loop3A_352 : i32 to index
        %parallel_loop3A_514 = arith.constant 16 : index
        %parallel_loop3A_515 = tpu.vector_load %arg9[%parallel_loop3A_513, %parallel_loop3A_514] {strides = array<i32>} : memref<80x128xf32, #tpu.memory_space<vmem>>, vector<16xf32>,
        tpu.vector_store %arg9[%parallel_loop3A_513, %parallel_loop3A_514], %parallel_loop3A_512 {strides = array<i32>} : memref<80x128xf32, #tpu.memory_space<vmem>>, vector<16xf32>,
        %parallel_loop3A_516 = arith.mulf %parallel_loop3A_384, %parallel_loop3A_500 : vector<16xf32>
        %parallel_loop3A_517 = arith.subf %parallel_loop3A_516, %parallel_loop3A_501 : vector<16xf32>
        %parallel_loop3A_518 = arith.mulf %parallel_loop3A_517, %get3A_214 : vector<16xf32>
        %parallel_loop3A_519 = arith.addf %parallel_loop3A_518, %get3A_230 : vector<16xf32>
        %parallel_loop3A_520 = arith.index_cast %parallel_loop3A_352 : i32 to index
        %parallel_loop3A_521 = arith.constant 32 : index
        %parallel_loop3A_522 = tpu.vector_load %arg9[%parallel_loop3A_520, %parallel_loop3A_521] {strides = array<i32>} : memref<80x128xf32, #tpu.memory_space<vmem>>, vector<16xf32>,
        tpu.vector_store %arg9[%parallel_loop3A_520, %parallel_loop3A_521], %parallel_loop3A_519 {strides = array<i32>} : memref<80x128xf32, #tpu.memory_space<vmem>>, vector<16xf32>,
        %parallel_loop3A_523 = arith.mulf %parallel_loop3A_395, %parallel_loop3A_500 : vector<16xf32>
        %parallel_loop3A_524 = arith.subf %parallel_loop3A_523, %parallel_loop3A_501 : vector<16xf32>
        %parallel_loop3A_525 = arith.mulf %parallel_loop3A_524, %get3A_216 : vector<16xf32>
        %parallel_loop3A_526 = arith.addf %parallel_loop3A_525, %get3A_232 : vector<16xf32>
        %parallel_loop3A_527 = arith.index_cast %parallel_loop3A_352 : i32 to index
        %parallel_loop3A_528 = arith.constant 48 : index
        %parallel_loop3A_529 = tpu.vector_load %arg9[%parallel_loop3A_527, %parallel_loop3A_528] {strides = array<i32>} : memref<80x128xf32, #tpu.memory_space<vmem>>, vector<16xf32>,
        tpu.vector_store %arg9[%parallel_loop3A_527, %parallel_loop3A_528], %parallel_loop3A_526 {strides = array<i32>} : memref<80x128xf32, #tpu.memory_space<vmem>>, vector<16xf32>,
        %parallel_loop3A_530 = arith.mulf %parallel_loop3A_406, %parallel_loop3A_500 : vector<16xf32>
        %parallel_loop3A_531 = arith.subf %parallel_loop3A_530, %parallel_loop3A_501 : vector<16xf32>
        %parallel_loop3A_532 = arith.mulf %parallel_loop3A_531, %get3A_218 : vector<16xf32>
        %parallel_loop3A_533 = arith.addf %parallel_loop3A_532, %get3A_234 : vector<16xf32>
        %parallel_loop3A_534 = arith.index_cast %parallel_loop3A_352 : i32 to index
        %parallel_loop3A_535 = arith.constant 64 : index
        %parallel_loop3A_536 = tpu.vector_load %arg9[%parallel_loop3A_534, %parallel_loop3A_535] {strides = array<i32>} : memref<80x128xf32, #tpu.memory_space<vmem>>, vector<16xf32>,
        tpu.vector_store %arg9[%parallel_loop3A_534, %parallel_loop3A_535], %parallel_loop3A_533 {strides = array<i32>} : memref<80x128xf32, #tpu.memory_space<vmem>>, vector<16xf32>,
        %parallel_loop3A_537 = arith.mulf %parallel_loop3A_417, %parallel_loop3A_500 : vector<16xf32>
        %parallel_loop3A_538 = arith.subf %parallel_loop3A_537, %parallel_loop3A_501 : vector<16xf32>
        %parallel_loop3A_539 = arith.mulf %parallel_loop3A_538, %get3A_220 : vector<16xf32>
        %parallel_loop3A_540 = arith.addf %parallel_loop3A_539, %get3A_236 : vector<16xf32>
        %parallel_loop3A_541 = arith.index_cast %parallel_loop3A_352 : i32 to index
        %parallel_loop3A_542 = arith.constant 80 : index
        %parallel_loop3A_543 = tpu.vector_load %arg9[%parallel_loop3A_541, %parallel_loop3A_542] {strides = array<i32>} : memref<80x128xf32, #tpu.memory_space<vmem>>, vector<16xf32>,
        tpu.vector_store %arg9[%parallel_loop3A_541, %parallel_loop3A_542], %parallel_loop3A_540 {strides = array<i32>} : memref<80x128xf32, #tpu.memory_space<vmem>>, vector<16xf32>,
        %parallel_loop3A_544 = arith.mulf %parallel_loop3A_428, %parallel_loop3A_500 : vector<16xf32>
        %parallel_loop3A_545 = arith.subf %parallel_loop3A_544, %parallel_loop3A_501 : vector<16xf32>
        %parallel_loop3A_546 = arith.mulf %parallel_loop3A_545, %get3A_222 : vector<16xf32>
        %parallel_loop3A_547 = arith.addf %parallel_loop3A_546, %get3A_238 : vector<16xf32>
        %parallel_loop3A_548 = arith.index_cast %parallel_loop3A_352 : i32 to index
        %parallel_loop3A_549 = arith.constant 96 : index
        %parallel_loop3A_550 = tpu.vector_load %arg9[%parallel_loop3A_548, %parallel_loop3A_549] {strides = array<i32>} : memref<80x128xf32, #tpu.memory_space<vmem>>, vector<16xf32>,
        tpu.vector_store %arg9[%parallel_loop3A_548, %parallel_loop3A_549], %parallel_loop3A_547 {strides = array<i32>} : memref<80x128xf32, #tpu.memory_space<vmem>>, vector<16xf32>,
        %parallel_loop3A_551 = arith.mulf %parallel_loop3A_439, %parallel_loop3A_500 : vector<16xf32>
        %parallel_loop3A_552 = arith.subf %parallel_loop3A_551, %parallel_loop3A_501 : vector<16xf32>
        %parallel_loop3A_553 = arith.mulf %parallel_loop3A_552, %get3A_224 : vector<16xf32>
        %parallel_loop3A_554 = arith.addf %parallel_loop3A_553, %get3A_240 : vector<16xf32>
        %parallel_loop3A_555 = arith.index_cast %parallel_loop3A_352 : i32 to index
        %parallel_loop3A_556 = arith.constant 112 : index
        %parallel_loop3A_557 = tpu.vector_load %arg9[%parallel_loop3A_555, %parallel_loop3A_556] {strides = array<i32>} : memref<80x128xf32, #tpu.memory_space<vmem>>, vector<16xf32>,
        tpu.vector_store %arg9[%parallel_loop3A_555, %parallel_loop3A_556], %parallel_loop3A_554 {strides = array<i32>} : memref<80x128xf32, #tpu.memory_space<vmem>>, vector<16xf32>,
      } {sc.loop_unroll_factor = 2 : i64, sc.parallel_access}
      %sub3A_244 = arith.constant 1 : i32
      %sub3A_245 = arith.subi %add3A_194, %sub3A_244 : i32
      %mul3A_246 = arith.constant 80 : i32
      %mul3A_247 = arith.muli %sub3A_245, %mul3A_246 : i32
      %add3A_248 = arith.addi %mul3A_2, %mul3A_247 : i32
      %dma_wait3A_249 = arith.constant 0 : i32
      %dma_wait3A_250 = tpu.memref_slice %arg6[%add3A_248, %dma_wait3A_249] : memref<204800x128xf32, #tpu.memory_space<hbm>> -> memref<80x128xf32, #tpu.memory_space<hbm>>
      %dma_wait3A_251 = arith.constant 0 : i32
      %dma_wait3A_252 = tpu.memref_slice %arg6[%add3A_248, %dma_wait3A_251] : memref<204800x128xf32, #tpu.memory_space<hbm>> -> memref<80x128xf32, #tpu.memory_space<hbm>>
      tpu.wait_dma2 semaphore(%arg19 : memref<!tpu.dma_semaphore, #tpu.memory_space<semaphore_mem>>) src(%arg8 : memref<80x128xf32, #tpu.memory_space<vmem>>) dst(%dma_wait3A_252 : memref<80x128xf32, #tpu.memory_space<hbm>>)
      %add3A_253 = arith.constant 4 : i32
      %add3A_254 = arith.addi %add3A_194, %add3A_253 : i32
      %sub3A_255 = arith.constant 1 : i32
      %sub3A_256 = arith.subi %add3A_254, %sub3A_255 : i32
      %lt3A_257 = arith.constant 80 : i32
      %lt3A_258 = arith.cmpi slt, %sub3A_256, %lt3A_257 : i32
      %convert_element_type3A_259 = arith.extui %lt3A_258 : i1 to i32
      %cond3A_260 = arith.constant 0 : i32
      %cond3A_261 = arith.cmpi ne, %convert_element_type3A_259, %cond3A_260 : i32
      scf.if %cond3A_261 {
        %add3A_347 = arith.constant 4 : i32
        %add3A_348 = arith.addi %add3A_194, %add3A_347 : i32
        %sub3A_349 = arith.constant 1 : i32
        %sub3A_350 = arith.subi %add3A_348, %sub3A_349 : i32
        %mul3A_351 = arith.constant 2 : i32
        %mul3A_352 = arith.muli %sub3A_350, %mul3A_351 : i32
        %mul3A_353 = arith.constant 80 : i32
        %mul3A_354 = arith.muli %mul3A_352, %mul3A_353 : i32
        %dma_start3A_355 = tpu.memref_slice %arg12[%mul3A_354] : memref<12816xi32, #tpu.memory_space<vmem>> -> memref<80xi32, #tpu.memory_space<vmem>>
        %dma_start3A_356 = arith.constant 0 : i32
        %dma_start3A_357 = arith.constant 0 : i32
        %dma_start3A_358 = tpu.memref_slice %arg3[%dma_start3A_356, %dma_start3A_357] : memref<100000x128xf32, #tpu.memory_space<hbm>> -> memref<100000x128xf32, #tpu.memory_space<hbm>>
        tpu.enqueue_indirect_dma source(%dma_start3A_358 : memref<100000x128xf32, #tpu.memory_space<hbm>>) target(%arg8 : memref<80x128xf32, #tpu.memory_space<vmem>>) offsets(%dma_start3A_355 : memref<80xi32, #tpu.memory_space<vmem>>) semaphore(%arg15 : memref<!tpu.dma_semaphore, #tpu.memory_space<semaphore_mem>>)
      } else {
      }
      %mul3A_262 = arith.constant 80 : i32
      %mul3A_263 = arith.muli %add3A_194, %mul3A_262 : i32
      %add3A_264 = arith.addi %mul3A_2, %mul3A_263 : i32
      %dma_start3A_265 = arith.constant 0 : i32
      %dma_start3A_266 = tpu.memref_slice %arg6[%add3A_264, %dma_start3A_265] : memref<204800x128xf32, #tpu.memory_space<hbm>> -> memref<80x128xf32, #tpu.memory_space<hbm>>
      %dma_start3A_267 = arith.constant 0 : i32
      %dma_start3A_268 = tpu.memref_slice %arg6[%add3A_264, %dma_start3A_267] : memref<204800x128xf32, #tpu.memory_space<hbm>> -> memref<80x128xf32, #tpu.memory_space<hbm>>
      tpu.enqueue_dma source(%arg9 : memref<80x128xf32, #tpu.memory_space<vmem>>) target(%dma_start3A_268 : memref<80x128xf32, #tpu.memory_space<hbm>>) target_semaphore(%arg20 : memref<!tpu.dma_semaphore, #tpu.memory_space<semaphore_mem>>)
      %mul3A_269 = arith.constant 4 : i32
      %mul3A_270 = arith.muli %scan3A_45, %mul3A_269 : i32
      %add3A_271 = arith.constant 3 : i32
      %add3A_272 = arith.addi %mul3A_270, %add3A_271 : i32
      %mul3A_273 = arith.constant 2 : i32
      %mul3A_274 = arith.muli %add3A_272, %mul3A_273 : i32
      %mul3A_275 = arith.constant 80 : i32
      %mul3A_276 = arith.muli %mul3A_274, %mul3A_275 : i32
      %dma_wait3A_277 = tpu.memref_slice %arg12[%mul3A_276] : memref<12816xi32, #tpu.memory_space<vmem>> -> memref<80xi32, #tpu.memory_space<vmem>>
      %dma_wait3A_278 = arith.constant 0 : i32
      %dma_wait3A_279 = arith.constant 0 : i32
      %dma_wait3A_280 = tpu.memref_slice %arg3[%dma_wait3A_278, %dma_wait3A_279] : memref<100000x128xf32, #tpu.memory_space<hbm>> -> memref<100000x128xf32, #tpu.memory_space<hbm>>
      tpu.wait_indirect_dma semaphore(%arg17 : memref<!tpu.dma_semaphore, #tpu.memory_space<semaphore_mem>>) src(%dma_wait3A_280 : memref<100000x128xf32, #tpu.memory_space<hbm>>) dst(%arg10 : memref<80x128xf32, #tpu.memory_space<vmem>>)
      %mul3A_281 = arith.constant 2 : i32
      %mul3A_282 = arith.muli %add3A_272, %mul3A_281 : i32
      %mul3A_283 = arith.constant 80 : i32
      %mul3A_284 = arith.muli %mul3A_282, %mul3A_283 : i32
      %add3A_285 = arith.constant 80 : i32
      %add3A_286 = arith.addi %mul3A_284, %add3A_285 : i32
      %get3A_287 = arith.constant 0 : index
      %get3A_288 = tpu.vector_load %arg13[%get3A_287] {strides = array<i32>} : memref<256xf32, #tpu.memory_space<vmem>>, vector<16xf32>,
      %get3A_289 = arith.constant 16 : index
      %get3A_290 = tpu.vector_load %arg13[%get3A_289] {strides = array<i32>} : memref<256xf32, #tpu.memory_space<vmem>>, vector<16xf32>,
      %get3A_291 = arith.constant 32 : index
      %get3A_292 = tpu.vector_load %arg13[%get3A_291] {strides = array<i32>} : memref<256xf32, #tpu.memory_space<vmem>>, vector<16xf32>,
      %get3A_293 = arith.constant 48 : index
      %get3A_294 = tpu.vector_load %arg13[%get3A_293] {strides = array<i32>} : memref<256xf32, #tpu.memory_space<vmem>>, vector<16xf32>,
      %get3A_295 = arith.constant 64 : index
      %get3A_296 = tpu.vector_load %arg13[%get3A_295] {strides = array<i32>} : memref<256xf32, #tpu.memory_space<vmem>>, vector<16xf32>,
      %get3A_297 = arith.constant 80 : index
      %get3A_298 = tpu.vector_load %arg13[%get3A_297] {strides = array<i32>} : memref<256xf32, #tpu.memory_space<vmem>>, vector<16xf32>,
      %get3A_299 = arith.constant 96 : index
      %get3A_300 = tpu.vector_load %arg13[%get3A_299] {strides = array<i32>} : memref<256xf32, #tpu.memory_space<vmem>>, vector<16xf32>,
      %get3A_301 = arith.constant 112 : index
      %get3A_302 = tpu.vector_load %arg13[%get3A_301] {strides = array<i32>} : memref<256xf32, #tpu.memory_space<vmem>>, vector<16xf32>,
      %get3A_303 = arith.constant 128 : index
      %get3A_304 = tpu.vector_load %arg13[%get3A_303] {strides = array<i32>} : memref<256xf32, #tpu.memory_space<vmem>>, vector<16xf32>,
      %get3A_305 = arith.constant 144 : index
      %get3A_306 = tpu.vector_load %arg13[%get3A_305] {strides = array<i32>} : memref<256xf32, #tpu.memory_space<vmem>>, vector<16xf32>,
      %get3A_307 = arith.constant 160 : index
      %get3A_308 = tpu.vector_load %arg13[%get3A_307] {strides = array<i32>} : memref<256xf32, #tpu.memory_space<vmem>>, vector<16xf32>,
      %get3A_309 = arith.constant 176 : index
      %get3A_310 = tpu.vector_load %arg13[%get3A_309] {strides = array<i32>} : memref<256xf32, #tpu.memory_space<vmem>>, vector<16xf32>,
      %get3A_311 = arith.constant 192 : index
      %get3A_312 = tpu.vector_load %arg13[%get3A_311] {strides = array<i32>} : memref<256xf32, #tpu.memory_space<vmem>>, vector<16xf32>,
      %get3A_313 = arith.constant 208 : index
      %get3A_314 = tpu.vector_load %arg13[%get3A_313] {strides = array<i32>} : memref<256xf32, #tpu.memory_space<vmem>>, vector<16xf32>,
      %get3A_315 = arith.constant 224 : index
      %get3A_316 = tpu.vector_load %arg13[%get3A_315] {strides = array<i32>} : memref<256xf32, #tpu.memory_space<vmem>>, vector<16xf32>,
      %get3A_317 = arith.constant 240 : index
      %get3A_318 = tpu.vector_load %arg13[%get3A_317] {strides = array<i32>} : memref<256xf32, #tpu.memory_space<vmem>>, vector<16xf32>,
      %parallel_loop3A_319 = arith.constant 0 : i32
      %parallel_loop3A_320 = arith.constant 80 : i32
      %parallel_loop3A_321 = arith.constant 1 : i32
      scf.for %parallel_loop3A_347 = %parallel_loop3A_319 to %parallel_loop3A_320 step %parallel_loop3A_321  : i32 {
        %parallel_loop3A_348 = arith.addi %add3A_286, %parallel_loop3A_347 : i32
        %parallel_loop3A_349 = arith.index_cast %parallel_loop3A_348 : i32 to index
        %parallel_loop3A_350 = tpu.vector_load %arg12[%parallel_loop3A_349] {strides = array<i32>} : memref<12816xi32, #tpu.memory_space<vmem>>, vector<16xi32>,
        %parallel_loop3A_351 = arith.constant 0 : i32
        %parallel_loop3A_352 = arith.addi %parallel_loop3A_347, %parallel_loop3A_351 : i32
        %parallel_loop3A_353 = vector.extract_strided_slice %parallel_loop3A_350 {offsets = [0], sizes = [1], strides = [1]} : vector<16xi32> to vector<1xi32>
        %parallel_loop3A_354 = vector.extract %parallel_loop3A_353[0] : i32 from vector<1xi32>
        %parallel_loop3A_355 = arith.constant 128 : i32
        %parallel_loop3A_356 = arith.muli %parallel_loop3A_354, %parallel_loop3A_355 : i32
        %parallel_loop3A_357 = arith.index_cast %parallel_loop3A_352 : i32 to index
        %parallel_loop3A_358 = arith.constant 0 : index
        %parallel_loop3A_359 = tpu.vector_load %arg10[%parallel_loop3A_357, %parallel_loop3A_358] {strides = array<i32>} : memref<80x128xf32, #tpu.memory_space<vmem>>, vector<16xf32>,
        %parallel_loop3A_360 = arith.constant 0 : i32
        %parallel_loop3A_361 = arith.addi %parallel_loop3A_356, %parallel_loop3A_360 : i32
        %parallel_loop3A_362 = arith.index_cast %parallel_loop3A_361 : i32 to index
        %parallel_loop3A_363 = tpu.vector_load %arg11[%parallel_loop3A_362] {strides = array<i32>} : memref<76800xf32, #tpu.memory_space<vmem>>, vector<16xf32>,
        %parallel_loop3A_364 = arith.addf %parallel_loop3A_359, %parallel_loop3A_363 : vector<16xf32>
        %parallel_loop3A_365 = arith.mulf %parallel_loop3A_364, %parallel_loop3A_364 : vector<16xf32>
        %parallel_loop3A_366 = arith.index_cast %parallel_loop3A_352 : i32 to index
        %parallel_loop3A_367 = arith.constant 16 : index
        %parallel_loop3A_368 = tpu.vector_load %arg10[%parallel_loop3A_366, %parallel_loop3A_367] {strides = array<i32>} : memref<80x128xf32, #tpu.memory_space<vmem>>, vector<16xf32>,
        %parallel_loop3A_369 = arith.constant 16 : i32
        %parallel_loop3A_370 = arith.addi %parallel_loop3A_356, %parallel_loop3A_369 : i32
        %parallel_loop3A_371 = arith.index_cast %parallel_loop3A_370 : i32 to index
        %parallel_loop3A_372 = tpu.vector_load %arg11[%parallel_loop3A_371] {strides = array<i32>} : memref<76800xf32, #tpu.memory_space<vmem>>, vector<16xf32>,
        %parallel_loop3A_373 = arith.addf %parallel_loop3A_368, %parallel_loop3A_372 : vector<16xf32>
        %parallel_loop3A_374 = arith.addf %parallel_loop3A_364, %parallel_loop3A_373 : vector<16xf32>
        %parallel_loop3A_375 = arith.mulf %parallel_loop3A_373, %parallel_loop3A_373 : vector<16xf32>
        %parallel_loop3A_376 = arith.addf %parallel_loop3A_365, %parallel_loop3A_375 : vector<16xf32>
        %parallel_loop3A_377 = arith.index_cast %parallel_loop3A_352 : i32 to index
        %parallel_loop3A_378 = arith.constant 32 : index
        %parallel_loop3A_379 = tpu.vector_load %arg10[%parallel_loop3A_377, %parallel_loop3A_378] {strides = array<i32>} : memref<80x128xf32, #tpu.memory_space<vmem>>, vector<16xf32>,
        %parallel_loop3A_380 = arith.constant 32 : i32
        %parallel_loop3A_381 = arith.addi %parallel_loop3A_356, %parallel_loop3A_380 : i32
        %parallel_loop3A_382 = arith.index_cast %parallel_loop3A_381 : i32 to index
        %parallel_loop3A_383 = tpu.vector_load %arg11[%parallel_loop3A_382] {strides = array<i32>} : memref<76800xf32, #tpu.memory_space<vmem>>, vector<16xf32>,
        %parallel_loop3A_384 = arith.addf %parallel_loop3A_379, %parallel_loop3A_383 : vector<16xf32>
        %parallel_loop3A_385 = arith.addf %parallel_loop3A_374, %parallel_loop3A_384 : vector<16xf32>
        %parallel_loop3A_386 = arith.mulf %parallel_loop3A_384, %parallel_loop3A_384 : vector<16xf32>
        %parallel_loop3A_387 = arith.addf %parallel_loop3A_376, %parallel_loop3A_386 : vector<16xf32>
        %parallel_loop3A_388 = arith.index_cast %parallel_loop3A_352 : i32 to index
        %parallel_loop3A_389 = arith.constant 48 : index
        %parallel_loop3A_390 = tpu.vector_load %arg10[%parallel_loop3A_388, %parallel_loop3A_389] {strides = array<i32>} : memref<80x128xf32, #tpu.memory_space<vmem>>, vector<16xf32>,
        %parallel_loop3A_391 = arith.constant 48 : i32
        %parallel_loop3A_392 = arith.addi %parallel_loop3A_356, %parallel_loop3A_391 : i32
        %parallel_loop3A_393 = arith.index_cast %parallel_loop3A_392 : i32 to index
        %parallel_loop3A_394 = tpu.vector_load %arg11[%parallel_loop3A_393] {strides = array<i32>} : memref<76800xf32, #tpu.memory_space<vmem>>, vector<16xf32>,
        %parallel_loop3A_395 = arith.addf %parallel_loop3A_390, %parallel_loop3A_394 : vector<16xf32>
        %parallel_loop3A_396 = arith.addf %parallel_loop3A_385, %parallel_loop3A_395 : vector<16xf32>
        %parallel_loop3A_397 = arith.mulf %parallel_loop3A_395, %parallel_loop3A_395 : vector<16xf32>
        %parallel_loop3A_398 = arith.addf %parallel_loop3A_387, %parallel_loop3A_397 : vector<16xf32>
        %parallel_loop3A_399 = arith.index_cast %parallel_loop3A_352 : i32 to index
        %parallel_loop3A_400 = arith.constant 64 : index
        %parallel_loop3A_401 = tpu.vector_load %arg10[%parallel_loop3A_399, %parallel_loop3A_400] {strides = array<i32>} : memref<80x128xf32, #tpu.memory_space<vmem>>, vector<16xf32>,
        %parallel_loop3A_402 = arith.constant 64 : i32
        %parallel_loop3A_403 = arith.addi %parallel_loop3A_356, %parallel_loop3A_402 : i32
        %parallel_loop3A_404 = arith.index_cast %parallel_loop3A_403 : i32 to index
        %parallel_loop3A_405 = tpu.vector_load %arg11[%parallel_loop3A_404] {strides = array<i32>} : memref<76800xf32, #tpu.memory_space<vmem>>, vector<16xf32>,
        %parallel_loop3A_406 = arith.addf %parallel_loop3A_401, %parallel_loop3A_405 : vector<16xf32>
        %parallel_loop3A_407 = arith.addf %parallel_loop3A_396, %parallel_loop3A_406 : vector<16xf32>
        %parallel_loop3A_408 = arith.mulf %parallel_loop3A_406, %parallel_loop3A_406 : vector<16xf32>
        %parallel_loop3A_409 = arith.addf %parallel_loop3A_398, %parallel_loop3A_408 : vector<16xf32>
        %parallel_loop3A_410 = arith.index_cast %parallel_loop3A_352 : i32 to index
        %parallel_loop3A_411 = arith.constant 80 : index
        %parallel_loop3A_412 = tpu.vector_load %arg10[%parallel_loop3A_410, %parallel_loop3A_411] {strides = array<i32>} : memref<80x128xf32, #tpu.memory_space<vmem>>, vector<16xf32>,
        %parallel_loop3A_413 = arith.constant 80 : i32
        %parallel_loop3A_414 = arith.addi %parallel_loop3A_356, %parallel_loop3A_413 : i32
        %parallel_loop3A_415 = arith.index_cast %parallel_loop3A_414 : i32 to index
        %parallel_loop3A_416 = tpu.vector_load %arg11[%parallel_loop3A_415] {strides = array<i32>} : memref<76800xf32, #tpu.memory_space<vmem>>, vector<16xf32>,
        %parallel_loop3A_417 = arith.addf %parallel_loop3A_412, %parallel_loop3A_416 : vector<16xf32>
        %parallel_loop3A_418 = arith.addf %parallel_loop3A_407, %parallel_loop3A_417 : vector<16xf32>
        %parallel_loop3A_419 = arith.mulf %parallel_loop3A_417, %parallel_loop3A_417 : vector<16xf32>
        %parallel_loop3A_420 = arith.addf %parallel_loop3A_409, %parallel_loop3A_419 : vector<16xf32>
        %parallel_loop3A_421 = arith.index_cast %parallel_loop3A_352 : i32 to index
        %parallel_loop3A_422 = arith.constant 96 : index
        %parallel_loop3A_423 = tpu.vector_load %arg10[%parallel_loop3A_421, %parallel_loop3A_422] {strides = array<i32>} : memref<80x128xf32, #tpu.memory_space<vmem>>, vector<16xf32>,
        %parallel_loop3A_424 = arith.constant 96 : i32
        %parallel_loop3A_425 = arith.addi %parallel_loop3A_356, %parallel_loop3A_424 : i32
        %parallel_loop3A_426 = arith.index_cast %parallel_loop3A_425 : i32 to index
        %parallel_loop3A_427 = tpu.vector_load %arg11[%parallel_loop3A_426] {strides = array<i32>} : memref<76800xf32, #tpu.memory_space<vmem>>, vector<16xf32>,
        %parallel_loop3A_428 = arith.addf %parallel_loop3A_423, %parallel_loop3A_427 : vector<16xf32>
        %parallel_loop3A_429 = arith.addf %parallel_loop3A_418, %parallel_loop3A_428 : vector<16xf32>
        %parallel_loop3A_430 = arith.mulf %parallel_loop3A_428, %parallel_loop3A_428 : vector<16xf32>
        %parallel_loop3A_431 = arith.addf %parallel_loop3A_420, %parallel_loop3A_430 : vector<16xf32>
        %parallel_loop3A_432 = arith.index_cast %parallel_loop3A_352 : i32 to index
        %parallel_loop3A_433 = arith.constant 112 : index
        %parallel_loop3A_434 = tpu.vector_load %arg10[%parallel_loop3A_432, %parallel_loop3A_433] {strides = array<i32>} : memref<80x128xf32, #tpu.memory_space<vmem>>, vector<16xf32>,
        %parallel_loop3A_435 = arith.constant 112 : i32
        %parallel_loop3A_436 = arith.addi %parallel_loop3A_356, %parallel_loop3A_435 : i32
        %parallel_loop3A_437 = arith.index_cast %parallel_loop3A_436 : i32 to index
        %parallel_loop3A_438 = tpu.vector_load %arg11[%parallel_loop3A_437] {strides = array<i32>} : memref<76800xf32, #tpu.memory_space<vmem>>, vector<16xf32>,
        %parallel_loop3A_439 = arith.addf %parallel_loop3A_434, %parallel_loop3A_438 : vector<16xf32>
        %parallel_loop3A_440 = arith.addf %parallel_loop3A_429, %parallel_loop3A_439 : vector<16xf32>
        %parallel_loop3A_441 = arith.mulf %parallel_loop3A_439, %parallel_loop3A_439 : vector<16xf32>
        %parallel_loop3A_442 = arith.addf %parallel_loop3A_431, %parallel_loop3A_441 : vector<16xf32>
        %parallel_loop3A_443 = arith.constant true
        %parallel_loop3A_444 = vector.broadcast %parallel_loop3A_443 : i1 to vector<16xi1>
        %parallel_loop3A_445 = tpu.scan <sum>, %parallel_loop3A_440 masked %parallel_loop3A_444 : vector<16xf32>, vector<16xi1> -> vector<16xf32>
        %parallel_loop3A_446 = arith.constant 15 : i32
        %parallel_loop3A_447 = vector.broadcast %parallel_loop3A_446 : i32 to vector<16xi32>
        %parallel_loop3A_448 = arith.constant 0 : i32
        %parallel_loop3A_449 = vector.broadcast %parallel_loop3A_448 : i32 to vector<16xi32>
        %parallel_loop3A_450 = arith.cmpi slt, %parallel_loop3A_447, %parallel_loop3A_449 : vector<16xi32>
        %parallel_loop3A_451 = arith.constant 16 : i32
        %parallel_loop3A_452 = vector.broadcast %parallel_loop3A_451 : i32 to vector<16xi32>
        %parallel_loop3A_453 = arith.addi %parallel_loop3A_447, %parallel_loop3A_452 : vector<16xi32>
        %parallel_loop3A_454 = arith.select %parallel_loop3A_450, %parallel_loop3A_453, %parallel_loop3A_447 : vector<16xi1>, vector<16xi32>
        %parallel_loop3A_455 = vector.shape_cast %parallel_loop3A_454 : vector<16xi32> to vector<16x1xi32>
        %parallel_loop3A_456 = vector.shape_cast %parallel_loop3A_455 : vector<16x1xi32> to vector<16xi32>
        %parallel_loop3A_457 = tpu.dynamic_gather %parallel_loop3A_445[%parallel_loop3A_456] in [0] : vector<16xf32>, vector<16xi32> -> vector<16xf32>
        %parallel_loop3A_458 = arith.constant 7.812500e-03 : f32
        %parallel_loop3A_459 = vector.broadcast %parallel_loop3A_458 : f32 to vector<16xf32>
        %parallel_loop3A_460 = arith.mulf %parallel_loop3A_457, %parallel_loop3A_459 : vector<16xf32>
        %parallel_loop3A_461 = arith.constant true
        %parallel_loop3A_462 = vector.broadcast %parallel_loop3A_461 : i1 to vector<16xi1>
        %parallel_loop3A_463 = tpu.scan <sum>, %parallel_loop3A_442 masked %parallel_loop3A_462 : vector<16xf32>, vector<16xi1> -> vector<16xf32>
        %parallel_loop3A_464 = arith.constant 15 : i32
        %parallel_loop3A_465 = vector.broadcast %parallel_loop3A_464 : i32 to vector<16xi32>
        %parallel_loop3A_466 = arith.constant 0 : i32
        %parallel_loop3A_467 = vector.broadcast %parallel_loop3A_466 : i32 to vector<16xi32>
        %parallel_loop3A_468 = arith.cmpi slt, %parallel_loop3A_465, %parallel_loop3A_467 : vector<16xi32>
        %parallel_loop3A_469 = arith.constant 16 : i32
        %parallel_loop3A_470 = vector.broadcast %parallel_loop3A_469 : i32 to vector<16xi32>
        %parallel_loop3A_471 = arith.addi %parallel_loop3A_465, %parallel_loop3A_470 : vector<16xi32>
        %parallel_loop3A_472 = arith.select %parallel_loop3A_468, %parallel_loop3A_471, %parallel_loop3A_465 : vector<16xi1>, vector<16xi32>
        %parallel_loop3A_473 = vector.shape_cast %parallel_loop3A_472 : vector<16xi32> to vector<16x1xi32>
        %parallel_loop3A_474 = vector.shape_cast %parallel_loop3A_473 : vector<16x1xi32> to vector<16xi32>
        %parallel_loop3A_475 = tpu.dynamic_gather %parallel_loop3A_463[%parallel_loop3A_474] in [0] : vector<16xf32>, vector<16xi32> -> vector<16xf32>
        %parallel_loop3A_476 = arith.constant 7.812500e-03 : f32
        %parallel_loop3A_477 = vector.broadcast %parallel_loop3A_476 : f32 to vector<16xf32>
        %parallel_loop3A_478 = arith.mulf %parallel_loop3A_475, %parallel_loop3A_477 : vector<16xf32>
        %parallel_loop3A_479 = arith.mulf %parallel_loop3A_460, %parallel_loop3A_460 : vector<16xf32>
        %parallel_loop3A_480 = arith.subf %parallel_loop3A_478, %parallel_loop3A_479 : vector<16xf32>
        %parallel_loop3A_481 = arith.constant 9.99999997E-7 : f32
        %parallel_loop3A_482 = vector.broadcast %parallel_loop3A_481 : f32 to vector<16xf32>
        %parallel_loop3A_483 = arith.addf %parallel_loop3A_480, %parallel_loop3A_482 : vector<16xf32>
        %parallel_loop3A_484 = tpu.bitcast %parallel_loop3A_483 : vector<16xf32> -> vector<16xi32>
        %parallel_loop3A_485 = arith.constant 1597463007 : i32
        %parallel_loop3A_486 = vector.broadcast %parallel_loop3A_485 : i32 to vector<16xi32>
        %parallel_loop3A_487 = arith.constant 1 : i32
        %parallel_loop3A_488 = vector.broadcast %parallel_loop3A_487 : i32 to vector<16xi32>
        %parallel_loop3A_489 = arith.shrsi %parallel_loop3A_484, %parallel_loop3A_488 : vector<16xi32>
        %parallel_loop3A_490 = arith.subi %parallel_loop3A_486, %parallel_loop3A_489 : vector<16xi32>
        %parallel_loop3A_491 = tpu.bitcast %parallel_loop3A_490 : vector<16xi32> -> vector<16xf32>
        %parallel_loop3A_492 = arith.constant 5.000000e-01 : f32
        %parallel_loop3A_493 = vector.broadcast %parallel_loop3A_492 : f32 to vector<16xf32>
        %parallel_loop3A_494 = arith.mulf %parallel_loop3A_493, %parallel_loop3A_483 : vector<16xf32>
        %parallel_loop3A_495 = arith.mulf %parallel_loop3A_494, %parallel_loop3A_491 : vector<16xf32>
        %parallel_loop3A_496 = arith.mulf %parallel_loop3A_495, %parallel_loop3A_491 : vector<16xf32>
        %parallel_loop3A_497 = arith.constant 1.500000e+00 : f32
        %parallel_loop3A_498 = vector.broadcast %parallel_loop3A_497 : f32 to vector<16xf32>
        %parallel_loop3A_499 = arith.subf %parallel_loop3A_498, %parallel_loop3A_496 : vector<16xf32>
        %parallel_loop3A_500 = arith.mulf %parallel_loop3A_491, %parallel_loop3A_499 : vector<16xf32>
        %parallel_loop3A_501 = arith.mulf %parallel_loop3A_460, %parallel_loop3A_500 : vector<16xf32>
        %parallel_loop3A_502 = arith.mulf %parallel_loop3A_364, %parallel_loop3A_500 : vector<16xf32>
        %parallel_loop3A_503 = arith.subf %parallel_loop3A_502, %parallel_loop3A_501 : vector<16xf32>
        %parallel_loop3A_504 = arith.mulf %parallel_loop3A_503, %get3A_288 : vector<16xf32>
        %parallel_loop3A_505 = arith.addf %parallel_loop3A_504, %get3A_304 : vector<16xf32>
        %parallel_loop3A_506 = arith.index_cast %parallel_loop3A_352 : i32 to index
        %parallel_loop3A_507 = arith.constant 0 : index
        %parallel_loop3A_508 = tpu.vector_load %arg10[%parallel_loop3A_506, %parallel_loop3A_507] {strides = array<i32>} : memref<80x128xf32, #tpu.memory_space<vmem>>, vector<16xf32>,
        tpu.vector_store %arg10[%parallel_loop3A_506, %parallel_loop3A_507], %parallel_loop3A_505 {strides = array<i32>} : memref<80x128xf32, #tpu.memory_space<vmem>>, vector<16xf32>,
        %parallel_loop3A_509 = arith.mulf %parallel_loop3A_373, %parallel_loop3A_500 : vector<16xf32>
        %parallel_loop3A_510 = arith.subf %parallel_loop3A_509, %parallel_loop3A_501 : vector<16xf32>
        %parallel_loop3A_511 = arith.mulf %parallel_loop3A_510, %get3A_290 : vector<16xf32>
        %parallel_loop3A_512 = arith.addf %parallel_loop3A_511, %get3A_306 : vector<16xf32>
        %parallel_loop3A_513 = arith.index_cast %parallel_loop3A_352 : i32 to index
        %parallel_loop3A_514 = arith.constant 16 : index
        %parallel_loop3A_515 = tpu.vector_load %arg10[%parallel_loop3A_513, %parallel_loop3A_514] {strides = array<i32>} : memref<80x128xf32, #tpu.memory_space<vmem>>, vector<16xf32>,
        tpu.vector_store %arg10[%parallel_loop3A_513, %parallel_loop3A_514], %parallel_loop3A_512 {strides = array<i32>} : memref<80x128xf32, #tpu.memory_space<vmem>>, vector<16xf32>,
        %parallel_loop3A_516 = arith.mulf %parallel_loop3A_384, %parallel_loop3A_500 : vector<16xf32>
        %parallel_loop3A_517 = arith.subf %parallel_loop3A_516, %parallel_loop3A_501 : vector<16xf32>
        %parallel_loop3A_518 = arith.mulf %parallel_loop3A_517, %get3A_292 : vector<16xf32>
        %parallel_loop3A_519 = arith.addf %parallel_loop3A_518, %get3A_308 : vector<16xf32>
        %parallel_loop3A_520 = arith.index_cast %parallel_loop3A_352 : i32 to index
        %parallel_loop3A_521 = arith.constant 32 : index
        %parallel_loop3A_522 = tpu.vector_load %arg10[%parallel_loop3A_520, %parallel_loop3A_521] {strides = array<i32>} : memref<80x128xf32, #tpu.memory_space<vmem>>, vector<16xf32>,
        tpu.vector_store %arg10[%parallel_loop3A_520, %parallel_loop3A_521], %parallel_loop3A_519 {strides = array<i32>} : memref<80x128xf32, #tpu.memory_space<vmem>>, vector<16xf32>,
        %parallel_loop3A_523 = arith.mulf %parallel_loop3A_395, %parallel_loop3A_500 : vector<16xf32>
        %parallel_loop3A_524 = arith.subf %parallel_loop3A_523, %parallel_loop3A_501 : vector<16xf32>
        %parallel_loop3A_525 = arith.mulf %parallel_loop3A_524, %get3A_294 : vector<16xf32>
        %parallel_loop3A_526 = arith.addf %parallel_loop3A_525, %get3A_310 : vector<16xf32>
        %parallel_loop3A_527 = arith.index_cast %parallel_loop3A_352 : i32 to index
        %parallel_loop3A_528 = arith.constant 48 : index
        %parallel_loop3A_529 = tpu.vector_load %arg10[%parallel_loop3A_527, %parallel_loop3A_528] {strides = array<i32>} : memref<80x128xf32, #tpu.memory_space<vmem>>, vector<16xf32>,
        tpu.vector_store %arg10[%parallel_loop3A_527, %parallel_loop3A_528], %parallel_loop3A_526 {strides = array<i32>} : memref<80x128xf32, #tpu.memory_space<vmem>>, vector<16xf32>,
        %parallel_loop3A_530 = arith.mulf %parallel_loop3A_406, %parallel_loop3A_500 : vector<16xf32>
        %parallel_loop3A_531 = arith.subf %parallel_loop3A_530, %parallel_loop3A_501 : vector<16xf32>
        %parallel_loop3A_532 = arith.mulf %parallel_loop3A_531, %get3A_296 : vector<16xf32>
        %parallel_loop3A_533 = arith.addf %parallel_loop3A_532, %get3A_312 : vector<16xf32>
        %parallel_loop3A_534 = arith.index_cast %parallel_loop3A_352 : i32 to index
        %parallel_loop3A_535 = arith.constant 64 : index
        %parallel_loop3A_536 = tpu.vector_load %arg10[%parallel_loop3A_534, %parallel_loop3A_535] {strides = array<i32>} : memref<80x128xf32, #tpu.memory_space<vmem>>, vector<16xf32>,
        tpu.vector_store %arg10[%parallel_loop3A_534, %parallel_loop3A_535], %parallel_loop3A_533 {strides = array<i32>} : memref<80x128xf32, #tpu.memory_space<vmem>>, vector<16xf32>,
        %parallel_loop3A_537 = arith.mulf %parallel_loop3A_417, %parallel_loop3A_500 : vector<16xf32>
        %parallel_loop3A_538 = arith.subf %parallel_loop3A_537, %parallel_loop3A_501 : vector<16xf32>
        %parallel_loop3A_539 = arith.mulf %parallel_loop3A_538, %get3A_298 : vector<16xf32>
        %parallel_loop3A_540 = arith.addf %parallel_loop3A_539, %get3A_314 : vector<16xf32>
        %parallel_loop3A_541 = arith.index_cast %parallel_loop3A_352 : i32 to index
        %parallel_loop3A_542 = arith.constant 80 : index
        %parallel_loop3A_543 = tpu.vector_load %arg10[%parallel_loop3A_541, %parallel_loop3A_542] {strides = array<i32>} : memref<80x128xf32, #tpu.memory_space<vmem>>, vector<16xf32>,
        tpu.vector_store %arg10[%parallel_loop3A_541, %parallel_loop3A_542], %parallel_loop3A_540 {strides = array<i32>} : memref<80x128xf32, #tpu.memory_space<vmem>>, vector<16xf32>,
        %parallel_loop3A_544 = arith.mulf %parallel_loop3A_428, %parallel_loop3A_500 : vector<16xf32>
        %parallel_loop3A_545 = arith.subf %parallel_loop3A_544, %parallel_loop3A_501 : vector<16xf32>
        %parallel_loop3A_546 = arith.mulf %parallel_loop3A_545, %get3A_300 : vector<16xf32>
        %parallel_loop3A_547 = arith.addf %parallel_loop3A_546, %get3A_316 : vector<16xf32>
        %parallel_loop3A_548 = arith.index_cast %parallel_loop3A_352 : i32 to index
        %parallel_loop3A_549 = arith.constant 96 : index
        %parallel_loop3A_550 = tpu.vector_load %arg10[%parallel_loop3A_548, %parallel_loop3A_549] {strides = array<i32>} : memref<80x128xf32, #tpu.memory_space<vmem>>, vector<16xf32>,
        tpu.vector_store %arg10[%parallel_loop3A_548, %parallel_loop3A_549], %parallel_loop3A_547 {strides = array<i32>} : memref<80x128xf32, #tpu.memory_space<vmem>>, vector<16xf32>,
        %parallel_loop3A_551 = arith.mulf %parallel_loop3A_439, %parallel_loop3A_500 : vector<16xf32>
        %parallel_loop3A_552 = arith.subf %parallel_loop3A_551, %parallel_loop3A_501 : vector<16xf32>
        %parallel_loop3A_553 = arith.mulf %parallel_loop3A_552, %get3A_302 : vector<16xf32>
        %parallel_loop3A_554 = arith.addf %parallel_loop3A_553, %get3A_318 : vector<16xf32>
        %parallel_loop3A_555 = arith.index_cast %parallel_loop3A_352 : i32 to index
        %parallel_loop3A_556 = arith.constant 112 : index
        %parallel_loop3A_557 = tpu.vector_load %arg10[%parallel_loop3A_555, %parallel_loop3A_556] {strides = array<i32>} : memref<80x128xf32, #tpu.memory_space<vmem>>, vector<16xf32>,
        tpu.vector_store %arg10[%parallel_loop3A_555, %parallel_loop3A_556], %parallel_loop3A_554 {strides = array<i32>} : memref<80x128xf32, #tpu.memory_space<vmem>>, vector<16xf32>,
      } {sc.loop_unroll_factor = 2 : i64, sc.parallel_access}
      %sub3A_322 = arith.constant 1 : i32
      %sub3A_323 = arith.subi %add3A_272, %sub3A_322 : i32
      %mul3A_324 = arith.constant 80 : i32
      %mul3A_325 = arith.muli %sub3A_323, %mul3A_324 : i32
      %add3A_326 = arith.addi %mul3A_2, %mul3A_325 : i32
      %dma_wait3A_327 = arith.constant 0 : i32
      %dma_wait3A_328 = tpu.memref_slice %arg6[%add3A_326, %dma_wait3A_327] : memref<204800x128xf32, #tpu.memory_space<hbm>> -> memref<80x128xf32, #tpu.memory_space<hbm>>
      %dma_wait3A_329 = arith.constant 0 : i32
      %dma_wait3A_330 = tpu.memref_slice %arg6[%add3A_326, %dma_wait3A_329] : memref<204800x128xf32, #tpu.memory_space<hbm>> -> memref<80x128xf32, #tpu.memory_space<hbm>>
      tpu.wait_dma2 semaphore(%arg20 : memref<!tpu.dma_semaphore, #tpu.memory_space<semaphore_mem>>) src(%arg9 : memref<80x128xf32, #tpu.memory_space<vmem>>) dst(%dma_wait3A_330 : memref<80x128xf32, #tpu.memory_space<hbm>>)
      %add3A_331 = arith.constant 4 : i32
      %add3A_332 = arith.addi %add3A_272, %add3A_331 : i32
      %sub3A_333 = arith.constant 1 : i32
      %sub3A_334 = arith.subi %add3A_332, %sub3A_333 : i32
      %lt3A_335 = arith.constant 80 : i32
      %lt3A_336 = arith.cmpi slt, %sub3A_334, %lt3A_335 : i32
      %convert_element_type3A_337 = arith.extui %lt3A_336 : i1 to i32
      %cond3A_338 = arith.constant 0 : i32
      %cond3A_339 = arith.cmpi ne, %convert_element_type3A_337, %cond3A_338 : i32
      scf.if %cond3A_339 {
        %add3A_347 = arith.constant 4 : i32
        %add3A_348 = arith.addi %add3A_272, %add3A_347 : i32
        %sub3A_349 = arith.constant 1 : i32
        %sub3A_350 = arith.subi %add3A_348, %sub3A_349 : i32
        %mul3A_351 = arith.constant 2 : i32
        %mul3A_352 = arith.muli %sub3A_350, %mul3A_351 : i32
        %mul3A_353 = arith.constant 80 : i32
        %mul3A_354 = arith.muli %mul3A_352, %mul3A_353 : i32
        %dma_start3A_355 = tpu.memref_slice %arg12[%mul3A_354] : memref<12816xi32, #tpu.memory_space<vmem>> -> memref<80xi32, #tpu.memory_space<vmem>>
        %dma_start3A_356 = arith.constant 0 : i32
        %dma_start3A_357 = arith.constant 0 : i32
        %dma_start3A_358 = tpu.memref_slice %arg3[%dma_start3A_356, %dma_start3A_357] : memref<100000x128xf32, #tpu.memory_space<hbm>> -> memref<100000x128xf32, #tpu.memory_space<hbm>>
        tpu.enqueue_indirect_dma source(%dma_start3A_358 : memref<100000x128xf32, #tpu.memory_space<hbm>>) target(%arg9 : memref<80x128xf32, #tpu.memory_space<vmem>>) offsets(%dma_start3A_355 : memref<80xi32, #tpu.memory_space<vmem>>) semaphore(%arg16 : memref<!tpu.dma_semaphore, #tpu.memory_space<semaphore_mem>>)
      } else {
      }
      %mul3A_340 = arith.constant 80 : i32
      %mul3A_341 = arith.muli %add3A_272, %mul3A_340 : i32
      %add3A_342 = arith.addi %mul3A_2, %mul3A_341 : i32
      %dma_start3A_343 = arith.constant 0 : i32
      %dma_start3A_344 = tpu.memref_slice %arg6[%add3A_342, %dma_start3A_343] : memref<204800x128xf32, #tpu.memory_space<hbm>> -> memref<80x128xf32, #tpu.memory_space<hbm>>
      %dma_start3A_345 = arith.constant 0 : i32
      %dma_start3A_346 = tpu.memref_slice %arg6[%add3A_342, %dma_start3A_345] : memref<204800x128xf32, #tpu.memory_space<hbm>> -> memref<80x128xf32, #tpu.memory_space<hbm>>
      tpu.enqueue_dma source(%arg10 : memref<80x128xf32, #tpu.memory_space<vmem>>) target(%dma_start3A_346 : memref<80x128xf32, #tpu.memory_space<hbm>>) target_semaphore(%arg21 : memref<!tpu.dma_semaphore, #tpu.memory_space<semaphore_mem>>)
    }
    %scan3A_39 = arith.constant 20 : i32
    %add3A_40 = arith.constant 6320 : i32
    %add3A_41 = arith.addi %mul3A_2, %add3A_40 : i32
    %dma_wait3A = arith.constant 0 : i32
    %dma_wait3A_42 = tpu.memref_slice %arg6[%add3A_41, %dma_wait3A] : memref<204800x128xf32, #tpu.memory_space<hbm>> -> memref<80x128xf32, #tpu.memory_space<hbm>>
    %dma_wait3A_43 = arith.constant 0 : i32
    %dma_wait3A_44 = tpu.memref_slice %arg6[%add3A_41, %dma_wait3A_43] : memref<204800x128xf32, #tpu.memory_space<hbm>> -> memref<80x128xf32, #tpu.memory_space<hbm>>
    tpu.wait_dma2 semaphore(%arg21 : memref<!tpu.dma_semaphore, #tpu.memory_space<semaphore_mem>>) src(%arg10 : memref<80x128xf32, #tpu.memory_space<vmem>>) dst(%dma_wait3A_44 : memref<80x128xf32, #tpu.memory_space<hbm>>)
    return
  }
}

</mosaic_0001>

<sc_bundles>
// kernel: kernel.3.cloned.1.call-start
scs
__scs_entry_jumppad:
0x0: {  	(pc) =	sbr.rel $0x88, $3  }
0x1: {  	(tag) =	ssettag $0x0;
	lr =	simm.s32 $0x1  }
0x2: {  	[smem:$0x3F9A] =	sst lr;
	_ =	strace $0xD0000000  }
0x3: {  	_ = 	snop  }
0x4: {  	_ = 	snop  }
0x5: {  	_ = 	snop  }
0x6: {  	_ = 	snop  }
0x7: {  	_ = 	snop  }
__scs_overlays_trampoline_lowered:
0x8: {  	[smem:$0x3FA9] =	sst s0  }
0x9: {  	[smem:$0x3FAA] =	sst s1  }
0xa: {  	[smem:$0x3FAB] =	sst s2  }
0xb: {  	[smem:$0x3FAC] =	sst s3  }
0xc: {  	[smem:$0x3FAD] =	sst s4  }
0xd: {  	[smem:$0x3FAE] =	sst s5  }
0xe: {  	[smem:$0x3FAF] =	sst s6  }
0xf: {  	[smem:$0x3FB0] =	sst s7  }
0x10: {  	[smem:$0x3FB1] =	sst s8  }
0x11: {  	[smem:$0x3FB2] =	sst s9;
	s0 =	simm.s32 @!p0 $0x0  }
0x12: {  	s1 =	sld [smem:$0x3F98];
	s0 =	simm.s32 @p0 $0x1  }
0x13: {  	[smem:$0x3FB3] =	sst s0;
	s0 =	simm.s32 @!p1 $0x0  }
0x14: {  	s2 =	sld [smem:$0x3F97];
	s0 =	simm.s32 @p1 $0x1  }
0x15: {  	[smem:$0x3FB4] =	sst s0;
	s0 =	simm.s32 @!p2 $0x0  }
0x16: {  	s3 =	sld [smem:$0x3FDB];
	s0 =	simm.s32 @p2 $0x1  }
0x17: {  	s4 =	simm.s32 $0x1BF5;
	[smem:$0x3FB6] =	sst s0  }
0x18: {  	s0 =	sld [smem:$0x3F99];
	_ =	swait.ge [sflag:s4], $0x0  }
0x19: {  	s7 =	sld [smem:$0x3F9A]  }
0x1a: {  	s8 =	sadd.s32 $0xFFFFE003, lr  }
0x1b: {  	s9 =	sadd.s32 $0xFFFFFEF7, lr;
	s5 =	simm.s32 $0xFFFFFFFF;
	p2 =	slt.u32 s8, $0xFFFFF086  }
0x1c: {  	p1 =	slt.u32 s9, $0xF7A;
	s5 =	simm.s32 @!p2 $0x0  }
0x1d: {  	s5 =	simm.s32 @p1 $0x1;
	p0 =	seq.s32 s7, s2  }
0x1e: {  	s7 =	smul.u32 @!p0 $0xF7A, s2;
	p2 =	seq.s32 @!p0 s5, $0x0  }
0x1f: {  	s9 =	smul.u32 $0xF7A, s1;
	s8 =	simm.s32 @!p0 $0x1BF5;
	p2 =	por !p2, p0  }
0x20: {  	[sflag:s8] =	ssyncset.s32 @!p0 $0xFFFFF086;
	s6 =	sadd.s32 @!p0 s3, s7;
	s7 =	simm.s32 @!p0 $0x108  }
0x21: {  	s3 =	sadd.s32 s3, s9;
	s6 =	sadd.s32 @!p0 $0x88, s6;
	s7 =	simm.s32 @p2 $0x1082  }
0x22: {  	[simem:s7], [sflag:s8] =	dma.local @!p0 [hbm:s6], $0xF7A  }
0x23: {  	s9 =	sor.u32 $0xD0000000, s2;
	s6 =	simm.s32 $0x108;
	_ =	swait.ge @!p0 [sflag:s8], $0x0  }
0x24: {  	s3 =	sadd.s32 $0x88, s3;
	s6 =	simm.s32 @!p1 $0x1082;
	[sflag:s4] =	ssyncset.s32 $0xFFFFF086  }
0x25: {  	[simem:s6], [sflag:s4] =	dma.local [hbm:s3], $0xF7A  }
0x26: {  	[smem:$0x3F9A] =	sst s1;
	(tag) =	ssettag s2;
	_ =	strace s9  }
0x27: {  	s1 =	sld [smem:$0x3FAA]  }
0x28: {  	s2 =	sld [smem:$0x3FAB]  }
0x29: {  	s4 =	sld [smem:$0x3FAD]  }
0x2a: {  	p0 =	seq.s32 s5, $0x0;
	s5 =	sld [smem:$0x3FAE]  }
0x2b: {  	s6 =	sld [smem:$0x3FAF]  }
0x2c: {  	s7 =	sld [smem:$0x3FB0]  }
0x2d: {  	s3 =	simm.s32 $0x108;
	s8 =	sld [smem:$0x3FB1]  }
0x2e: {  	s3 =	simm.s32 @!p0 $0x1082;
	s9 =	sld [smem:$0x3FB2]  }
0x2f: {  	lr =	sadd.s32 s0, s3;
	s0 =	sld [smem:$0x3FA9]  }
0x30: {  	s3 =	sld [smem:$0x3FAC]  }
0x31: {  	[smem:$0x3FB5] =	sst s10  }
0x32: {  	s10 =	sld [smem:$0x3FB3];
	_ =	sdelay $0x3  }
0x33: {  	p0 =	seq.s32 s10, $0x1;
	s10 =	sld [smem:$0x3FB5];
	_ =	sdelay $0x3  }
0x34: {  	[smem:$0x3FB5] =	sst s10  }
0x35: {  	s10 =	sld [smem:$0x3FB4];
	_ =	sdelay $0x3  }
0x36: {  	p1 =	seq.s32 s10, $0x1;
	s10 =	sld [smem:$0x3FB5];
	_ =	sdelay $0x3  }
0x37: {  	[smem:$0x3FB5] =	sst s10  }
0x38: {  	s10 =	sld [smem:$0x3FB6]  }
0x39: {  	_ = 	snop;
	(pc) =	sbr.ind lr, $3  }
0x3a: {  	_ = 	snop  }
0x3b: {  	_ = 	snop  }
0x3c: {  	p2 =	seq.s32 s10, $0x1;
	s10 =	sld [smem:$0x3FB5]  }
0x3d: {  	_ =	shalt  }
0x3e: {  	_ =	shalt  }
0x3f: {  	_ =	shalt  }
0x40: {  	_ =	shalt  }
0x41: {  	_ =	shalt  }
0x42: {  	_ =	shalt  }
0x43: {  	_ =	shalt  }
0x44: {  	_ =	shalt  }
0x45: {  	_ =	shalt  }
0x46: {  	_ =	shalt  }
0x47: {  	_ =	shalt  }
0x48: {  	_ =	shalt  }
0x49: {  	_ =	shalt  }
0x4a: {  	_ =	shalt  }
0x4b: {  	_ =	shalt  }
0x4c: {  	_ =	shalt  }
0x4d: {  	_ =	shalt  }
0x4e: {  	_ =	shalt  }
0x4f: {  	_ =	shalt  }
0x50: {  	_ =	shalt  }
0x51: {  	_ =	shalt  }
0x52: {  	_ =	shalt  }
0x53: {  	_ =	shalt  }
0x54: {  	_ =	shalt  }
0x55: {  	_ =	shalt  }
0x56: {  	_ =	shalt  }
0x57: {  	_ =	shalt  }
0x58: {  	_ =	shalt  }
0x59: {  	_ =	shalt  }
0x5a: {  	_ =	shalt  }
0x5b: {  	_ =	shalt  }
0x5c: {  	_ =	shalt  }
0x5d: {  	_ =	shalt  }
0x5e: {  	_ =	shalt  }
0x5f: {  	_ =	shalt  }
0x60: {  	_ =	shalt  }
0x61: {  	_ =	shalt  }
0x62: {  	_ =	shalt  }
0x63: {  	_ =	shalt  }
0x64: {  	_ =	shalt  }
0x65: {  	_ =	shalt  }
0x66: {  	_ =	shalt  }
0x67: {  	_ =	shalt  }
0x68: {  	_ =	shalt  }
0x69: {  	_ =	shalt  }
0x6a: {  	_ =	shalt  }
0x6b: {  	_ =	shalt  }
0x6c: {  	_ =	shalt  }
0x6d: {  	_ =	shalt  }
0x6e: {  	_ =	shalt  }
0x6f: {  	_ =	shalt  }
0x70: {  	_ =	shalt  }
0x71: {  	_ =	shalt  }
0x72: {  	_ =	shalt  }
0x73: {  	_ =	shalt  }
0x74: {  	_ =	shalt  }
0x75: {  	_ =	shalt  }
0x76: {  	_ =	shalt  }
0x77: {  	_ =	shalt  }
0x78: {  	_ =	shalt  }
0x79: {  	_ =	shalt  }
0x7a: {  	_ =	shalt  }
0x7b: {  	_ =	shalt  }
0x7c: {  	_ =	shalt  }
0x7d: {  	_ =	shalt  }
0x7e: {  	_ =	shalt  }
0x7f: {  	_ =	shalt  }
0x80: {  	_ =	shalt  }
0x81: {  	_ =	shalt  }
0x82: {  	_ =	shalt  }
0x83: {  	_ =	shalt  }
0x84: {  	_ =	shalt  }
0x85: {  	_ =	shalt  }
0x86: {  	_ =	shalt  }
0x87: {  	_ =	shalt  }
.Lfunc_end0:
.L_simem_size_0:
called_computation_lowered:
.L_overlay_start_0:
0x88: {  	s2 =	sld [smem:$0x3FD9]  }
0x89: {  	s3 =	sld [smem:$0x3FFE];
	_ =	sdelay $0x1  }
0x8a: {  	s1 =	srdreg.scid  }
0x8b: {  	s0 =	sand.u32 $0x1, s1  }
0x8c: {  	s17 =	sshll.u32 s0, $0xA;
	s2 =	sadd.s32 s3, s2  }
0x8d: {  	s2 =	sadd.s32 s2, s17  }
0x8e: {  	[smem:$0x3FC1] =	sst s2  }
0x8f: {  	_ = 	snop  }
0x90: {  	s2 =	sld [smem:$0x3FC7]  }
0x91: {  	s18 =	sld [smem:$0x3FD0];
	(tm) =	ssettm $0x1  }
0x92: {  	s4 =	sld [smem:$0x3FFB];
	_ =	sdelay $0x3  }
0x93: {  	_ =	strace s4  }
0x94: {  	s4 =	sld [smem:$0x3FFC];
	_ =	sdelay $0x3  }
0x95: {  	_ =	strace s4  }
0x96: {  	s4 =	sld [smem:$0x3FFD];
	_ =	sdelay $0x3  }
0x97: {  	_ =	strace s4  }
0x98: {  	_ =	strace $0x8FFFFFFF  }
0x99: {  	s19 =	sld [smem:$0x3FDB];
	_ =	sdelay $0x1  }
0x9a: {  	s5 =	simm.s32 $_scs_section_size  }
0x9b: {  	s6 =	simm.s32 $_size__tile_overlayer_lowered;
	s7 =	simm.s32 $_tile_overlayer_lowered  }
0x9c: {  	s22 =	simm.s32 $0x1BFF;
	s21 =	sshll.u32 s7, $0x1;
	s4 =	sadd.s32 s5, s19  }
0x9d: {  	s8 =	simm.s32 $0x0;
	s20 =	sshll.u32 s6, $0x1;
	s6 =	sadd.s32 s21, s4  }
0x9e: {  	[timem:s8], [sflag:s22] =	dma.local [hbm:s6], s20  }
0x9f: {  	_ =	swait.ge [sflag:s22], s20  }
0xa0: {  	s5 =	ssub.s32 $0x0, s20;
	[sflag:s22] =	ssyncset.done $0x0  }
0xa1: {  	[sflag:s22] =	ssyncadd.s32 s5;
	_ =	sdelay $0x1  }
0xa2: {  	s23 =	simm.s32 $0x1B8B  }
0xa3: {  	_ =	swait.ge [sflag:s23], $0x1  }
0xa4: {  	[sflag:s23] =	ssyncset.done $0x0  }
0xa5: {  	s25 =	simm.s32 $0x1B8E;
	s24 =	sld [smem:$0x3FFE];
	[sflag:s23] =	ssyncadd.s32 $0xFFFFFFFF  }
0xa6: {  	s26 =	simm.s32 $execute0_lowered;
	[smem:$0x3FD2] =	sst s25  }
0xa7: {  	s6 =	sshll.u32 s26, $0x1;
	_ =	strace $0x80000046;
	[dreg:$0x1] =	wrdreg $0xFFFFFFFF  }
0xa8: {  	s28 =	simm.s32 $_size_execute0_lowered;
	s4 =	sadd.s32 s4, s6;
	[dreg:$0x0] =	wrdreg $0x0  }
0xa9: {  	s6 =	sshll.u32 s28, $0x1;
	[dreg:$0x2] =	wrdreg s4  }
0xaa: {  	[dreg:$0x3] =	wrdreg s6  }
0xab: {  	[dreg:$0x4] =	wrdreg $0xC0  }
0xac: {  	_ =	task [dreg:s8], $0x5FFFF  }
0xad: {  	[dreg:$0x1] =	wrdreg $0xFFFFFFFF  }
0xae: {  	[dreg:$0x0] =	wrdreg $0x60  }
0xaf: {  	[dreg:$0x2] =	wrdreg s24  }
0xb0: {  	[dreg:$0x3] =	wrdreg s2  }
0xb1: {  	[dreg:$0x4] =	wrdreg s18  }
0xb2: {  	[dreg:$0x5] =	wrdreg $0x9  }
0xb3: {  	_ =	task.clear_ibuf [dreg:s8], $0x6FFFF;
	_ =	strace $0x90000046  }
0xb4: {  	s29 =	simm.s32 $0x9;
	_ =	strace $0x80000048  }
0xb5: {  	_ =	swait.ge [sflag:s29], $0x1  }
0xb6: {  	[sflag:s29] =	ssyncadd.s32 $0xFFFFFFFF  }
0xb7: {  	_ =	strace $0x90000048  }
0xb8: {  	_ =	sfence  }
0xb9: {  	s30 =	sld [smem:$0x0];
	_ =	sdelay $0x2  }
0xba: {  	s31 =	sshll.u32 s1, $0xD;
	s1 =	sshrl.u32 s1, $0x2  }
0xbb: {  	s3 =	sand.u32 $0x4000, s31;
	s1 =	sadd.s32 s1, s30  }
0xbc: {  	s0 =	sor.u32 s3, s0;
	s1 =	sshll.u32 s1, $0x11  }
0xbd: {  	s0 =	sor.u32 s1, s0  }
0xbe: {  	s0 =	sadd.s32 $0x8F2B, s0  }
0xbf: {  	[sflag:s0] =	ssyncadd.remote.s32 $0x1  }
0xc0: {  	_ =	sfence.sel $0xFFFF  }
0xc1: {  	[dreg:$0x0] =	wrdreg $0xFFFFFFFF;
	(pc) =	sbr.abs _section_cstart, $3  }
0xc2: {  	[dreg:$0x1] =	wrdreg $0xFFFFFFFF  }
0xc3: {  	_ =	task.clear_ibuf [dreg:s8], $0x2FFFF;
	_ =	strace $0x9FFFFFFF  }
0xc4: {  	(tm) =	ssettm $0x7FFFFFFF  }
0xc5: {  	_ =	shalt  }
tec
execute0_lowered:
.L_overlay_start_1:
0x0: {  	(tag) =	ssettag $0x1  }
0x1: {  	s0 =	rddreg [dreg:$0x0]  }
0x2: {  	s2 =	rddreg [dreg:$0x1]  }
0x3: {  	s1 =	srdreg.scid;
	s4 =	stileid.u32  }
0x4: {  	s3 =	rddreg [dreg:$0x2];
	s14 =	simm.s32 $0x50;
	s16 =	simm.s32 $0x2800  }
0x5: {  	s18 =	simm.s32 $0x5000;
	s19 =	simm.s32 $0x1;
	s20 =	simm.s32 $0x7800  }
0x6: {  	s21 =	simm.s32 $0x2;
	s22 =	simm.s32 $0x5;
	s23 =	simm.s32 $0x3  }
0x7: {  	s24 =	simm.s32 $0x6;
	s1 =	sand.u32 $0x1, s1;
	s5 =	sshll.u32 s4, $0x1  }
0x8: {  	s25 =	simm.s32 $0x4;
	s4 =	simm.s32 $0x0;
	s5 =	sor.u32 s1, s5  }
0x9: {  	s7 =	sadd.s32 $0xA00, s0;
	[smem:$0x7FF] =	sst s4;
	s6 =	smul.u32 $0x640, s5  }
0xa: {  	s1 =	ssub.s32 $0x2, s1;
	_ =	strace $0x80000047;
	[dreg:$0x4] =	wrdreg s7  }
0xb: {  	s29 =	sshrl.u32 s1, $0x1;
	s6 =	sadd.s32 s6, s0;
	s0 =	sadd.s32 $0xF800, s0  }
0xc: {  	s30 =	ssub.s32 s1, s29;
	[dreg:$0x5] =	wrdreg s0;
	s31 =	sadd.s32 $0x3000, s6  }
0xd: {  	s26 =	simm.s32 $0x7;
	s0 =	smax.u32 s30, $0x1;
	[dreg:$0x6] =	wrdreg s31  }
0xe: {  	v0 =	vimm.s32 $0xF;
	s7 =	smul.u32 $0x1900, s5;
	s5 =	simm.s32 $0x0;
	[dreg:$0x7] =	wrdreg s0  }
.LBB2_1:
0xf: {  	[dreg:$0x8] =	wrdreg s5  }
0x10: {  	s0 =	rddreg [dreg:$0x4];
	s1 =	simm.s32 $0xA000;
	s11 =	simm.s32 $0x9  }
0x11: {  	[tilespmem:s1], [sflag:$0x9] =	stream.linear.gather [hbm4b:s0+s4], $0x12C00, $0x38;
	[tilespmem:$0x1FF80] =	vst v63  }
0x12: {  	_ =	swait.ge [sflag:s11], $0x12C00  }
0x13: {  	[sflag:s11] =	ssyncset.done $0x0  }
0x14: {  	s13 =	simm.s32 $0x1FE80;
	s12 =	rddreg [dreg:$0x5];
	[sflag:s11] =	ssyncadd.s32 $0xFFFED400  }
0x15: {  	[tilespmem:s13], [sflag:$0x9] =	stream.linear.gather [hbm4b:s12+s4], $0x100, $0x38;
	[tilespmem:$0x1FF80] =	vst v63  }
0x16: {  	_ =	swait.ge [sflag:s11], $0x100  }
0x17: {  	[sflag:s11] =	ssyncset.done $0x0  }
0x18: {  	s17 =	simm.s32 $0x1CC00;
	s15 =	rddreg [dreg:$0x6];
	[sflag:s11] =	ssyncadd.s32 $0xFFFFFF00  }
0x19: {  	[tilespmem:s17], [sflag:$0x9] =	stream.linear.gather [hbm4b:s15+s4], $0x3200, $0x38;
	[tilespmem:$0x1FF80] =	vst v63  }
0x1a: {  	_ =	swait.ge [sflag:s11], $0x3200  }
0x1b: {  	[sflag:s11] =	ssyncset.done $0x0  }
0x1c: {  	s28 =	simm.s32 $0x1CCA0;
	[sflag:s11] =	ssyncadd.s32 $0xFFFFCE00  }
0x1d: {  	[tilespmem:s4], [sflag:$0x1] =	stream.indirect.gather [hbm4b:s2+s14], $0x80, s17, s14, $0xb8;
	[tilespmem:$0x1FF80] =	vst v63  }
0x1e: {  	s29 =	simm.s32 $0x1CD40;
	s30 =	simm.s32 $0x1CC51;
	s31 =	simm.s32 $0x1CCF1  }
0x1f: {  	[tilespmem:s16], [sflag:$0x2] =	stream.indirect.gather [hbm4b:s2+s14], $0x80, s28, s14, $0xb8;
	[tilespmem:$0x1FF80] =	vst v63  }
0x20: {  	s10 =	simm.s32 $0x0;
	s1 =	simm.s32 $0x1CD91;
	s0 =	simm.s32 $0x1CE31  }
0x21: {  	[tilespmem:s18], [sflag:$0x3] =	stream.indirect.gather [hbm4b:s2+s14], $0x80, s29, s14, $0xb8;
	[tilespmem:$0x1FF80] =	vst v63  }
.LBB2_2:
0x22: {  	_ =	swait.ge [sflag:s19], $0x2800  }
0x23: {  	[sflag:s19] =	ssyncset.done $0x0  }
0x24: {  	[sflag:s19] =	ssyncadd.s32 $0xFFFFD800  }
0x25: {  	v1 =	vld [tilespmem:s30+$0xFFFFFFFF]  }
0x26: {  	v2 =	vld [tilespmem:s30+$0x0];
	_ =	sdelay $0x3  }
0x27: {  	(v2sf) =	vpush v1, $0x0  }
0x28: {  	(v2sf) =	vpush v2, $0x0;
	_ =	sdelay $0x2  }
0x29: {  	v1 =	vld [tilespmem:$0x1FE80];
	_ =	sdelay $0x3  }
0x2a: {  	v3 =	vld [tilespmem:$0x1FE90]  }
0x2b: {  	s15 =	simm.s32 $0x80;
	v5 =	vld [tilespmem:$0x1FEB0];
	[tilespmem:$0x1FFF0] =	vst v1  }
0x2c: {  	v6 =	vld [tilespmem:s15+$0xFFFFFFA0]  }
0x2d: {  	v7 =	vld [tilespmem:s15+$0x30]  }
0x2e: {  	v8 =	vld [tilespmem:s15+$0x70]  }
0x2f: {  	v9 =	vld [tilespmem:s15+$0x0]  }
0x30: {  	v10 =	vld [tilespmem:s15+$0x10]  }
0x31: {  	v16 =	vld [tilespmem:s15+$0x20];
	s5 =	spop (v2sf)  }
0x32: {  	v18 =	vld [tilespmem:s15+$0x40];
	s8 =	spop (v2sf)  }
0x33: {  	v22 =	vld [tilespmem:s15+$0x60];
	s5 =	sshll.u32 s5, $0x9;
	s12 =	sshll.u32 s8, $0x9  }
0x34: {  	v23 =	vld [tilespmem:s15+$0xFFFFFF90];
	s6 =	sshra.s32 s5, $0x2;
	s5 =	sshra.s32 s12, $0x2  }
0x35: {  	v14 =	vld [tilespmem:s5+$0xA010]  }
0x36: {  	v15 =	vld [tilespmem:s5+$0xA000]  }
0x37: {  	v13 =	vld [tilespmem:s5+$0xA020]  }
0x38: {  	v26 =	vld [tilespmem:s15+$0xFFFFFFB0]  }
0x39: {  	v17 =	vld [tilespmem:s5+$0xA030]  }
0x3a: {  	v25 =	vld [tilespmem:s6+$0xA010]  }
0x3b: {  	v40 =	vadd.f32 v14, v10;
	v10 =	vld [tilespmem:s5+$0xA040];
	v14 =	vadd.f32 v15, v9  }
0x3c: {  	v21 =	vld [tilespmem:s5+$0xA050];
	v19 =	vadd.f32 v13, v16  }
0x3d: {  	v9 =	vld [tilespmem:s15+$0x50];
	v20 =	vmul.f32 v40, v40;
	v13 =	vmul.f32 v14, v14;
	v16 =	vadd.f32 v40, v14  }
0x3e: {  	v12 =	vld [tilespmem:s5+$0xA070];
	v15 =	vadd.f32 v17, v7  }
0x3f: {  	v7 =	vld [tilespmem:s5+$0xA060];
	v17 =	vmul.f32 v19, v19;
	v13 =	vadd.f32 v20, v13;
	v20 =	vadd.f32 v19, v16  }
0x40: {  	v11 =	vld [tilespmem:s6+$0xA000];
	v16 =	vadd.f32 v10, v18  }
0x41: {  	v10 =	vld [tilespmem:s15+$0xFFFFFF80];
	v18 =	vmul.f32 v15, v15;
	v13 =	vadd.f32 v17, v13;
	v20 =	vadd.f32 v15, v20  }
0x42: {  	v27 =	vld [tilespmem:s6+$0xA030];
	v23 =	vadd.f32 v25, v23;
	v17 =	vadd.f32 v21, v9  }
0x43: {  	v9 =	vmul.f32 v16, v16;
	v13 =	vadd.f32 v18, v13;
	v18 =	vld [tilespmem:s6+$0xA020];
	v20 =	vadd.f32 v16, v20  }
0x44: {  	v25 =	vld [tilespmem:s15+$0xFFFFFFD0];
	v34 =	vadd.f32 v12, v8;
	v33 =	vadd.f32 v7, v22  }
0x45: {  	s13 =	sadd.s32 $0x2, s30;
	v7 =	vmul.f32 v17, v17;
	v8 =	vadd.f32 v9, v13;
	v9 =	vld [tilespmem:s15+$0xFFFFFFC0];
	v12 =	vadd.f32 v17, v20  }
0x46: {  	v24 =	vadd.f32 v11, v10;
	v10 =	vld [tilespmem:s13+$0xFFFFFFFF]  }
0x47: {  	v11 =	vmul.f32 v33, v33;
	v7 =	vadd.f32 v7, v8;
	v8 =	vld [tilespmem:s6+$0xA040];
	v12 =	vadd.f32 v33, v12  }
0x48: {  	v13 =	vmul.f32 v24, v24;
	v21 =	vadd.f32 v18, v6;
	v6 =	vmul.f32 v23, v23;
	v18 =	vld [tilespmem:s13+$0x0]  }
0x49: {  	v7 =	vadd.f32 v11, v7;
	v11 =	vadd.f32 v34, v12;
	v12 =	vld [tilespmem:s6+$0xA050]  }
0x4a: {  	v20 =	vmul.f32 v34, v34;
	v6 =	vadd.f32 v6, v13;
	v13 =	vld [tilespmem:s15+$0xFFFFFFE0]  }
0x4b: {  	(v2sf) =	vpush v10, $0x0;
	v10 =	vld [tilespmem:s6+$0xA060]  }
0x4c: {  	v26 =	vadd.f32 v27, v26;
	v27 =	vmul.f32 v21, v21;
	v7 =	vadd.f32 v20, v7;
	(xrf2) =	vadd.scan.msk.f32 $0xffff, v11;
	v20 =	vld [tilespmem:s15+$0xFFFFFFF0]  }
0x4d: {  	(v2sf) =	vpush v18, $0x0;
	v18 =	vld [tilespmem:s6+$0xA070]  }
0x4e: {  	v4 =	vld [tilespmem:$0x1FEC0];
	v22 =	vadd.f32 v8, v9;
	v9 =	vmul.f32 v26, v26;
	v6 =	vadd.f32 v27, v6;
	(xrf2) =	vadd.scan.msk.f32 $0xffff, v7  }
0x4f: {  	v2 =	vld [tilespmem:$0x1FEA0];
	v11 =	vadd.f32 v23, v24  }
0x50: {  	v8 =	vld [tilespmem:$0x1FED0];
	v28 =	vadd.f32 v12, v25;
	v6 =	vadd.f32 v9, v6;
	v9 =	vmul.f32 v22, v22  }
0x51: {  	v7 =	vadd.f32 v21, v11;
	s6 =	simm.s32 $0x180;
	v12 =	vld [tilespmem:$0x1FEE0];
	v31 =	vadd.f32 v10, v13  }
0x52: {  	v41 =	vld [tilespmem:s6+$0xFFFFFFA0];
	v10 =	vadd.f32 v9, v6;
	v13 =	vmul.f32 v28, v28;
	v20 =	vadd.f32 v18, v20  }
0x53: {  	v30 =	vld [tilespmem:s6+$0x30];
	v11 =	vadd.f32 v26, v7  }
0x54: {  	v36 =	vld [tilespmem:s6+$0x0];
	v13 =	vadd.f32 v13, v10;
	v18 =	vmul.f32 v31, v31;
	v27 =	vmul.f32 v20, v20  }
0x55: {  	v32 =	vld [tilespmem:s6+$0xFFFFFFB0];
	v11 =	vadd.f32 v22, v11  }
0x56: {  	v46 =	vld [tilespmem:s6+$0x20];
	v18 =	vadd.f32 v18, v13;
	v29, _, _ =	vpop (xrf2)  }
0x57: {  	v58 =	vld [tilespmem:s6+$0x40];
	v25 =	vadd.f32 v28, v11;
	v29 =	vperm.xlane v29, v0  }
0x58: {  	v51 =	vld [tilespmem:s6+$0x50];
	v18 =	vadd.f32 v27, v18;
	v27, _, _ =	vpop (xrf2)  }
0x59: {  	v53 =	vld [tilespmem:s6+$0xFFFFFF90];
	v25 =	vadd.f32 v31, v25;
	v35 =	vmul.f32 $7.812500000e-03, v29;
	v27 =	vperm.xlane v27, v0  }
0x5a: {  	v55 =	vld [tilespmem:s6+$0xFFFFFFE0];
	(xrf2) =	vadd.scan.msk.f32 $0xffff, v18  }
0x5b: {  	v56 =	vld [tilespmem:s6+$0xFFFFFFF0];
	v25 =	vadd.f32 v20, v25;
	v18 =	vmul.f32 $7.812500000e-03, v27;
	v27 =	vmul.f32 v35, v35  }
0x5c: {  	v7 =	vld [tilespmem:$0x1FEF0];
	s17 =	spop (v2sf)  }
0x5d: {  	v29 =	vld [tilespmem:s6+$0x70];
	(xrf2) =	vadd.scan.msk.f32 $0xffff, v25;
	s8 =	sshll.u32 s17, $0x9;
	s11 =	spop (v2sf);
	v18 =	vsub.f32 v18, v27  }
0x5e: {  	v25 =	vld [tilespmem:s6+$0x10];
	s9 =	sshra.s32 s8, $0x2;
	s28 =	sshll.u32 s11, $0x9  }
0x5f: {  	v27 =	vld [tilespmem:s9+$0xA030];
	s8 =	sshra.s32 s28, $0x2;
	v18 =	vadd.f32 $9.999999970e-07, v18  }
0x60: {  	v57 =	vld [tilespmem:s8+$0xA000]  }
0x61: {  	v37 =	vld [tilespmem:s8+$0xA070];
	v42 =	vshra.s32 v18, $0x1;
	v18 =	vmul.f32 $5.000000000e-01, v18  }
0x62: {  	v47 =	vld [tilespmem:s8+$0xA030];
	v44 =	vsub.s32 $0x5F3759DF, v42  }
0x63: {  	v50 =	vld [tilespmem:s8+$0xA040];
	v18 =	vmul.f32 v44, v18  }
0x64: {  	v43 =	vld [tilespmem:s8+$0xA010];
	v45, _, _ =	vpop (xrf2);
	v32 =	vadd.f32 v27, v32  }
0x65: {  	v38 =	vld [tilespmem:s8+$0xA020];
	v27 =	vperm.xlane v45, v0;
	v36 =	vadd.f32 v57, v36;
	v48 =	vmul.f32 v44, v18  }
0x66: {  	v6 =	vld [tilespmem:$0x1FF00]  }
0x67: {  	v61 =	vld [tilespmem:s8+$0xA050];
	v62 =	vmul.f32 v36, v36;
	v18, _, _ =	vpop (xrf2);
	v59 =	vsub.f32 $1.500000000e+00, v48;
	v48 =	vmul.f32 $7.812500000e-03, v27  }
0x68: {  	v9 =	vld [tilespmem:$0x1FF10];
	v27 =	vadd.f32 v47, v30;
	v30 =	vadd.f32 v50, v58;
	v49 =	vperm.xlane v18, v0  }
0x69: {  	v10 =	vld [tilespmem:$0x1FF20];
	v18 =	vadd.f32 v43, v25;
	v25 =	vadd.f32 v37, v29;
	v43 =	vmul.f32 v44, v59  }
0x6a: {  	v52 =	vld [tilespmem:s8+$0xA060];
	v29 =	vadd.f32 v38, v46;
	v54 =	vmul.f32 v27, v27;
	v50 =	vmul.f32 v30, v30  }
0x6b: {  	v44 =	vld [tilespmem:s6+$0x60];
	v42 =	vmul.f32 $7.812500000e-03, v49;
	v60 =	vmul.f32 v18, v18  }
0x6c: {  	v38 =	vadd.f32 v61, v51;
	v59 =	vld [tilespmem:s9+$0xA020];
	v63 =	vmul.f32 v29, v29;
	v35 =	vmul.f32 v43, v35  }
0x6d: {  	v11 =	vld [tilespmem:$0x1FF30];
	v47 =	vadd.f32 v18, v36;
	v19 =	vmul.f32 v43, v19;
	v49 =	vmul.f32 v43, v33  }
0x6e: {  	v51 =	vld [tilespmem:s9+$0xA070];
	v34 =	vmul.f32 v43, v34;
	v45 =	vmul.f32 v43, v16;
	v37 =	vadd.f32 v60, v62  }
0x6f: {  	v39 =	vld [tilespmem:s9+$0xA000];
	v62 =	vmul.f32 v43, v15;
	v19 =	vsub.f32 v19, v35;
	v15 =	vsub.f32 v49, v35  }
0x70: {  	v57 =	vld [tilespmem:s9+$0xA060];
	v46 =	vmul.f32 v42, v42;
	v37 =	vadd.f32 v63, v37;
	v33 =	vadd.f32 v52, v44  }
0x71: {  	v49 =	vmul.f32 v38, v38;
	v44 =	vld [tilespmem:s6+$0xFFFFFF80];
	v52 =	vadd.f32 v29, v47;
	v41 =	vadd.f32 v59, v41  }
0x72: {  	v13 =	vld [tilespmem:$0x1FF40];
	v47 =	vmul.f32 v15, v12;
	v16 =	vadd.f32 v54, v37;
	v37 =	vsub.f32 v34, v35  }
0x73: {  	v54 =	vld [tilespmem:s9+$0xA010];
	v58 =	vmul.f32 v33, v33;
	v34 =	vadd.f32 v51, v56;
	v51 =	vadd.f32 v27, v52  }
0x74: {  	v15 =	vld [tilespmem:$0x1FF50];
	v52 =	vmul.f32 v25, v25;
	v60 =	vadd.f32 v50, v16;
	v16 =	vsub.f32 v48, v46  }
0x75: {  	v56 =	vld [tilespmem:s9+$0xA040];
	v48 =	vmul.f32 v37, v7;
	v37 =	vadd.f32 v57, v55;
	v51 =	vadd.f32 v30, v51  }
0x76: {  	v50 =	vmul.f32 v19, v2;
	v19 =	vld [tilespmem:$0x1FF60];
	v39 =	vadd.f32 v39, v44;
	v55 =	vadd.f32 $9.999999970e-07, v16  }
0x77: {  	s29 =	smul.u32 $0xA00, s10;
	v46 =	vld [tilespmem:s6+$0xFFFFFFD0];
	v44 =	vmul.f32 v43, v40;
	v63 =	vadd.f32 v49, v60;
	v61 =	vadd.f32 v38, v51  }
0x78: {  	v16 =	vld [tilespmem:$0x1FF70];
	v51 =	vsub.f32 v62, v35;
	v40 =	vadd.f32 v54, v53;
	v57 =	vmul.f32 v39, v39  }
0x79: {  	s12 =	sshra.s32 s29, $0x2;
	v49 =	vld [tilespmem:s6+$0xFFFFFFC0];
	v54 =	vmul.f32 $5.000000000e-01, v55;
	v53 =	vshra.s32 v55, $0x1;
	v58 =	vadd.f32 v58, v63  }
0x7a: {  	s5 =	simm.s32 $0x180;
	s8 =	simm.s32 $0x2;
	v55 =	vld [tilespmem:s9+$0xA050];
	s9 =	sadd.s32 $0x2, s13;
	v59 =	vadd.f32 v40, v39;
	v60 =	vmul.f32 v40, v40;
	v53 =	vsub.s32 $0x5F3759DF, v53  }
.LBB2_3:
0x7b: {  	v50 =	vadd.f32 v50, v10;
	v0 =	vsub.f32 v45, v35  }
0x7c: {  	v62 =	vld [tilespmem:s9+$0xFFFFFFFF];
	v59 =	vadd.f32 v41, v59;
	v61 =	vadd.f32 v33, v61  }
0x7d: {  	v57 =	vadd.f32 v60, v57;
	v60 =	vmul.f32 v41, v41;
	v52 =	vadd.f32 v52, v58  }
0x7e: {  	v63 =	vld [tilespmem:s9+$0x0];
	v54 =	vmul.f32 v53, v54;
	v47 =	vadd.f32 v47, v19;
	v44 =	vsub.f32 v44, v35  }
0x7f: {  	v51 =	vmul.f32 v51, v5;
	v58 =	vadd.f32 v32, v59;
	v57 =	vadd.f32 v60, v57  }
0x80: {  	v54 =	vmul.f32 v53, v54;
	v49 =	vadd.f32 v56, v49;
	v56 =	vadd.f32 v25, v61  }
0x81: {  	v60 =	vadd.f32 v48, v16;
	v44 =	vmul.f32 v44, v3;
	(v2sf) =	vpush v62, $0x0  }
0x82: {  	v61 =	vmul.f32 v32, v32;
	v46 =	vadd.f32 v55, v46;
	v55 =	vmul.f32 v43, v17;
	(xrf2) =	vadd.scan.msk.f32 $0xffff, v56  }
0x83: {  	v43 =	vmul.f32 v43, v14;
	v54 =	vsub.f32 $1.500000000e+00, v54;
	(v2sf) =	vpush v63, $0x0  }
0x84: {  	v17 =	vmovc v38;
	v44 =	vadd.f32 v44, v9;
	v58 =	vadd.f32 v49, v58;
	v59 =	vmul.f32 v49, v49  }
0x85: {  	v14 =	vmovc v36;
	v38 =	vadd.f32 v61, v57;
	v62 =	vmul.f32 v46, v46;
	v36 =	vmul.f32 v53, v54  }
0x86: {  	v56 =	vmul.f32 v37, v37;
	(xrf2) =	vadd.scan.msk.f32 $0xffff, v52;
	v61 =	vadd.f32 v46, v58;
	v58 =	vmul.f32 v0, v4  }
0x87: {  	v1 =	vld [tilespmem:$0x1FFF0];
	[tilespmem:s15+$0x20] =	vst v50;
	v38 =	vadd.f32 v59, v38;
	v59 =	vmul.f32 v34, v34;
	v42 =	vmul.f32 v36, v42  }
0x88: {  	[tilespmem:s15+$0x60] =	vst v47;
	v0 =	vimm.s32 $0xF;
	v63 =	vmul.f32 v36, v24;
	v53 =	vmul.f32 v36, v23  }
0x89: {  	v24 =	vmovc v39;
	v48 =	vmul.f32 v36, v21;
	v38 =	vadd.f32 v62, v38;
	v54 =	vadd.f32 v37, v61  }
0x8a: {  	v23 =	vmovc v40;
	v61 =	vadd.f32 v58, v13;
	v62 =	vmul.f32 v36, v22;
	v57 =	vsub.f32 v63, v42  }
0x8b: {  	v21 =	vmovc v41;
	v58 =	vsub.f32 v55, v35;
	v40 =	vadd.f32 v34, v54;
	v54 =	vmul.f32 v36, v26  }
0x8c: {  	s6 =	sadd.s32 $0x100, s6;
	[tilespmem:s15+$0x70] =	vst v60;
	v35 =	vsub.f32 v43, v35;
	v38 =	vadd.f32 v56, v38;
	v39 =	vmul.f32 v57, v1;
	v60, _, _ =	vpop (xrf2)  }
0x8d: {  	v52 =	vld [tilespmem:s6+$0x0];
	v22 =	vmovc v49;
	v49 =	vsub.f32 v53, v42;
	v63 =	vperm.xlane v60, v0;
	v60 =	vsub.f32 v54, v42  }
0x8e: {  	v50 =	vmul.f32 v36, v28;
	v41 =	vld [tilespmem:s6+$0xFFFFFFA0];
	[tilespmem:s15+$0x40] =	vst v61;
	v38 =	vadd.f32 v59, v38;
	v61 =	vadd.f32 v39, v6  }
0x8f: {  	v28 =	vmovc v46;
	v62 =	vsub.f32 v62, v42;
	v57 =	vmul.f32 v36, v31;
	v45 =	vld [tilespmem:s6+$0x30];
	v59 =	vmul.f32 v60, v5  }
0x90: {  	v46 =	vld [tilespmem:s6+$0x70];
	v31 =	vmov v37;
	(xrf2) =	vadd.scan.msk.f32 $0xffff, v38;
	v26, _, _ =	vpop (xrf2);
	[tilespmem:s15+$0xFFFFFF80] =	vst v61;
	v54 =	vmul.f32 v58, v8;
	s11 =	spop (v2sf)  }
0x91: {  	v37 =	vld [tilespmem:s6+$0x10];
	(xrf2) =	vadd.scan.msk.f32 $0xffff, v40;
	v47 =	vmul.f32 $7.812500000e-03, v63;
	v63 =	vperm.xlane v26, v0;
	v26 =	vmovc v32;
	s11 =	sshll.u32 s11, $0x9;
	v32 =	vadd.f32 v59, v11  }
0x92: {  	v50 =	vsub.f32 v50, v42;
	v48 =	vsub.f32 v48, v42;
	v55 =	vld [tilespmem:s6+$0xFFFFFFB0];
	v60 =	vmul.f32 v62, v4;
	s17 =	spop (v2sf);
	s13 =	sshra.s32 s11, $0x2  }
0x93: {  	v61 =	vmul.f32 $7.812500000e-03, v63;
	v62 =	vmul.f32 v47, v47;
	v59 =	vadd.f32 v54, v15;
	s29 =	sshll.u32 s17, $0x9;
	v56 =	vld [tilespmem:s13+$0xA030];
	[tilespmem:s15+$0xFFFFFFB0] =	vst v32  }
0x94: {  	v49 =	vmul.f32 v49, v3;
	v36 =	vmul.f32 v36, v20;
	v20 =	vmovc v34;
	v63 =	vsub.f32 v57, v42;
	s11 =	sshra.s32 s29, $0x2;
	v39 =	vld [tilespmem:s13+$0xA000]  }
0x95: {  	v48 =	vmul.f32 v48, v2;
	v38 =	vadd.f32 v60, v13;
	v53 =	vsub.f32 v61, v62;
	v34 =	vld [tilespmem:s11+$0xA070];
	[tilespmem:s15+$0x50] =	vst v59  }
0x96: {  	v43 =	vadd.f32 v49, v9;
	v36 =	vsub.f32 v36, v42;
	v58 =	vmul.f32 v63, v12;
	v40 =	vld [tilespmem:s11+$0xA020]  }
0x97: {  	v63 =	vadd.f32 v51, v11;
	[tilespmem:s15+$0xFFFFFFC0] =	vst v38;
	v53 =	vadd.f32 $9.999999970e-07, v53;
	v51 =	vld [tilespmem:s11+$0xA000]  }
0x98: {  	v48 =	vadd.f32 v48, v10;
	[tilespmem:s15+$0xFFFFFF90] =	vst v43;
	v32 =	vadd.f32 v58, v19;
	v43 =	vld [tilespmem:s6+$0x20]  }
0x99: {  	v36 =	vmul.f32 v36, v7;
	v60 =	vshra.s32 v53, $0x1;
	v61 =	vmul.f32 $5.000000000e-01, v53;
	v53 =	vld [tilespmem:s11+$0xA010];
	[tilespmem:s15+$0x30] =	vst v63  }
0x9a: {  	v38 =	vmul.f32 v50, v8;
	v62, _, _ =	vpop (xrf2);
	[tilespmem:s15+$0xFFFFFFE0] =	vst v32;
	v49 =	vsub.s32 $0x5F3759DF, v60;
	v32 =	vadd.f32 v56, v55;
	v55 =	vld [tilespmem:s11+$0xA030]  }
0x9b: {  	v54 =	vperm.xlane v62, v0;
	v62, _, _ =	vpop (xrf2);
	v56 =	vld [tilespmem:s6+$0x40];
	[tilespmem:s15+$0x10] =	vst v44;
	v60 =	vmul.f32 v49, v61  }
0x9c: {  	[tilespmem:s15+$0xFFFFFFA0] =	vst v48;
	v38 =	vadd.f32 v38, v15;
	v63 =	vadd.f32 v36, v16;
	v50 =	vperm.xlane v62, v0;
	v48 =	vld [tilespmem:s11+$0xA050]  }
0x9d: {  	v54 =	vmul.f32 $7.812500000e-03, v54;
	v36 =	vadd.f32 v51, v52;
	v51 =	vld [tilespmem:s6+$0x50];
	v61 =	vmul.f32 v49, v60  }
0x9e: {  	v46 =	vadd.f32 v34, v46;
	v42 =	vmul.f32 $7.812500000e-03, v50;
	v40 =	vadd.f32 v40, v43  }
0x9f: {  	[tilespmem:s15+$0xFFFFFFF0] =	vst v63;
	v53 =	vadd.f32 v53, v37;
	v37 =	vld [tilespmem:s11+$0xA040];
	v63 =	vmul.f32 v36, v36;
	v60 =	vsub.f32 $1.500000000e+00, v61  }
0xa0: {  	[tilespmem:s15+$0xFFFFFFD0] =	vst v38;
	v50 =	vmul.f32 v42, v42;
	v61 =	vmul.f32 v35, v1;
	v45 =	vadd.f32 v55, v45  }
0xa1: {  	v59 =	vld [tilespmem:s6+$0xFFFFFFE0];
	v62 =	vmul.f32 v53, v53;
	v52 =	vadd.f32 v53, v36;
	v43 =	vmul.f32 v49, v60  }
0xa2: {  	v55 =	vld [tilespmem:s11+$0xA060];
	v54 =	vsub.f32 v54, v50;
	v58 =	vmul.f32 v45, v45;
	v38 =	vadd.f32 v48, v51  }
0xa3: {  	v49 =	vld [tilespmem:s6+$0x60];
	v34 =	vadd.f32 v62, v63;
	v35 =	vmul.f32 v43, v47;
	v47 =	vmul.f32 v43, v29  }
0xa4: {  	v0 =	vld [tilespmem:s13+$0xA020];
	v29 =	vmovc v40;
	v37 =	vadd.f32 v37, v56;
	v56 =	vadd.f32 v61, v6;
	v44 =	vmul.f32 v43, v25  }
0xa5: {  	v60 =	vld [tilespmem:s6+$0xFFFFFFF0];
	v25 =	vmovc v46;
	v62 =	vmul.f32 v43, v27;
	v27 =	vmov v45;
	v40 =	vmul.f32 v40, v29  }
0xa6: {  	v51 =	vld [tilespmem:s13+$0xA070];
	v45 =	vmul.f32 v43, v30;
	v61 =	vmul.f32 v37, v37;
	v30 =	vmovc v37;
	v37 =	vsub.f32 v44, v35  }
0xa7: {  	v48 =	vmul.f32 v43, v33;
	[tilespmem:s15+$0x0] =	vst v56;
	v56 =	vld [tilespmem:s13+$0xA060];
	v44 =	vadd.f32 v29, v52;
	v34 =	vadd.f32 v40, v34  }
0xa8: {  	v52 =	vmul.f32 v46, v25;
	v40 =	vsub.f32 v47, v35;
	v33 =	vadd.f32 v55, v49;
	v49 =	vld [tilespmem:s6+$0xFFFFFF80]  }
0xa9: {  	v57 =	vld [tilespmem:s6+$0xFFFFFF90];
	v47 =	vsub.f32 v48, v35;
	v55 =	vmul.f32 v38, v38;
	v34 =	vadd.f32 v58, v34  }
0xaa: {  	v41 =	vadd.f32 v0, v41;
	v48 =	vmul.f32 v37, v7;
	v58 =	vld [tilespmem:s13+$0xA010];
	v63 =	vmul.f32 v33, v33  }
0xab: {  	s8 =	sadd.s32 $0x2, s8;
	v47 =	vmul.f32 v47, v12;
	v61 =	vadd.f32 v61, v34;
	v34 =	vadd.f32 v51, v60  }
0xac: {  	p0 =	slt.u32 s8, $0x4E;
	v50 =	vmul.f32 v40, v2;
	v51 =	vadd.f32 v27, v44;
	v60 =	vadd.f32 $9.999999970e-07, v54  }
.Ltmp0:
0xad: {  	v37 =	vadd.f32 v56, v59;
	v44 =	vmul.f32 v43, v18;
	v39 =	vadd.f32 v39, v49;
	(pc) =	sbr.rel @p0 .LBB2_3-.Ltmp0, $4  }
0xae: {  	v46 =	vld [tilespmem:s6+$0xFFFFFFD0];
	v1 =	vadd.f32 v55, v61;
	v51 =	vadd.f32 v30, v51;
	v54 =	vmul.f32 $5.000000000e-01, v60  }
0xaf: {  	v56 =	vld [tilespmem:s13+$0xA040];
	v0 =	vshra.s32 v60, $0x1;
	v40 =	vadd.f32 v58, v57;
	v57 =	vmul.f32 v39, v39  }
0xb0: {  	v18 =	vmovc v53;
	v49 =	vld [tilespmem:s6+$0xFFFFFFC0];
	v53 =	vsub.s32 $0x5F3759DF, v0;
	v61 =	vadd.f32 v38, v51;
	v58 =	vadd.f32 v63, v1  }
0xb1: {  	s9 =	sadd.s32 $0x2, s9;
	s15 =	smov.u32 s5;
	s5 =	smov.u32 s6;
	v55 =	vld [tilespmem:s13+$0xA050];
	v51 =	vsub.f32 v62, v35;
	v59 =	vadd.f32 v40, v39;
	v60 =	vmul.f32 v40, v40  }
0xb2: {  	_ =	sdelay $0x1  }
0xb3: {  	v1 =	vmul.f32 v41, v41;
	v0 =	vadd.f32 v60, v57  }
0xb4: {  	v62 =	vadd.f32 v33, v61;
	v49 =	vadd.f32 v56, v49  }
0xb5: {  	v63 =	vmul.f32 v32, v32;
	v0 =	vadd.f32 v1, v0;
	v1 =	vadd.f32 v41, v59  }
0xb6: {  	v57 =	vadd.f32 v25, v62;
	v46 =	vadd.f32 v55, v46  }
0xb7: {  	v0 =	vadd.f32 v63, v0;
	v59 =	vmul.f32 v49, v49;
	v1 =	vadd.f32 v32, v1  }
0xb8: {  	v54 =	vmul.f32 v53, v54;
	v52 =	vadd.f32 v52, v58  }
0xb9: {  	(xrf2) =	vadd.scan.msk.f32 $0xffff, v57;
	v60 =	vmul.f32 v46, v46;
	v0 =	vadd.f32 v59, v0;
	v1 =	vadd.f32 v49, v1  }
0xba: {  	v54 =	vmul.f32 v53, v54  }
0xbb: {  	v61 =	vmul.f32 v37, v37;
	(xrf2) =	vadd.scan.msk.f32 $0xffff, v52;
	v0 =	vadd.f32 v60, v0;
	v1 =	vadd.f32 v46, v1  }
0xbc: {  	v17 =	vmul.f32 v43, v17;
	v54 =	vsub.f32 $1.500000000e+00, v54  }
0xbd: {  	v62 =	vmul.f32 v34, v34;
	v0 =	vadd.f32 v61, v0;
	v1 =	vadd.f32 v37, v1  }
0xbe: {  	v17 =	vsub.f32 v17, v35  }
0xbf: {  	v63 =	vmul.f32 v53, v54;
	v0 =	vadd.f32 v62, v0;
	v1 =	vadd.f32 v34, v1  }
0xc0: {  	v47 =	vadd.f32 v47, v19;
	v48 =	vadd.f32 v48, v16  }
0xc1: {  	v44 =	vsub.f32 v44, v35;
	v17 =	vmul.f32 v17, v8;
	v42 =	vmul.f32 v63, v42;
	(xrf2) =	vadd.scan.msk.f32 $0xffff, v0  }
0xc2: {  	v56 =	vimm.s32 $0xF;
	v24 =	vmul.f32 v63, v24;
	v23 =	vmul.f32 v63, v23;
	(xrf2) =	vadd.scan.msk.f32 $0xffff, v1  }
0xc3: {  	v52 =	vsub.f32 v45, v35;
	v21 =	vmul.f32 v63, v21;
	v26 =	vmul.f32 v63, v26;
	v1, _, _ =	vpop (xrf2)  }
0xc4: {  	v57 =	vld [tilespmem:$0x1FFF0];
	v45 =	vadd.f32 v50, v10;
	v22 =	vmul.f32 v63, v22;
	v1 =	vperm.xlane v1, v56  }
0xc5: {  	v17 =	vadd.f32 v17, v15;
	v28 =	vmul.f32 v63, v28;
	v31 =	vmul.f32 v63, v31;
	v54, _, _ =	vpop (xrf2)  }
0xc6: {  	v24 =	vsub.f32 v24, v42;
	v50 =	vperm.xlane v54, v56;
	v1 =	vmul.f32 $7.812500000e-03, v1  }
0xc7: {  	v20 =	vmul.f32 v63, v20;
	v23 =	vsub.f32 v23, v42;
	v26 =	vsub.f32 v26, v42  }
0xc8: {  	v22 =	vsub.f32 v22, v42;
	v50 =	vmul.f32 $7.812500000e-03, v50;
	v55 =	vmul.f32 v1, v1  }
0xc9: {  	v31 =	vsub.f32 v31, v42;
	v21 =	vsub.f32 v21, v42;
	v24 =	vmul.f32 v24, v57  }
0xca: {  	v26 =	vmul.f32 v26, v5;
	v22 =	vmul.f32 v22, v4;
	v50 =	vsub.f32 v50, v55  }
0xcb: {  	v28 =	vsub.f32 v28, v42;
	v23 =	vmul.f32 v23, v3;
	v31 =	vmul.f32 v31, v12;
	v58, _, _ =	vpop (xrf2)  }
0xcc: {  	v21 =	vmul.f32 v21, v2;
	v0 =	vmul.f32 v43, v14;
	v50 =	vadd.f32 $9.999999970e-07, v50;
	v59, _, _ =	vpop (xrf2)  }
0xcd: {  	v20 =	vsub.f32 v20, v42;
	v43 =	vmul.f32 v52, v4;
	v52 =	vperm.xlane v59, v56  }
0xce: {  	v14 =	vmul.f32 v51, v5;
	v60 =	vshra.s32 v50, $0x1;
	v50 =	vmul.f32 $5.000000000e-01, v50  }
0xcf: {  	v51 =	vperm.xlane v58, v56;
	v54 =	vsub.s32 $0x5F3759DF, v60;
	v52 =	vmul.f32 $7.812500000e-03, v52  }
0xd0: {  	v24 =	vadd.f32 v24, v6;
	v26 =	vadd.f32 v26, v11;
	v50 =	vmul.f32 v54, v50  }
0xd1: {  	v22 =	vadd.f32 v22, v13;
	v51 =	vmul.f32 $7.812500000e-03, v51;
	v61 =	vmul.f32 v52, v52  }
0xd2: {  	v23 =	vadd.f32 v23, v9;
	v31 =	vadd.f32 v31, v19;
	v62 =	vmul.f32 v54, v50  }
0xd3: {  	v20 =	vmul.f32 v20, v7;
	v21 =	vadd.f32 v21, v10;
	v63 =	vsub.f32 v51, v61  }
0xd4: {  	v28 =	vmul.f32 v28, v8;
	v0 =	vsub.f32 v0, v35;
	v35 =	vsub.f32 $1.500000000e+00, v62  }
0xd5: {  	v44 =	vmul.f32 v44, v3;
	[tilespmem:s15+$0x60] =	vst v47;
	v20 =	vadd.f32 v20, v16;
	v50 =	vadd.f32 $9.999999970e-07, v63  }
0xd6: {  	[tilespmem:s15+$0xFFFFFF80] =	vst v24;
	v24 =	vadd.f32 v28, v15;
	v43 =	vadd.f32 v43, v13;
	v35 =	vmul.f32 v54, v35  }
0xd7: {  	[tilespmem:s15+$0x70] =	vst v48;
	v0 =	vmul.f32 v0, v57;
	v53 =	vmul.f32 $5.000000000e-01, v50;
	v54 =	vshra.s32 v50, $0x1  }
0xd8: {  	[tilespmem:s15+$0x20] =	vst v45;
	v45 =	vsub.s32 $0x5F3759DF, v54;
	v1 =	vmul.f32 v35, v1;
	v28 =	vmul.f32 v35, v29  }
0xd9: {  	[tilespmem:s15+$0x50] =	vst v17;
	v14 =	vadd.f32 v14, v11;
	v29 =	vmul.f32 v35, v33;
	v42 =	vmul.f32 v45, v53  }
0xda: {  	[tilespmem:s15+$0xFFFFFFB0] =	vst v26;
	v0 =	vadd.f32 v0, v6;
	v25 =	vmul.f32 v35, v25;
	v27 =	vmul.f32 v35, v27  }
0xdb: {  	[tilespmem:s15+$0xFFFFFFC0] =	vst v22;
	v17 =	vmul.f32 v35, v30;
	v22 =	vsub.f32 v28, v1;
	v26 =	vmul.f32 v45, v42  }
0xdc: {  	[tilespmem:s15+$0x30] =	vst v14;
	v14 =	vmul.f32 v35, v18;
	v28 =	vsub.f32 v29, v1;
	v25 =	vsub.f32 v25, v1  }
0xdd: {  	[tilespmem:s15+$0xFFFFFFE0] =	vst v31;
	v18 =	vsub.f32 v27, v1;
	v27 =	vmul.f32 v35, v36;
	v26 =	vsub.f32 $1.500000000e+00, v26  }
0xde: {  	[tilespmem:s15+$0xFFFFFF90] =	vst v23;
	v17 =	vsub.f32 v17, v1;
	v28 =	vmul.f32 v28, v12;
	v22 =	vmul.f32 v22, v2  }
0xdf: {  	[tilespmem:s15+$0xFFFFFFA0] =	vst v21;
	v55 =	vadd.f32 v44, v9;
	v23 =	vmul.f32 v25, v7;
	v25 =	vmul.f32 v45, v26  }
0xe0: {  	[tilespmem:s15+$0xFFFFFFF0] =	vst v20;
	v18 =	vmul.f32 v18, v5;
	v17 =	vmul.f32 v17, v4;
	v22 =	vadd.f32 v22, v10  }
0xe1: {  	[tilespmem:s15+$0xFFFFFFD0] =	vst v24;
	v24 =	vadd.f32 v28, v19;
	v29 =	vmul.f32 v25, v52;
	v28 =	vmul.f32 v25, v39  }
0xe2: {  	[tilespmem:s15+$0x40] =	vst v43;
	v21 =	vadd.f32 v23, v16;
	v17 =	vadd.f32 v17, v13;
	v23 =	vmul.f32 v25, v32  }
0xe3: {  	[tilespmem:s15+$0x0] =	vst v0;
	v26 =	vmul.f32 v35, v38;
	v0 =	vmul.f32 v25, v41;
	v28 =	vsub.f32 v28, v29  }
0xe4: {  	[tilespmem:s5+$0x20] =	vst v22;
	v20 =	vmul.f32 v25, v40;
	v30 =	vmul.f32 v25, v49;
	v23 =	vsub.f32 v23, v29  }
0xe5: {  	[tilespmem:s5+$0x60] =	vst v24;
	v24 =	vsub.f32 v26, v1;
	v0 =	vsub.f32 v0, v29;
	v22 =	vmul.f32 v28, v57  }
0xe6: {  	[tilespmem:s15+$0x10] =	vst v55;
	v28 =	vsub.f32 v30, v29;
	v30 =	vmul.f32 v25, v37;
	v5 =	vmul.f32 v23, v5  }
0xe7: {  	[tilespmem:s5+$0x70] =	vst v21;
	v20 =	vsub.f32 v20, v29;
	v0 =	vmul.f32 v0, v2;
	v21 =	vadd.f32 v22, v6  }
0xe8: {  	[tilespmem:s5+$0x40] =	vst v17;
	v4 =	vmul.f32 v28, v4;
	v22 =	vsub.f32 v30, v29;
	v5 =	vadd.f32 v5, v11  }
0xe9: {  	v17 =	vmul.f32 v24, v8;
	v23 =	vmul.f32 v25, v46;
	v0 =	vadd.f32 v0, v10;
	[tilespmem:s5+$0xFFFFFF80] =	vst v21  }
0xea: {  	v4 =	vadd.f32 v4, v13;
	v12 =	vmul.f32 v22, v12;
	v13 =	vsub.f32 v14, v1;
	[tilespmem:s5+$0xFFFFFFB0] =	vst v5  }
0xeb: {  	v14 =	vmul.f32 v20, v3;
	v5 =	vadd.f32 v17, v15;
	v17 =	vsub.f32 v23, v29;
	[tilespmem:s5+$0xFFFFFFA0] =	vst v0  }
0xec: {  	v20 =	vmul.f32 v25, v34;
	v1 =	vsub.f32 v27, v1;
	[tilespmem:s5+$0xFFFFFFC0] =	vst v4;
	v4 =	vadd.f32 v12, v19  }
0xed: {  	v12 =	vadd.f32 v14, v9;
	v3 =	vmul.f32 v13, v3;
	[tilespmem:s5+$0x50] =	vst v5;
	v5 =	vmul.f32 v17, v8  }
0xee: {  	v8 =	vadd.f32 v18, v11;
	v1 =	vmul.f32 v1, v57;
	[tilespmem:s5+$0xFFFFFFE0] =	vst v4;
	v4 =	vsub.f32 v20, v29  }
0xef: {  	[tilespmem:s5+$0xFFFFFF90] =	vst v12;
	v2 =	vadd.f32 v3, v9  }
0xf0: {  	[tilespmem:s5+$0x30] =	vst v8;
	v0 =	vadd.f32 v1, v6;
	v3 =	vmul.f32 v4, v7  }
0xf1: {  	s17 =	sshll.u32 s10, $0x2;
	v4 =	vadd.f32 v5, v15;
	[tilespmem:s5+$0x10] =	vst v2  }
0xf2: {  	s15 =	sor.u32 $0x3, s17;
	[tilespmem:s5+$0x0] =	vst v0;
	v2 =	vadd.f32 v3, v16  }
0xf3: {  	p0 =	seq.s32 s10, $0x0;
	s6 =	smul.u32 $0x280, s15;
	[tilespmem:s5+$0xFFFFFFD0] =	vst v4  }
0xf4: {  	s29 =	smul.u32 $0x140, s10;
	[tilespmem:s5+$0xFFFFFFF0] =	vst v2;
	s5 =	simm.s32 @!p0 $0x8  }
0xf5: {  	s6 =	sshra.s32 s6, $0x2;
	_ =	swait.ge @!p0 [sflag:s5], $0x2800  }
0xf6: {  	s13 =	sadd.s32 $0x1CC00, s6;
	s6 =	sadd.s32 s7, s29;
	[sflag:s5] =	ssyncset.done @!p0 $0x0  }
0xf7: {  	[sflag:s5] =	ssyncadd.s32 @!p0 $0xFFFFD800;
	s5 =	sshll.u32 s6, $0x4  }
0xf8: {  	[tilespmem:s20], [sflag:$0x4] =	stream.indirect.gather [hbm4b:s2+s14], $0x80, s13, s14, $0xb8;
	[tilespmem:$0x1FF80] =	vst v63  }
0xf9: {  	s5 =	sadd.s32 s3, s5  }
0xfa: {  	[hbm4b:s5+s4] =	stream.linear.scatter [tilespmem:s4], [sflag:$0x5], $0x2800, $0x38;
	[tilespmem:$0x1FF80] =	vst v63  }
0xfb: {  	_ =	swait.ge [sflag:s21], $0x2800  }
0xfc: {  	[sflag:s21] =	ssyncset.done $0x0  }
0xfd: {  	[sflag:s21] =	ssyncadd.s32 $0xFFFFD800  }
0xfe: {  	v0 =	vld [tilespmem:s31+$0xFFFFFFFF]  }
0xff: {  	v1 =	vld [tilespmem:s31+$0x0];
	_ =	sdelay $0x3  }
0x100: {  	(v2sf) =	vpush v0, $0x0  }
0x101: {  	(v2sf) =	vpush v1, $0x0;
	_ =	sdelay $0x3  }
0x102: {  	v3 =	vld [tilespmem:$0x1FE90]  }
0x103: {  	v2 =	vld [tilespmem:$0x1FEA0]  }
0x104: {  	v5 =	vld [tilespmem:$0x1FEB0]  }
0x105: {  	s13 =	simm.s32 $0x2880;
	v4 =	vld [tilespmem:$0x1FEC0]  }
0x106: {  	v6 =	vld [tilespmem:s13+$0x30]  }
0x107: {  	v7 =	vld [tilespmem:s13+$0x70]  }
0x108: {  	v8 =	vld [tilespmem:s13+$0x0]  }
0x109: {  	v9 =	vld [tilespmem:s13+$0x10]  }
0x10a: {  	v15 =	vld [tilespmem:s13+$0x20]  }
0x10b: {  	v17 =	vld [tilespmem:s13+$0x40]  }
0x10c: {  	v20 =	vld [tilespmem:s13+$0x60];
	s8 =	spop (v2sf)  }
0x10d: {  	v22 =	vld [tilespmem:s13+$0xFFFFFF90];
	s9 =	spop (v2sf)  }
0x10e: {  	v25 =	vld [tilespmem:s13+$0xFFFFFFB0];
	s6 =	sshll.u32 s9, $0x9  }
0x10f: {  	v0 =	vld [tilespmem:s13+$0xFFFFFFA0];
	s6 =	sshra.s32 s6, $0x2  }
0x110: {  	v13 =	vld [tilespmem:s6+$0xA010]  }
0x111: {  	s5 =	sshll.u32 s8, $0x9;
	v14 =	vld [tilespmem:s6+$0xA000]  }
0x112: {  	s5 =	sshra.s32 s5, $0x2;
	v12 =	vld [tilespmem:s6+$0xA020]  }
0x113: {  	v10 =	vld [tilespmem:s5+$0xA000]  }
0x114: {  	v16 =	vld [tilespmem:s6+$0xA030]  }
0x115: {  	v26 =	vld [tilespmem:s5+$0xA030]  }
0x116: {  	v39 =	vadd.f32 v13, v9;
	v9 =	vld [tilespmem:s6+$0xA040];
	v14 =	vadd.f32 v14, v8  }
0x117: {  	v18 =	vld [tilespmem:s6+$0xA050];
	v19 =	vadd.f32 v12, v15  }
0x118: {  	v8 =	vld [tilespmem:s13+$0x50];
	v13 =	vmul.f32 v39, v39;
	v12 =	vmul.f32 v14, v14;
	v21 =	vadd.f32 v39, v14  }
0x119: {  	v11 =	vld [tilespmem:s6+$0xA070];
	v15 =	vadd.f32 v16, v6  }
0x11a: {  	v6 =	vld [tilespmem:s6+$0xA060];
	v12 =	vadd.f32 v13, v12;
	v13 =	vmul.f32 v19, v19;
	v21 =	vadd.f32 v19, v21  }
0x11b: {  	v16 =	vadd.f32 v9, v17;
	v9 =	vld [tilespmem:s13+$0xFFFFFF80]  }
0x11c: {  	v23 =	vmul.f32 v15, v15;
	v12 =	vadd.f32 v13, v12;
	v13 =	vld [tilespmem:s5+$0xA010];
	v21 =	vadd.f32 v15, v21  }
0x11d: {  	v26 =	vadd.f32 v26, v25;
	v17 =	vadd.f32 v18, v8;
	v18 =	vld [tilespmem:s5+$0xA020]  }
0x11e: {  	v1 =	vld [tilespmem:$0x1FE80];
	v8 =	vmul.f32 v16, v16;
	v12 =	vadd.f32 v23, v12;
	v21 =	vadd.f32 v16, v21  }
0x11f: {  	v25 =	vld [tilespmem:s13+$0xFFFFFFE0];
	v34 =	vadd.f32 v11, v7;
	v33 =	vadd.f32 v6, v20  }
0x120: {  	s6 =	sadd.s32 $0x2, s31;
	v6 =	vmul.f32 v17, v17;
	v7 =	vadd.f32 v8, v12;
	v8 =	vld [tilespmem:s13+$0xFFFFFFC0];
	v11 =	vadd.f32 v17, v21  }
0x121: {  	v24 =	vadd.f32 v10, v9;
	v9 =	vld [tilespmem:s6+$0xFFFFFFFF];
	v23 =	vadd.f32 v13, v22  }
0x122: {  	v10 =	vmul.f32 v33, v33;
	v21 =	vadd.f32 v18, v0;
	v13 =	vld [tilespmem:s6+$0x0];
	v6 =	vadd.f32 v6, v7  }
0x123: {  	v7 =	vld [tilespmem:s5+$0xA040];
	v11 =	vadd.f32 v33, v11;
	v12 =	vmul.f32 v24, v24;
	v0 =	vmul.f32 v23, v23  }
0x124: {  	v20 =	vld [tilespmem:s13+$0xFFFFFFD0];
	v18 =	vmul.f32 v34, v34;
	v6 =	vadd.f32 v10, v6  }
0x125: {  	v10 =	vadd.f32 v34, v11;
	v11 =	vld [tilespmem:s5+$0xA050];
	v0 =	vadd.f32 v0, v12  }
0x126: {  	v12 =	vmul.f32 v21, v21;
	(v2sf) =	vpush v9, $0x0;
	v9 =	vld [tilespmem:s5+$0xA060];
	v6 =	vadd.f32 v18, v6  }
0x127: {  	(xrf2) =	vadd.scan.msk.f32 $0xffff, v10;
	v10 =	vadd.f32 v23, v24;
	v18 =	vld [tilespmem:s13+$0xFFFFFFF0];
	(v2sf) =	vpush v13, $0x0  }
0x128: {  	s8 =	simm.s32 $0x2980;
	v13 =	vld [tilespmem:s5+$0xA070];
	v22 =	vadd.f32 v7, v8;
	v7 =	vmul.f32 v26, v26;
	v0 =	vadd.f32 v12, v0  }
0x129: {  	v41 =	vld [tilespmem:s8+$0xFFFFFFA0];
	(xrf2) =	vadd.scan.msk.f32 $0xffff, v6;
	v6 =	vadd.f32 v21, v10  }
0x12a: {  	v30 =	vld [tilespmem:s8+$0x30];
	v28 =	vadd.f32 v11, v20;
	v0 =	vadd.f32 v7, v0;
	v10 =	vmul.f32 v22, v22  }
0x12b: {  	v58 =	vld [tilespmem:s8+$0xFFFFFFB0];
	v11 =	vadd.f32 v26, v6  }
0x12c: {  	v63 =	vld [tilespmem:s8+$0x20];
	v31 =	vadd.f32 v9, v25;
	v0 =	vadd.f32 v10, v0;
	v10 =	vmul.f32 v28, v28  }
0x12d: {  	v57 =	vld [tilespmem:s8+$0x40];
	v20 =	vadd.f32 v13, v18;
	v11 =	vadd.f32 v22, v11  }
0x12e: {  	v45 =	vld [tilespmem:s8+$0x60];
	v13 =	vmul.f32 v31, v31;
	v0 =	vadd.f32 v10, v0  }
0x12f: {  	v53 =	vld [tilespmem:s8+$0xFFFFFF90];
	v25 =	vmul.f32 v20, v20;
	v18 =	vadd.f32 v28, v11  }
0x130: {  	v44 =	vld [tilespmem:s8+$0xFFFFFFE0];
	v0 =	vadd.f32 v13, v0  }
0x131: {  	v8 =	vld [tilespmem:$0x1FED0];
	v27, _, _ =	vpop (xrf2);
	v18 =	vadd.f32 v31, v18  }
0x132: {  	v12 =	vld [tilespmem:$0x1FEE0];
	v27 =	vperm.xlane v27, v56;
	v0 =	vadd.f32 v25, v0  }
0x133: {  	v7 =	vld [tilespmem:$0x1FEF0];
	v25, _, _ =	vpop (xrf2);
	v18 =	vadd.f32 v20, v18  }
0x134: {  	v6 =	vld [tilespmem:$0x1FF00];
	v35 =	vmul.f32 $7.812500000e-03, v27;
	v25 =	vperm.xlane v25, v56;
	(xrf2) =	vadd.scan.msk.f32 $0xffff, v0  }
0x135: {  	v9 =	vld [tilespmem:$0x1FF10];
	s11 =	spop (v2sf);
	(xrf2) =	vadd.scan.msk.f32 $0xffff, v18  }
0x136: {  	v27 =	vld [tilespmem:s8+$0x0];
	v25 =	vmul.f32 $7.812500000e-03, v25;
	v29 =	vmul.f32 v35, v35;
	s5 =	sshll.u32 s11, $0x9;
	s9 =	spop (v2sf)  }
0x137: {  	v18 =	vld [tilespmem:s8+$0x10];
	s11 =	sshra.s32 s5, $0x2;
	s29 =	sshll.u32 s9, $0x9  }
0x138: {  	v25 =	vsub.f32 v25, v29;
	v29 =	vld [tilespmem:s11+$0xA030];
	s5 =	sshra.s32 s29, $0x2  }
0x139: {  	v61 =	vld [tilespmem:s5+$0xA000]  }
0x13a: {  	v54 =	vld [tilespmem:s5+$0xA030];
	v25 =	vadd.f32 $9.999999970e-07, v25  }
0x13b: {  	v60 =	vld [tilespmem:s5+$0xA010]  }
0x13c: {  	v0 =	vld [tilespmem:s8+$0x70];
	v59 =	vshra.s32 v25, $0x1;
	v25 =	vmul.f32 $5.000000000e-01, v25  }
0x13d: {  	v38 =	vld [tilespmem:s5+$0xA020];
	v43 =	vsub.s32 $0x5F3759DF, v59  }
0x13e: {  	v37 =	vld [tilespmem:s5+$0xA070];
	v32 =	vadd.f32 v29, v58;
	v25 =	vmul.f32 v43, v25;
	v62, _, _ =	vpop (xrf2)  }
0x13f: {  	v58 =	vld [tilespmem:s5+$0xA040];
	v36 =	vadd.f32 v61, v27;
	v27 =	vadd.f32 v54, v30;
	v55, _, _ =	vpop (xrf2);
	v29 =	vperm.xlane v62, v56  }
0x140: {  	v18 =	vadd.f32 v60, v18;
	v60 =	vld [tilespmem:s8+$0x50];
	v25 =	vmul.f32 v43, v25;
	v47 =	vperm.xlane v55, v56  }
0x141: {  	v61 =	vld [tilespmem:s5+$0xA050];
	v62 =	vmul.f32 v36, v36;
	v52 =	vmul.f32 v27, v27  }
0x142: {  	v10 =	vld [tilespmem:$0x1FF20];
	v50 =	vmul.f32 $7.812500000e-03, v29;
	v29 =	vadd.f32 v38, v63;
	v59 =	vsub.f32 $1.500000000e+00, v25  }
0x143: {  	v49 =	vld [tilespmem:s5+$0xA060];
	v42 =	vmul.f32 $7.812500000e-03, v47;
	v25 =	vadd.f32 v37, v0;
	v0 =	vmul.f32 v18, v18  }
0x144: {  	v51 =	vld [tilespmem:s11+$0xA070];
	v47 =	vadd.f32 v18, v36;
	v30 =	vadd.f32 v58, v57;
	v43 =	vmul.f32 v43, v59  }
0x145: {  	v54 =	vld [tilespmem:s8+$0xFFFFFFF0];
	v63 =	vmul.f32 v29, v29;
	v46 =	vmul.f32 v42, v42;
	v0 =	vadd.f32 v0, v62  }
0x146: {  	v56 =	vld [tilespmem:s11+$0xA060];
	v38 =	vadd.f32 v61, v60;
	v55 =	vmul.f32 v30, v30;
	v35 =	vmul.f32 v43, v35  }
0x147: {  	v58 =	vld [tilespmem:s11+$0xA010];
	v19 =	vmul.f32 v43, v19;
	v37 =	vmul.f32 v43, v33;
	v0 =	vadd.f32 v63, v0  }
0x148: {  	v59 =	vld [tilespmem:s11+$0xA020];
	v34 =	vmul.f32 v43, v34;
	v33 =	vadd.f32 v49, v45;
	v46 =	vsub.f32 v50, v46  }
0x149: {  	v11 =	vld [tilespmem:$0x1FF30];
	v62 =	vmul.f32 v43, v15;
	v19 =	vsub.f32 v19, v35;
	v15 =	vsub.f32 v37, v35  }
0x14a: {  	v40 =	vld [tilespmem:s11+$0xA000];
	v45 =	vmul.f32 v43, v16;
	v0 =	vadd.f32 v52, v0;
	v16 =	vsub.f32 v34, v35  }
0x14b: {  	v57 =	vmul.f32 v38, v38;
	v49 =	vld [tilespmem:s8+$0xFFFFFF80];
	v52 =	vadd.f32 v29, v47;
	v34 =	vadd.f32 v51, v54  }
0x14c: {  	v13 =	vld [tilespmem:$0x1FF40];
	v63 =	vmul.f32 v33, v33;
	v37 =	vadd.f32 v56, v44;
	v61 =	vadd.f32 $9.999999970e-07, v46  }
0x14d: {  	v44 =	vmul.f32 v43, v39;
	v46 =	vld [tilespmem:s8+$0xFFFFFFD0];
	v39 =	vadd.f32 v58, v53;
	v41 =	vadd.f32 v59, v41  }
0x14e: {  	v56 =	vld [tilespmem:s11+$0xA040];
	v47 =	vmul.f32 v15, v12;
	v50 =	vmul.f32 v19, v2;
	v60 =	vadd.f32 v27, v52  }
0x14f: {  	v0 =	vadd.f32 v55, v0;
	v15 =	vld [tilespmem:$0x1FF50];
	v48 =	vmul.f32 v16, v7;
	v52 =	vmul.f32 v25, v25  }
0x150: {  	v19 =	vld [tilespmem:$0x1FF60];
	v53 =	vshra.s32 v61, $0x1;
	v40 =	vadd.f32 v40, v49;
	v51 =	vadd.f32 v30, v60  }
0x151: {  	v16 =	vld [tilespmem:$0x1FF70];
	v54 =	vmul.f32 $5.000000000e-01, v61;
	v53 =	vsub.s32 $0x5F3759DF, v53;
	v0 =	vadd.f32 v57, v0  }
0x152: {  	s28 =	sadd.s32 $0x2, s6;
	v49 =	vld [tilespmem:s8+$0xFFFFFFC0];
	v60 =	vmul.f32 v39, v39;
	v59 =	vadd.f32 v39, v40;
	v61 =	vadd.f32 v38, v51  }
0x153: {  	s6 =	simm.s32 $0x2980;
	s9 =	simm.s32 $0x2;
	s5 =	sor.u32 $0x1, s17;
	v55 =	vld [tilespmem:s11+$0xA050];
	v57 =	vmul.f32 v40, v40;
	v58 =	vadd.f32 v63, v0;
	v51 =	vsub.f32 v62, v35  }
.LBB2_5:
0x154: {  	v59 =	vadd.f32 v41, v59  }
0x155: {  	v0 =	vld [tilespmem:s28+$0xFFFFFFFF];
	s9 =	sadd.s32 $0x2, s9;
	v61 =	vadd.f32 v33, v61;
	v54 =	vmul.f32 v53, v54;
	v57 =	vadd.f32 v60, v57  }
0x156: {  	v60 =	vmul.f32 v41, v41;
	v50 =	vadd.f32 v50, v10;
	v62 =	vld [tilespmem:s28+$0x0];
	p0 =	slt.u32 s9, $0x4E;
	v52 =	vadd.f32 v52, v58  }
0x157: {  	v49 =	vadd.f32 v56, v49;
	v56 =	vadd.f32 v25, v61;
	v54 =	vmul.f32 v53, v54  }
0x158: {  	v58 =	vadd.f32 v32, v59;
	v59 =	vmul.f32 v32, v32;
	v46 =	vadd.f32 v55, v46  }
0x159: {  	v51 =	vmul.f32 v51, v5;
	v55 =	vmul.f32 v43, v17;
	v17 =	vmovc v38;
	(xrf2) =	vadd.scan.msk.f32 $0xffff, v56;
	v54 =	vsub.f32 $1.500000000e+00, v54  }
0x15a: {  	v38 =	vmul.f32 v43, v14;
	v14 =	vmovc v36;
	(v2sf) =	vpush v0, $0x0;
	v0 =	vadd.f32 v60, v57  }
0x15b: {  	v43 =	vadd.f32 v47, v19;
	(v2sf) =	vpush v62, $0x0;
	v36 =	vmul.f32 v53, v54;
	[tilespmem:s13+$0x20] =	vst v50  }
0x15c: {  	v47 =	vadd.f32 v49, v58;
	v50 =	vmul.f32 v49, v49;
	v0 =	vadd.f32 v59, v0;
	(xrf2) =	vadd.scan.msk.f32 $0xffff, v52  }
0x15d: {  	v56 =	vimm.s32 $0xF;
	v42 =	vmul.f32 v36, v42;
	[tilespmem:s13+$0x60] =	vst v43;
	v43 =	vadd.f32 v48, v16  }
0x15e: {  	v47 =	vadd.f32 v46, v47;
	v48 =	vmul.f32 v46, v46;
	v0 =	vadd.f32 v50, v0  }
0x15f: {  	v53 =	vsub.f32 v45, v35;
	v52 =	vmul.f32 v36, v23;
	v50 =	vmul.f32 v36, v24;
	[tilespmem:s13+$0x70] =	vst v43  }
0x160: {  	v45 =	vmul.f32 v37, v37;
	v24 =	vmovc v40;
	v43 =	vadd.f32 v37, v47;
	v0 =	vadd.f32 v48, v0  }
0x161: {  	v23 =	vmovc v39;
	v47 =	vmul.f32 v36, v21;
	v40 =	vsub.f32 v50, v42;
	v48 =	vmul.f32 v53, v4  }
0x162: {  	v21 =	vmovc v41;
	v39 =	vadd.f32 v34, v43;
	v43 =	vmul.f32 v34, v34;
	v0 =	vadd.f32 v45, v0  }
0x163: {  	v26 =	vmul.f32 v36, v26;
	v40 =	vmul.f32 v40, v1;
	v45 =	vadd.f32 v48, v13;
	v41, _, _ =	vpop (xrf2)  }
0x164: {  	v48 =	vmul.f32 v36, v28;
	v53 =	vadd.f32 v43, v0;
	v43 =	vmul.f32 v36, v22;
	v22 =	vmovc v49  }
0x165: {  	s8 =	sadd.s32 $0x100, s8;
	v50 =	vsub.f32 v26, v42;
	v54 =	vperm.xlane v41, v56;
	v49 =	vsub.f32 v52, v42;
	[tilespmem:s13+$0x40] =	vst v45  }
0x166: {  	v57 =	vmul.f32 v36, v31;
	v40 =	vadd.f32 v40, v6;
	v41 =	vld [tilespmem:s8+$0xFFFFFFA0];
	(xrf2) =	vadd.scan.msk.f32 $0xffff, v53;
	v0, _, _ =	vpop (xrf2);
	v43 =	vsub.f32 v43, v42  }
0x167: {  	v26 =	vmovc v32;
	v28 =	vmovc v46;
	v52 =	vmul.f32 $7.812500000e-03, v54;
	v53 =	vsub.f32 v55, v35;
	v45 =	vld [tilespmem:s8+$0x30];
	v0 =	vperm.xlane v0, v56  }
0x168: {  	v32 =	vmul.f32 v50, v5;
	v46 =	vld [tilespmem:s8+$0x70];
	[tilespmem:s13+$0xFFFFFF80] =	vst v40;
	v40 =	vmul.f32 v43, v4;
	v43 =	vsub.f32 v44, v35  }
0x169: {  	v31 =	vmovc v37;
	v50 =	vmul.f32 v52, v52;
	v44 =	vld [tilespmem:s8+$0x0];
	s11 =	spop (v2sf);
	v0 =	vmul.f32 $7.812500000e-03, v0;
	(xrf2) =	vadd.scan.msk.f32 $0xffff, v39;
	v39 =	vsub.f32 v57, v42  }
0x16a: {  	v32 =	vadd.f32 v32, v11;
	v53 =	vmul.f32 v53, v8;
	s11 =	sshll.u32 s11, $0x9;
	v37 =	vld [tilespmem:s8+$0x10];
	s29 =	spop (v2sf);
	v40 =	vadd.f32 v40, v13  }
0x16b: {  	v48 =	vsub.f32 v48, v42;
	v49 =	vmul.f32 v49, v3;
	s11 =	sshra.s32 s11, $0x2;
	v54 =	vld [tilespmem:s8+$0xFFFFFFB0];
	s29 =	sshll.u32 s29, $0x9;
	v0 =	vsub.f32 v0, v50  }
0x16c: {  	v36 =	vmul.f32 v36, v20;
	v53 =	vadd.f32 v53, v15;
	v50 =	vld [tilespmem:s11+$0xA030];
	s29 =	sshra.s32 s29, $0x2;
	[tilespmem:s13+$0xFFFFFFB0] =	vst v32;
	v32 =	vmul.f32 v39, v12  }
0x16d: {  	v20 =	vmovc v34;
	v35 =	vsub.f32 v38, v35;
	v39 =	vld [tilespmem:s11+$0xA000];
	v0 =	vadd.f32 $9.999999970e-07, v0;
	[tilespmem:s13+$0xFFFFFFC0] =	vst v40;
	v40 =	vmul.f32 v48, v8  }
0x16e: {  	v38 =	vadd.f32 v49, v9;
	v43 =	vmul.f32 v43, v3;
	v34 =	vld [tilespmem:s29+$0xA070];
	v32 =	vadd.f32 v32, v19;
	[tilespmem:s13+$0x50] =	vst v53  }
0x16f: {  	v47 =	vsub.f32 v47, v42;
	v48 =	vld [tilespmem:s29+$0xA020];
	v49 =	vshra.s32 v0, $0x1;
	v0 =	vmul.f32 $5.000000000e-01, v0  }
0x170: {  	v36 =	vsub.f32 v36, v42;
	v57 =	vadd.f32 v51, v11;
	v53 =	vld [tilespmem:s29+$0xA010];
	v49 =	vsub.s32 $0x5F3759DF, v49;
	v55, _, _ =	vpop (xrf2);
	[tilespmem:s13+$0xFFFFFFE0] =	vst v32  }
0x171: {  	v32 =	vadd.f32 v50, v54;
	v50 =	vld [tilespmem:s29+$0xA000];
	v51 =	vperm.xlane v55, v56;
	v0 =	vmul.f32 v49, v0;
	[tilespmem:s13+$0xFFFFFF90] =	vst v38  }
0x172: {  	v47 =	vmul.f32 v47, v2;
	v36 =	vmul.f32 v36, v7;
	v43 =	vadd.f32 v43, v9;
	v38 =	vld [tilespmem:s8+$0x20];
	[tilespmem:s13+$0x30] =	vst v57  }
0x173: {  	v40 =	vadd.f32 v40, v15;
	v54 =	vld [tilespmem:s29+$0xA030];
	v51 =	vmul.f32 $7.812500000e-03, v51;
	v0 =	vmul.f32 v49, v0;
	v42, _, _ =	vpop (xrf2)  }
0x174: {  	v47 =	vadd.f32 v47, v10;
	v55 =	vld [tilespmem:s8+$0x40];
	v42 =	vperm.xlane v42, v56;
	v56 =	vadd.f32 v36, v16;
	[tilespmem:s13+$0x10] =	vst v43  }
0x175: {  	v53 =	vadd.f32 v53, v37;
	v37 =	vld [tilespmem:s29+$0xA040];
	v0 =	vsub.f32 $1.500000000e+00, v0;
	[tilespmem:s13+$0xFFFFFFD0] =	vst v40;
	v40 =	vmul.f32 v35, v1  }
0x176: {  	v46 =	vadd.f32 v34, v46;
	v36 =	vadd.f32 v50, v44;
	v44 =	vld [tilespmem:s8+$0x50];
	v42 =	vmul.f32 $7.812500000e-03, v42;
	[tilespmem:s13+$0xFFFFFFA0] =	vst v47  }
0x177: {  	v34 =	vmul.f32 v53, v53;
	v38 =	vadd.f32 v48, v38;
	v47 =	vld [tilespmem:s29+$0xA050];
	v43 =	vmul.f32 v49, v0;
	[tilespmem:s13+$0xFFFFFFF0] =	vst v56  }
0x178: {  	v0 =	vmul.f32 v36, v36;
	v45 =	vadd.f32 v54, v45;
	v48 =	vld [tilespmem:s8+$0x60];
	v49 =	vmul.f32 v42, v42  }
0x179: {  	v50 =	vadd.f32 v53, v36;
	v54 =	vld [tilespmem:s29+$0xA060];
	v35 =	vmul.f32 v43, v52;
	v52 =	vmul.f32 v43, v29;
	v29 =	vmovc v38  }
0x17a: {  	v40 =	vadd.f32 v40, v6;
	v56 =	vld [tilespmem:s8+$0xFFFFFF90];
	v57 =	vmul.f32 v45, v45;
	v37 =	vadd.f32 v37, v55  }
0x17b: {  	v58 =	vmul.f32 v43, v25;
	v25 =	vmovc v46;
	v0 =	vadd.f32 v34, v0;
	v34 =	vmul.f32 v38, v29;
	v55 =	vld [tilespmem:s8+$0xFFFFFFE0]  }
0x17c: {  	v59 =	vld [tilespmem:s8+$0xFFFFFFF0];
	v60 =	vmul.f32 v37, v37;
	v38 =	vadd.f32 v47, v44;
	v44 =	vmul.f32 v43, v33;
	[tilespmem:s13+$0x0] =	vst v40;
	s13 =	smov.u32 s6;
	s6 =	smov.u32 s8  }
0x17d: {  	v62 =	vmul.f32 v43, v27;
	v27 =	vmovc v45;
	v0 =	vadd.f32 v34, v0;
	v34 =	vsub.f32 v52, v35;
	v40 =	vld [tilespmem:s11+$0xA070]  }
0x17e: {  	v45 =	vmul.f32 v43, v30;
	v30 =	vmovc v37;
	v52 =	vld [tilespmem:s11+$0xA060];
	v33 =	vadd.f32 v54, v48;
	v44 =	vsub.f32 v44, v35  }
0x17f: {  	v37 =	vsub.f32 v58, v35;
	v0 =	vadd.f32 v57, v0;
	v57 =	vmul.f32 v38, v38;
	v54 =	vld [tilespmem:s8+$0xFFFFFF80]  }
0x180: {  	v48 =	vadd.f32 v29, v50;
	v58 =	vld [tilespmem:s11+$0xA010];
	v63 =	vmul.f32 v33, v33;
	v47 =	vmul.f32 v44, v12  }
0x181: {  	v50 =	vmul.f32 v34, v2;
	v0 =	vadd.f32 v60, v0;
	v44 =	vsub.f32 v51, v49;
	v61 =	vld [tilespmem:s11+$0xA020]  }
0x182: {  	v51 =	vadd.f32 v27, v48;
	v48 =	vmul.f32 v37, v7;
	v34 =	vadd.f32 v40, v59  }
0x183: {  	v37 =	vadd.f32 v52, v55;
	v52 =	vmul.f32 v46, v25;
	v55 =	vadd.f32 $9.999999970e-07, v44  }
.Ltmp1:
0x184: {  	v0 =	vadd.f32 v57, v0;
	v44 =	vmul.f32 v43, v18;
	v18 =	vmovc v53;
	v40 =	vadd.f32 v39, v54;
	v46 =	vld [tilespmem:s8+$0xFFFFFFD0];
	(pc) =	sbr.rel @p0 .LBB2_5-.Ltmp1, $4  }
0x185: {  	v51 =	vadd.f32 v30, v51;
	v39 =	vadd.f32 v58, v56;
	v49 =	vld [tilespmem:s8+$0xFFFFFFC0];
	v54 =	vmul.f32 $5.000000000e-01, v55  }
0x186: {  	v53 =	vshra.s32 v55, $0x1;
	v57 =	vmul.f32 v40, v40;
	v41 =	vadd.f32 v61, v41;
	v56 =	vld [tilespmem:s11+$0xA040]  }
0x187: {  	v61 =	vadd.f32 v38, v51;
	v59 =	vadd.f32 v39, v40;
	v60 =	vmul.f32 v39, v39;
	v55 =	vld [tilespmem:s11+$0xA050]  }
0x188: {  	s28 =	sadd.s32 $0x2, s28;
	v58 =	vadd.f32 v63, v0;
	v53 =	vsub.s32 $0x5F3759DF, v53;
	v51 =	vsub.f32 v62, v35  }
0x189: {  	v0 =	vadd.f32 v60, v57;
	v57 =	vmul.f32 v41, v41  }
0x18a: {  	v60 =	vadd.f32 v33, v61  }
0x18b: {  	v62 =	vmul.f32 v32, v32;
	v49 =	vadd.f32 v56, v49;
	v0 =	vadd.f32 v57, v0  }
0x18c: {  	v63 =	vadd.f32 v41, v59;
	v60 =	vadd.f32 v25, v60  }
0x18d: {  	v46 =	vadd.f32 v55, v46;
	v0 =	vadd.f32 v62, v0;
	v61 =	vmul.f32 v49, v49  }
0x18e: {  	v52 =	vadd.f32 v52, v58;
	v62 =	vadd.f32 v32, v63;
	(xrf2) =	vadd.scan.msk.f32 $0xffff, v60  }
0x18f: {  	v63 =	vmul.f32 v46, v46;
	v0 =	vadd.f32 v61, v0  }
0x190: {  	v54 =	vmul.f32 v53, v54;
	(xrf2) =	vadd.scan.msk.f32 $0xffff, v52;
	v56 =	vadd.f32 v49, v62  }
0x191: {  	v59 =	vmul.f32 v37, v37;
	v17 =	vmul.f32 v43, v17;
	v0 =	vadd.f32 v63, v0  }
0x192: {  	v45 =	vsub.f32 v45, v35;
	v54 =	vmul.f32 v53, v54;
	v60 =	vadd.f32 v46, v56  }
0x193: {  	v44 =	vsub.f32 v44, v35;
	v61 =	vmul.f32 v34, v34;
	v0 =	vadd.f32 v59, v0  }
0x194: {  	v54 =	vsub.f32 $1.500000000e+00, v54;
	v55 =	vadd.f32 v37, v60  }
0x195: {  	v17 =	vsub.f32 v17, v35;
	v0 =	vadd.f32 v61, v0  }
0x196: {  	v45 =	vmul.f32 v45, v4;
	v62 =	vmul.f32 v53, v54;
	v63 =	vadd.f32 v34, v55  }
0x197: {  	v50 =	vadd.f32 v50, v10;
	v44 =	vmul.f32 v44, v3;
	v17 =	vmul.f32 v17, v8;
	(xrf2) =	vadd.scan.msk.f32 $0xffff, v0  }
0x198: {  	v57 =	vimm.s32 $0xF;
	v42 =	vmul.f32 v62, v42;
	v24 =	vmul.f32 v62, v24;
	v54, _, _ =	vpop (xrf2);
	(xrf2) =	vadd.scan.msk.f32 $0xffff, v63  }
0x199: {  	v47 =	vadd.f32 v47, v19;
	v0 =	vmul.f32 v43, v14;
	v43 =	vperm.xlane v54, v57  }
0x19a: {  	v48 =	vadd.f32 v48, v16;
	v23 =	vmul.f32 v62, v23;
	v14 =	vmul.f32 v51, v5;
	v55, _, _ =	vpop (xrf2)  }
0x19b: {  	v45 =	vadd.f32 v45, v13;
	v51 =	vperm.xlane v55, v57;
	v43 =	vmul.f32 $7.812500000e-03, v43  }
0x19c: {  	v44 =	vadd.f32 v44, v9;
	v21 =	vmul.f32 v62, v21;
	v26 =	vmul.f32 v62, v26  }
0x19d: {  	v17 =	vadd.f32 v17, v15;
	v51 =	vmul.f32 $7.812500000e-03, v51;
	v56 =	vmul.f32 v43, v43  }
0x19e: {  	v22 =	vmul.f32 v62, v22;
	v28 =	vmul.f32 v62, v28;
	v24 =	vsub.f32 v24, v42  }
0x19f: {  	v31 =	vmul.f32 v62, v31;
	v23 =	vsub.f32 v23, v42;
	v51 =	vsub.f32 v51, v56  }
0x1a0: {  	v20 =	vmul.f32 v62, v20;
	v26 =	vsub.f32 v26, v42;
	v22 =	vsub.f32 v22, v42  }
0x1a1: {  	v31 =	vsub.f32 v31, v42;
	v24 =	vmul.f32 v24, v1;
	v51 =	vadd.f32 $9.999999970e-07, v51;
	v58, _, _ =	vpop (xrf2)  }
0x1a2: {  	v28 =	vsub.f32 v28, v42;
	v26 =	vmul.f32 v26, v5;
	v22 =	vmul.f32 v22, v4;
	v59, _, _ =	vpop (xrf2)  }
0x1a3: {  	v60 =	vshra.s32 v51, $0x1;
	v51 =	vmul.f32 $5.000000000e-01, v51;
	v54 =	vperm.xlane v59, v57  }
0x1a4: {  	v23 =	vmul.f32 v23, v3;
	v52 =	vperm.xlane v58, v57;
	v55 =	vsub.s32 $0x5F3759DF, v60  }
0x1a5: {  	v21 =	vsub.f32 v21, v42;
	v51 =	vmul.f32 v55, v51;
	v54 =	vmul.f32 $7.812500000e-03, v54  }
0x1a6: {  	v20 =	vsub.f32 v20, v42;
	v31 =	vmul.f32 v31, v12;
	v52 =	vmul.f32 $7.812500000e-03, v52  }
0x1a7: {  	v24 =	vadd.f32 v24, v6;
	v62 =	vmul.f32 v55, v51;
	v61 =	vmul.f32 v54, v54  }
0x1a8: {  	v28 =	vmul.f32 v28, v8;
	v26 =	vadd.f32 v26, v11;
	v0 =	vsub.f32 v0, v35  }
0x1a9: {  	v21 =	vmul.f32 v21, v2;
	v35 =	vsub.f32 $1.500000000e+00, v62;
	v63 =	vsub.f32 v52, v61  }
0x1aa: {  	v20 =	vmul.f32 v20, v7;
	v22 =	vadd.f32 v22, v13;
	v23 =	vadd.f32 v23, v9  }
0x1ab: {  	[tilespmem:s13+$0x20] =	vst v50;
	v31 =	vadd.f32 v31, v19;
	v35 =	vmul.f32 v55, v35;
	v51 =	vadd.f32 $9.999999970e-07, v63  }
0x1ac: {  	v21 =	vadd.f32 v21, v10;
	[tilespmem:s13+$0xFFFFFF80] =	vst v24;
	v24 =	vadd.f32 v28, v15;
	v0 =	vmul.f32 v0, v1  }
0x1ad: {  	[tilespmem:s13+$0x60] =	vst v47;
	v43 =	vmul.f32 v35, v43;
	v55 =	vmul.f32 $5.000000000e-01, v51;
	v56 =	vshra.s32 v51, $0x1  }
0x1ae: {  	[tilespmem:s13+$0x70] =	vst v48;
	v28 =	vmul.f32 v35, v29;
	v29 =	vmul.f32 v35, v33;
	v47 =	vsub.s32 $0x5F3759DF, v56  }
0x1af: {  	[tilespmem:s13+$0x50] =	vst v17;
	v20 =	vadd.f32 v20, v16;
	v25 =	vmul.f32 v35, v25;
	v42 =	vmul.f32 v47, v55  }
0x1b0: {  	v14 =	vadd.f32 v14, v11;
	[tilespmem:s13+$0xFFFFFFB0] =	vst v26;
	v27 =	vmul.f32 v35, v27;
	v17 =	vmul.f32 v35, v30  }
0x1b1: {  	[tilespmem:s13+$0xFFFFFFC0] =	vst v22;
	v22 =	vsub.f32 v28, v43;
	v28 =	vsub.f32 v29, v43;
	v26 =	vmul.f32 v47, v42  }
0x1b2: {  	[tilespmem:s13+$0x30] =	vst v14;
	v14 =	vmul.f32 v35, v18;
	v25 =	vsub.f32 v25, v43;
	v18 =	vsub.f32 v27, v43  }
0x1b3: {  	[tilespmem:s13+$0x40] =	vst v45;
	v27 =	vmul.f32 v35, v36;
	v28 =	vmul.f32 v28, v12;
	v26 =	vsub.f32 $1.500000000e+00, v26  }
0x1b4: {  	[tilespmem:s13+$0xFFFFFF90] =	vst v23;
	v17 =	vsub.f32 v17, v43;
	v22 =	vmul.f32 v22, v2;
	v23 =	vmul.f32 v25, v7  }
0x1b5: {  	[tilespmem:s13+$0x10] =	vst v44;
	v0 =	vadd.f32 v0, v6;
	v18 =	vmul.f32 v18, v5;
	v25 =	vmul.f32 v47, v26  }
0x1b6: {  	[tilespmem:s13+$0xFFFFFFD0] =	vst v24;
	v17 =	vmul.f32 v17, v4;
	v22 =	vadd.f32 v22, v10;
	v24 =	vadd.f32 v28, v19  }
0x1b7: {  	[tilespmem:s13+$0xFFFFFFA0] =	vst v21;
	v21 =	vadd.f32 v23, v16;
	v29 =	vmul.f32 v25, v54;
	v28 =	vmul.f32 v25, v40  }
0x1b8: {  	[tilespmem:s13+$0xFFFFFFF0] =	vst v20;
	v17 =	vadd.f32 v17, v13;
	v26 =	vmul.f32 v35, v38;
	v23 =	vmul.f32 v25, v32  }
0x1b9: {  	[tilespmem:s13+$0x0] =	vst v0;
	v30 =	vmul.f32 v25, v49;
	v0 =	vmul.f32 v25, v41;
	v28 =	vsub.f32 v28, v29  }
0x1ba: {  	[tilespmem:s6+$0x60] =	vst v24;
	v20 =	vmul.f32 v25, v39;
	v24 =	vsub.f32 v26, v43;
	v23 =	vsub.f32 v23, v29  }
0x1bb: {  	[tilespmem:s6+$0x20] =	vst v22;
	v0 =	vsub.f32 v0, v29;
	v22 =	vmul.f32 v28, v1;
	v28 =	vsub.f32 v30, v29  }
0x1bc: {  	[tilespmem:s13+$0xFFFFFFE0] =	vst v31;
	v20 =	vsub.f32 v20, v29;
	v30 =	vmul.f32 v25, v37;
	v5 =	vmul.f32 v23, v5  }
0x1bd: {  	[tilespmem:s6+$0x70] =	vst v21;
	v0 =	vmul.f32 v0, v2;
	v21 =	vadd.f32 v22, v6;
	v4 =	vmul.f32 v28, v4  }
0x1be: {  	[tilespmem:s6+$0x40] =	vst v17;
	v17 =	vmul.f32 v24, v8;
	v22 =	vsub.f32 v30, v29;
	v5 =	vadd.f32 v5, v11  }
0x1bf: {  	v23 =	vmul.f32 v25, v46;
	v0 =	vadd.f32 v0, v10;
	[tilespmem:s6+$0xFFFFFF80] =	vst v21;
	v4 =	vadd.f32 v4, v13  }
0x1c0: {  	v12 =	vmul.f32 v22, v12;
	v13 =	vsub.f32 v14, v43;
	v14 =	vmul.f32 v20, v3;
	[tilespmem:s6+$0xFFFFFFB0] =	vst v5  }
0x1c1: {  	v5 =	vadd.f32 v17, v15;
	v17 =	vsub.f32 v23, v29;
	v20 =	vmul.f32 v25, v34;
	[tilespmem:s6+$0xFFFFFFA0] =	vst v0  }
0x1c2: {  	[tilespmem:s6+$0xFFFFFFC0] =	vst v4;
	v4 =	vadd.f32 v12, v19;
	v12 =	vadd.f32 v14, v9;
	v3 =	vmul.f32 v13, v3  }
0x1c3: {  	[tilespmem:s6+$0x50] =	vst v5;
	v5 =	vmul.f32 v17, v8;
	v8 =	vadd.f32 v18, v11;
	v11 =	vsub.f32 v27, v43  }
0x1c4: {  	[tilespmem:s6+$0xFFFFFFE0] =	vst v4;
	v4 =	vsub.f32 v20, v29  }
0x1c5: {  	[tilespmem:s6+$0xFFFFFF90] =	vst v12;
	v2 =	vadd.f32 v3, v9;
	v1 =	vmul.f32 v11, v1  }
0x1c6: {  	[tilespmem:s6+$0x30] =	vst v8;
	v3 =	vmul.f32 v4, v7;
	v4 =	vadd.f32 v5, v15  }
0x1c7: {  	[tilespmem:s6+$0x10] =	vst v2;
	v0 =	vadd.f32 v1, v6  }
0x1c8: {  	v2 =	vadd.f32 v3, v16;
	[tilespmem:s6+$0xFFFFFFD0] =	vst v4  }
0x1c9: {  	[tilespmem:s6+$0x0] =	vst v0  }
0x1ca: {  	p0 =	seq.s32 s10, $0x13;
	s5 =	smul.u32 $0x50, s5;
	[tilespmem:s6+$0xFFFFFFF0] =	vst v2  }
0x1cb: {  	s8 =	simm.s32 @!p0 $0x50;
	_ =	swait.ge [sflag:s22], $0x2800  }
0x1cc: {  	s9 =	simm.s32 @!p0 $0x0;
	s5 =	sadd.s32 s7, s5;
	[sflag:s22] =	ssyncset.done $0x0  }
0x1cd: {  	s5 =	sshll.u32 s5, $0x4;
	s6 =	sadd.s32 @!p0 $0x1CE80, s12;
	[sflag:s22] =	ssyncadd.s32 $0xFFFFD800  }
0x1ce: {  	[tilespmem:s9], [sflag:$0x1] =	stream.indirect.gather @!p0 [hbm4b:s2+s8], $0x80, s6, s8, $0xb8;
	[tilespmem:$0x1FF80] =	vst v63  }
0x1cf: {  	s5 =	sadd.s32 s3, s5  }
0x1d0: {  	[hbm4b:s5+s4] =	stream.linear.scatter [tilespmem:s16], [sflag:$0x6], $0x2800, $0x38;
	[tilespmem:$0x1FF80] =	vst v63  }
0x1d1: {  	_ =	swait.ge [sflag:s23], $0x2800  }
0x1d2: {  	[sflag:s23] =	ssyncset.done $0x0  }
0x1d3: {  	[sflag:s23] =	ssyncadd.s32 $0xFFFFD800  }
0x1d4: {  	v0 =	vld [tilespmem:s1+$0xFFFFFFFF]  }
0x1d5: {  	v1 =	vld [tilespmem:s1+$0x0];
	_ =	sdelay $0x3  }
0x1d6: {  	(v2sf) =	vpush v0, $0x0  }
0x1d7: {  	(v2sf) =	vpush v1, $0x0;
	_ =	sdelay $0x3  }
0x1d8: {  	v3 =	vld [tilespmem:$0x1FE90]  }
0x1d9: {  	v2 =	vld [tilespmem:$0x1FEA0]  }
0x1da: {  	v5 =	vld [tilespmem:$0x1FEB0]  }
0x1db: {  	s13 =	simm.s32 $0x5080;
	v4 =	vld [tilespmem:$0x1FEC0]  }
0x1dc: {  	v6 =	vld [tilespmem:s13+$0x30]  }
0x1dd: {  	v7 =	vld [tilespmem:s13+$0x70]  }
0x1de: {  	v8 =	vld [tilespmem:s13+$0x0]  }
0x1df: {  	v9 =	vld [tilespmem:s13+$0x10]  }
0x1e0: {  	v15 =	vld [tilespmem:s13+$0x20]  }
0x1e1: {  	v17 =	vld [tilespmem:s13+$0x40]  }
0x1e2: {  	v20 =	vld [tilespmem:s13+$0x60];
	s8 =	spop (v2sf)  }
0x1e3: {  	v22 =	vld [tilespmem:s13+$0xFFFFFF90];
	s9 =	spop (v2sf)  }
0x1e4: {  	v25 =	vld [tilespmem:s13+$0xFFFFFFB0];
	s6 =	sshll.u32 s9, $0x9  }
0x1e5: {  	v0 =	vld [tilespmem:s13+$0xFFFFFFA0];
	s6 =	sshra.s32 s6, $0x2  }
0x1e6: {  	v13 =	vld [tilespmem:s6+$0xA010]  }
0x1e7: {  	s5 =	sshll.u32 s8, $0x9;
	v14 =	vld [tilespmem:s6+$0xA000]  }
0x1e8: {  	s5 =	sshra.s32 s5, $0x2;
	v12 =	vld [tilespmem:s6+$0xA020]  }
0x1e9: {  	v10 =	vld [tilespmem:s5+$0xA000]  }
0x1ea: {  	v16 =	vld [tilespmem:s6+$0xA030]  }
0x1eb: {  	v26 =	vld [tilespmem:s5+$0xA030]  }
0x1ec: {  	v39 =	vadd.f32 v13, v9;
	v9 =	vld [tilespmem:s6+$0xA040];
	v14 =	vadd.f32 v14, v8  }
0x1ed: {  	v18 =	vld [tilespmem:s6+$0xA050];
	v19 =	vadd.f32 v12, v15  }
0x1ee: {  	v8 =	vld [tilespmem:s13+$0x50];
	v13 =	vmul.f32 v39, v39;
	v12 =	vmul.f32 v14, v14;
	v21 =	vadd.f32 v39, v14  }
0x1ef: {  	v11 =	vld [tilespmem:s6+$0xA070];
	v15 =	vadd.f32 v16, v6  }
0x1f0: {  	v6 =	vld [tilespmem:s6+$0xA060];
	v12 =	vadd.f32 v13, v12;
	v13 =	vmul.f32 v19, v19;
	v21 =	vadd.f32 v19, v21  }
0x1f1: {  	v16 =	vadd.f32 v9, v17;
	v9 =	vld [tilespmem:s13+$0xFFFFFF80]  }
0x1f2: {  	v23 =	vmul.f32 v15, v15;
	v12 =	vadd.f32 v13, v12;
	v13 =	vld [tilespmem:s5+$0xA010];
	v21 =	vadd.f32 v15, v21  }
0x1f3: {  	v26 =	vadd.f32 v26, v25;
	v17 =	vadd.f32 v18, v8;
	v18 =	vld [tilespmem:s5+$0xA020]  }
0x1f4: {  	v1 =	vld [tilespmem:$0x1FE80];
	v8 =	vmul.f32 v16, v16;
	v12 =	vadd.f32 v23, v12;
	v21 =	vadd.f32 v16, v21  }
0x1f5: {  	v25 =	vld [tilespmem:s13+$0xFFFFFFE0];
	v34 =	vadd.f32 v11, v7;
	v33 =	vadd.f32 v6, v20  }
0x1f6: {  	s6 =	sadd.s32 $0x2, s1;
	v6 =	vmul.f32 v17, v17;
	v7 =	vadd.f32 v8, v12;
	v8 =	vld [tilespmem:s13+$0xFFFFFFC0];
	v11 =	vadd.f32 v17, v21  }
0x1f7: {  	v24 =	vadd.f32 v10, v9;
	v9 =	vld [tilespmem:s6+$0xFFFFFFFF];
	v23 =	vadd.f32 v13, v22  }
0x1f8: {  	v10 =	vmul.f32 v33, v33;
	v21 =	vadd.f32 v18, v0;
	v13 =	vld [tilespmem:s6+$0x0];
	v6 =	vadd.f32 v6, v7  }
0x1f9: {  	v7 =	vld [tilespmem:s5+$0xA040];
	v11 =	vadd.f32 v33, v11;
	v12 =	vmul.f32 v24, v24;
	v0 =	vmul.f32 v23, v23  }
0x1fa: {  	v20 =	vld [tilespmem:s13+$0xFFFFFFD0];
	v18 =	vmul.f32 v34, v34;
	v6 =	vadd.f32 v10, v6  }
0x1fb: {  	v10 =	vadd.f32 v34, v11;
	v11 =	vld [tilespmem:s5+$0xA050];
	v0 =	vadd.f32 v0, v12  }
0x1fc: {  	v12 =	vmul.f32 v21, v21;
	(v2sf) =	vpush v9, $0x0;
	v9 =	vld [tilespmem:s5+$0xA060];
	v6 =	vadd.f32 v18, v6  }
0x1fd: {  	(xrf2) =	vadd.scan.msk.f32 $0xffff, v10;
	v10 =	vadd.f32 v23, v24;
	v18 =	vld [tilespmem:s13+$0xFFFFFFF0];
	(v2sf) =	vpush v13, $0x0  }
0x1fe: {  	s8 =	simm.s32 $0x5180;
	v13 =	vld [tilespmem:s5+$0xA070];
	v22 =	vadd.f32 v7, v8;
	v7 =	vmul.f32 v26, v26;
	v0 =	vadd.f32 v12, v0  }
0x1ff: {  	v41 =	vld [tilespmem:s8+$0xFFFFFFA0];
	(xrf2) =	vadd.scan.msk.f32 $0xffff, v6;
	v6 =	vadd.f32 v21, v10  }
0x200: {  	v30 =	vld [tilespmem:s8+$0x30];
	v28 =	vadd.f32 v11, v20;
	v0 =	vadd.f32 v7, v0;
	v10 =	vmul.f32 v22, v22  }
0x201: {  	v58 =	vld [tilespmem:s8+$0xFFFFFFB0];
	v11 =	vadd.f32 v26, v6  }
0x202: {  	v63 =	vld [tilespmem:s8+$0x20];
	v31 =	vadd.f32 v9, v25;
	v0 =	vadd.f32 v10, v0;
	v10 =	vmul.f32 v28, v28  }
0x203: {  	v56 =	vld [tilespmem:s8+$0x40];
	v20 =	vadd.f32 v13, v18;
	v11 =	vadd.f32 v22, v11  }
0x204: {  	v45 =	vld [tilespmem:s8+$0x60];
	v13 =	vmul.f32 v31, v31;
	v0 =	vadd.f32 v10, v0  }
0x205: {  	v53 =	vld [tilespmem:s8+$0xFFFFFF90];
	v25 =	vmul.f32 v20, v20;
	v18 =	vadd.f32 v28, v11  }
0x206: {  	v44 =	vld [tilespmem:s8+$0xFFFFFFE0];
	v0 =	vadd.f32 v13, v0  }
0x207: {  	v8 =	vld [tilespmem:$0x1FED0];
	v27, _, _ =	vpop (xrf2);
	v18 =	vadd.f32 v31, v18  }
0x208: {  	v12 =	vld [tilespmem:$0x1FEE0];
	v27 =	vperm.xlane v27, v57;
	v0 =	vadd.f32 v25, v0  }
0x209: {  	v7 =	vld [tilespmem:$0x1FEF0];
	v25, _, _ =	vpop (xrf2);
	v18 =	vadd.f32 v20, v18  }
0x20a: {  	v6 =	vld [tilespmem:$0x1FF00];
	v35 =	vmul.f32 $7.812500000e-03, v27;
	v25 =	vperm.xlane v25, v57;
	(xrf2) =	vadd.scan.msk.f32 $0xffff, v0  }
0x20b: {  	v9 =	vld [tilespmem:$0x1FF10];
	s11 =	spop (v2sf);
	(xrf2) =	vadd.scan.msk.f32 $0xffff, v18  }
0x20c: {  	v27 =	vld [tilespmem:s8+$0x0];
	v25 =	vmul.f32 $7.812500000e-03, v25;
	v29 =	vmul.f32 v35, v35;
	s5 =	sshll.u32 s11, $0x9;
	s28 =	spop (v2sf)  }
0x20d: {  	v18 =	vld [tilespmem:s8+$0x10];
	s11 =	sshra.s32 s5, $0x2;
	s29 =	sshll.u32 s28, $0x9  }
0x20e: {  	v25 =	vsub.f32 v25, v29;
	v29 =	vld [tilespmem:s11+$0xA030];
	s5 =	sshra.s32 s29, $0x2  }
0x20f: {  	v61 =	vld [tilespmem:s5+$0xA000]  }
0x210: {  	v54 =	vld [tilespmem:s5+$0xA030];
	v25 =	vadd.f32 $9.999999970e-07, v25  }
0x211: {  	v60 =	vld [tilespmem:s5+$0xA010]  }
0x212: {  	v0 =	vld [tilespmem:s8+$0x70];
	v59 =	vshra.s32 v25, $0x1;
	v25 =	vmul.f32 $5.000000000e-01, v25  }
0x213: {  	v38 =	vld [tilespmem:s5+$0xA020];
	v43 =	vsub.s32 $0x5F3759DF, v59  }
0x214: {  	v37 =	vld [tilespmem:s5+$0xA070];
	v32 =	vadd.f32 v29, v58;
	v25 =	vmul.f32 v43, v25;
	v62, _, _ =	vpop (xrf2)  }
0x215: {  	v58 =	vld [tilespmem:s5+$0xA040];
	v36 =	vadd.f32 v61, v27;
	v27 =	vadd.f32 v54, v30;
	v55, _, _ =	vpop (xrf2);
	v29 =	vperm.xlane v62, v57  }
0x216: {  	v18 =	vadd.f32 v60, v18;
	v60 =	vld [tilespmem:s8+$0x50];
	v25 =	vmul.f32 v43, v25;
	v47 =	vperm.xlane v55, v57  }
0x217: {  	v61 =	vld [tilespmem:s5+$0xA050];
	v62 =	vmul.f32 v36, v36;
	v52 =	vmul.f32 v27, v27  }
0x218: {  	v10 =	vld [tilespmem:$0x1FF20];
	v50 =	vmul.f32 $7.812500000e-03, v29;
	v29 =	vadd.f32 v38, v63;
	v59 =	vsub.f32 $1.500000000e+00, v25  }
0x219: {  	v49 =	vld [tilespmem:s5+$0xA060];
	v42 =	vmul.f32 $7.812500000e-03, v47;
	v25 =	vadd.f32 v37, v0;
	v0 =	vmul.f32 v18, v18  }
0x21a: {  	v51 =	vld [tilespmem:s11+$0xA070];
	v47 =	vadd.f32 v18, v36;
	v30 =	vadd.f32 v58, v56;
	v43 =	vmul.f32 v43, v59  }
0x21b: {  	v54 =	vld [tilespmem:s8+$0xFFFFFFF0];
	v63 =	vmul.f32 v29, v29;
	v46 =	vmul.f32 v42, v42;
	v0 =	vadd.f32 v0, v62  }
0x21c: {  	v56 =	vld [tilespmem:s11+$0xA060];
	v38 =	vadd.f32 v61, v60;
	v55 =	vmul.f32 v30, v30;
	v35 =	vmul.f32 v43, v35  }
0x21d: {  	v58 =	vld [tilespmem:s11+$0xA010];
	v19 =	vmul.f32 v43, v19;
	v37 =	vmul.f32 v43, v33;
	v0 =	vadd.f32 v63, v0  }
0x21e: {  	v59 =	vld [tilespmem:s11+$0xA020];
	v34 =	vmul.f32 v43, v34;
	v33 =	vadd.f32 v49, v45;
	v46 =	vsub.f32 v50, v46  }
0x21f: {  	v11 =	vld [tilespmem:$0x1FF30];
	v62 =	vmul.f32 v43, v15;
	v19 =	vsub.f32 v19, v35;
	v15 =	vsub.f32 v37, v35  }
0x220: {  	v40 =	vld [tilespmem:s11+$0xA000];
	v45 =	vmul.f32 v43, v16;
	v0 =	vadd.f32 v52, v0;
	v16 =	vsub.f32 v34, v35  }
0x221: {  	v57 =	vmul.f32 v38, v38;
	v49 =	vld [tilespmem:s8+$0xFFFFFF80];
	v52 =	vadd.f32 v29, v47;
	v34 =	vadd.f32 v51, v54  }
0x222: {  	v13 =	vld [tilespmem:$0x1FF40];
	v63 =	vmul.f32 v33, v33;
	v37 =	vadd.f32 v56, v44;
	v61 =	vadd.f32 $9.999999970e-07, v46  }
0x223: {  	v44 =	vmul.f32 v43, v39;
	v46 =	vld [tilespmem:s8+$0xFFFFFFD0];
	v39 =	vadd.f32 v58, v53;
	v41 =	vadd.f32 v59, v41  }
0x224: {  	v56 =	vld [tilespmem:s11+$0xA040];
	v47 =	vmul.f32 v15, v12;
	v50 =	vmul.f32 v19, v2;
	v60 =	vadd.f32 v27, v52  }
0x225: {  	v0 =	vadd.f32 v55, v0;
	v15 =	vld [tilespmem:$0x1FF50];
	v48 =	vmul.f32 v16, v7;
	v52 =	vmul.f32 v25, v25  }
0x226: {  	v19 =	vld [tilespmem:$0x1FF60];
	v53 =	vshra.s32 v61, $0x1;
	v40 =	vadd.f32 v40, v49;
	v51 =	vadd.f32 v30, v60  }
0x227: {  	v16 =	vld [tilespmem:$0x1FF70];
	v54 =	vmul.f32 $5.000000000e-01, v61;
	v53 =	vsub.s32 $0x5F3759DF, v53;
	v0 =	vadd.f32 v57, v0  }
0x228: {  	s9 =	simm.s32 $0x2;
	v49 =	vld [tilespmem:s8+$0xFFFFFFC0];
	v60 =	vmul.f32 v39, v39;
	v59 =	vadd.f32 v39, v40;
	v61 =	vadd.f32 v38, v51  }
0x229: {  	s5 =	sor.u32 $0x2, s17;
	s17 =	sadd.s32 $0x2, s6;
	s6 =	simm.s32 $0x5180;
	v55 =	vld [tilespmem:s11+$0xA050];
	v57 =	vmul.f32 v40, v40;
	v58 =	vadd.f32 v63, v0;
	v51 =	vsub.f32 v62, v35  }
.LBB2_7:
0x22a: {  	v59 =	vadd.f32 v41, v59  }
0x22b: {  	v0 =	vld [tilespmem:s17+$0xFFFFFFFF];
	s9 =	sadd.s32 $0x2, s9;
	v61 =	vadd.f32 v33, v61;
	v54 =	vmul.f32 v53, v54;
	v57 =	vadd.f32 v60, v57  }
0x22c: {  	v60 =	vmul.f32 v41, v41;
	v50 =	vadd.f32 v50, v10;
	v62 =	vld [tilespmem:s17+$0x0];
	p1 =	slt.u32 s9, $0x4E;
	v52 =	vadd.f32 v52, v58  }
0x22d: {  	v49 =	vadd.f32 v56, v49;
	v56 =	vadd.f32 v25, v61;
	v54 =	vmul.f32 v53, v54  }
0x22e: {  	v58 =	vadd.f32 v32, v59;
	v59 =	vmul.f32 v32, v32;
	v46 =	vadd.f32 v55, v46  }
0x22f: {  	v51 =	vmul.f32 v51, v5;
	v55 =	vmul.f32 v43, v17;
	v17 =	vmovc v38;
	(xrf2) =	vadd.scan.msk.f32 $0xffff, v56;
	v54 =	vsub.f32 $1.500000000e+00, v54  }
0x230: {  	v38 =	vmul.f32 v43, v14;
	v14 =	vmovc v36;
	(v2sf) =	vpush v0, $0x0;
	v0 =	vadd.f32 v60, v57  }
0x231: {  	v43 =	vadd.f32 v47, v19;
	(v2sf) =	vpush v62, $0x0;
	v36 =	vmul.f32 v53, v54;
	[tilespmem:s13+$0x20] =	vst v50  }
0x232: {  	v47 =	vadd.f32 v49, v58;
	v50 =	vmul.f32 v49, v49;
	v0 =	vadd.f32 v59, v0;
	(xrf2) =	vadd.scan.msk.f32 $0xffff, v52  }
0x233: {  	v56 =	vimm.s32 $0xF;
	v42 =	vmul.f32 v36, v42;
	[tilespmem:s13+$0x60] =	vst v43;
	v43 =	vadd.f32 v48, v16  }
0x234: {  	v47 =	vadd.f32 v46, v47;
	v48 =	vmul.f32 v46, v46;
	v0 =	vadd.f32 v50, v0  }
0x235: {  	v53 =	vsub.f32 v45, v35;
	v52 =	vmul.f32 v36, v23;
	v50 =	vmul.f32 v36, v24;
	[tilespmem:s13+$0x70] =	vst v43  }
0x236: {  	v45 =	vmul.f32 v37, v37;
	v24 =	vmovc v40;
	v43 =	vadd.f32 v37, v47;
	v0 =	vadd.f32 v48, v0  }
0x237: {  	v23 =	vmovc v39;
	v47 =	vmul.f32 v36, v21;
	v40 =	vsub.f32 v50, v42;
	v48 =	vmul.f32 v53, v4  }
0x238: {  	v21 =	vmovc v41;
	v39 =	vadd.f32 v34, v43;
	v43 =	vmul.f32 v34, v34;
	v0 =	vadd.f32 v45, v0  }
0x239: {  	v26 =	vmul.f32 v36, v26;
	v40 =	vmul.f32 v40, v1;
	v45 =	vadd.f32 v48, v13;
	v41, _, _ =	vpop (xrf2)  }
0x23a: {  	v48 =	vmul.f32 v36, v28;
	v53 =	vadd.f32 v43, v0;
	v43 =	vmul.f32 v36, v22;
	v22 =	vmovc v49  }
0x23b: {  	s8 =	sadd.s32 $0x100, s8;
	v50 =	vsub.f32 v26, v42;
	v54 =	vperm.xlane v41, v56;
	v49 =	vsub.f32 v52, v42;
	[tilespmem:s13+$0x40] =	vst v45  }
0x23c: {  	v57 =	vmul.f32 v36, v31;
	v40 =	vadd.f32 v40, v6;
	v41 =	vld [tilespmem:s8+$0xFFFFFFA0];
	(xrf2) =	vadd.scan.msk.f32 $0xffff, v53;
	v0, _, _ =	vpop (xrf2);
	v43 =	vsub.f32 v43, v42  }
0x23d: {  	v26 =	vmovc v32;
	v28 =	vmovc v46;
	v52 =	vmul.f32 $7.812500000e-03, v54;
	v53 =	vsub.f32 v55, v35;
	v45 =	vld [tilespmem:s8+$0x30];
	v0 =	vperm.xlane v0, v56  }
0x23e: {  	v32 =	vmul.f32 v50, v5;
	v46 =	vld [tilespmem:s8+$0x70];
	[tilespmem:s13+$0xFFFFFF80] =	vst v40;
	v40 =	vmul.f32 v43, v4;
	v43 =	vsub.f32 v44, v35  }
0x23f: {  	v31 =	vmovc v37;
	v50 =	vmul.f32 v52, v52;
	v44 =	vld [tilespmem:s8+$0x0];
	s11 =	spop (v2sf);
	v0 =	vmul.f32 $7.812500000e-03, v0;
	(xrf2) =	vadd.scan.msk.f32 $0xffff, v39;
	v39 =	vsub.f32 v57, v42  }
0x240: {  	v32 =	vadd.f32 v32, v11;
	v53 =	vmul.f32 v53, v8;
	s11 =	sshll.u32 s11, $0x9;
	v37 =	vld [tilespmem:s8+$0x10];
	s28 =	spop (v2sf);
	v40 =	vadd.f32 v40, v13  }
0x241: {  	v48 =	vsub.f32 v48, v42;
	v49 =	vmul.f32 v49, v3;
	s11 =	sshra.s32 s11, $0x2;
	v54 =	vld [tilespmem:s8+$0xFFFFFFB0];
	s28 =	sshll.u32 s28, $0x9;
	v0 =	vsub.f32 v0, v50  }
0x242: {  	v36 =	vmul.f32 v36, v20;
	v53 =	vadd.f32 v53, v15;
	v50 =	vld [tilespmem:s11+$0xA030];
	s28 =	sshra.s32 s28, $0x2;
	[tilespmem:s13+$0xFFFFFFB0] =	vst v32;
	v32 =	vmul.f32 v39, v12  }
0x243: {  	v20 =	vmovc v34;
	v35 =	vsub.f32 v38, v35;
	v39 =	vld [tilespmem:s11+$0xA000];
	v0 =	vadd.f32 $9.999999970e-07, v0;
	[tilespmem:s13+$0xFFFFFFC0] =	vst v40;
	v40 =	vmul.f32 v48, v8  }
0x244: {  	v38 =	vadd.f32 v49, v9;
	v43 =	vmul.f32 v43, v3;
	v34 =	vld [tilespmem:s28+$0xA070];
	v32 =	vadd.f32 v32, v19;
	[tilespmem:s13+$0x50] =	vst v53  }
0x245: {  	v47 =	vsub.f32 v47, v42;
	v48 =	vld [tilespmem:s28+$0xA020];
	v49 =	vshra.s32 v0, $0x1;
	v0 =	vmul.f32 $5.000000000e-01, v0  }
0x246: {  	v36 =	vsub.f32 v36, v42;
	v57 =	vadd.f32 v51, v11;
	v53 =	vld [tilespmem:s28+$0xA010];
	v49 =	vsub.s32 $0x5F3759DF, v49;
	v55, _, _ =	vpop (xrf2);
	[tilespmem:s13+$0xFFFFFFE0] =	vst v32  }
0x247: {  	v32 =	vadd.f32 v50, v54;
	v50 =	vld [tilespmem:s28+$0xA000];
	v51 =	vperm.xlane v55, v56;
	v0 =	vmul.f32 v49, v0;
	[tilespmem:s13+$0xFFFFFF90] =	vst v38  }
0x248: {  	v47 =	vmul.f32 v47, v2;
	v36 =	vmul.f32 v36, v7;
	v43 =	vadd.f32 v43, v9;
	v38 =	vld [tilespmem:s8+$0x20];
	[tilespmem:s13+$0x30] =	vst v57  }
0x249: {  	v40 =	vadd.f32 v40, v15;
	v54 =	vld [tilespmem:s28+$0xA030];
	v51 =	vmul.f32 $7.812500000e-03, v51;
	v0 =	vmul.f32 v49, v0;
	v42, _, _ =	vpop (xrf2)  }
0x24a: {  	v47 =	vadd.f32 v47, v10;
	v55 =	vld [tilespmem:s8+$0x40];
	v42 =	vperm.xlane v42, v56;
	v56 =	vadd.f32 v36, v16;
	[tilespmem:s13+$0x10] =	vst v43  }
0x24b: {  	v53 =	vadd.f32 v53, v37;
	v37 =	vld [tilespmem:s28+$0xA040];
	v0 =	vsub.f32 $1.500000000e+00, v0;
	[tilespmem:s13+$0xFFFFFFD0] =	vst v40;
	v40 =	vmul.f32 v35, v1  }
0x24c: {  	v46 =	vadd.f32 v34, v46;
	v36 =	vadd.f32 v50, v44;
	v44 =	vld [tilespmem:s8+$0x50];
	v42 =	vmul.f32 $7.812500000e-03, v42;
	[tilespmem:s13+$0xFFFFFFA0] =	vst v47  }
0x24d: {  	v34 =	vmul.f32 v53, v53;
	v38 =	vadd.f32 v48, v38;
	v47 =	vld [tilespmem:s28+$0xA050];
	v43 =	vmul.f32 v49, v0;
	[tilespmem:s13+$0xFFFFFFF0] =	vst v56  }
0x24e: {  	v0 =	vmul.f32 v36, v36;
	v45 =	vadd.f32 v54, v45;
	v48 =	vld [tilespmem:s8+$0x60];
	v49 =	vmul.f32 v42, v42  }
0x24f: {  	v50 =	vadd.f32 v53, v36;
	v54 =	vld [tilespmem:s28+$0xA060];
	v35 =	vmul.f32 v43, v52;
	v52 =	vmul.f32 v43, v29;
	v29 =	vmovc v38  }
0x250: {  	v40 =	vadd.f32 v40, v6;
	v56 =	vld [tilespmem:s8+$0xFFFFFF90];
	v57 =	vmul.f32 v45, v45;
	v37 =	vadd.f32 v37, v55  }
0x251: {  	v58 =	vmul.f32 v43, v25;
	v25 =	vmovc v46;
	v0 =	vadd.f32 v34, v0;
	v34 =	vmul.f32 v38, v29;
	v55 =	vld [tilespmem:s8+$0xFFFFFFE0]  }
0x252: {  	v59 =	vld [tilespmem:s8+$0xFFFFFFF0];
	v60 =	vmul.f32 v37, v37;
	v38 =	vadd.f32 v47, v44;
	v44 =	vmul.f32 v43, v33;
	[tilespmem:s13+$0x0] =	vst v40;
	s13 =	smov.u32 s6;
	s6 =	smov.u32 s8  }
0x253: {  	v62 =	vmul.f32 v43, v27;
	v27 =	vmovc v45;
	v0 =	vadd.f32 v34, v0;
	v34 =	vsub.f32 v52, v35;
	v40 =	vld [tilespmem:s11+$0xA070]  }
0x254: {  	v45 =	vmul.f32 v43, v30;
	v30 =	vmovc v37;
	v52 =	vld [tilespmem:s11+$0xA060];
	v33 =	vadd.f32 v54, v48;
	v44 =	vsub.f32 v44, v35  }
0x255: {  	v37 =	vsub.f32 v58, v35;
	v0 =	vadd.f32 v57, v0;
	v57 =	vmul.f32 v38, v38;
	v54 =	vld [tilespmem:s8+$0xFFFFFF80]  }
0x256: {  	v48 =	vadd.f32 v29, v50;
	v58 =	vld [tilespmem:s11+$0xA010];
	v63 =	vmul.f32 v33, v33;
	v47 =	vmul.f32 v44, v12  }
0x257: {  	v50 =	vmul.f32 v34, v2;
	v0 =	vadd.f32 v60, v0;
	v44 =	vsub.f32 v51, v49;
	v61 =	vld [tilespmem:s11+$0xA020]  }
0x258: {  	v51 =	vadd.f32 v27, v48;
	v48 =	vmul.f32 v37, v7;
	v34 =	vadd.f32 v40, v59  }
0x259: {  	v37 =	vadd.f32 v52, v55;
	v52 =	vmul.f32 v46, v25;
	v55 =	vadd.f32 $9.999999970e-07, v44  }
.Ltmp2:
0x25a: {  	v0 =	vadd.f32 v57, v0;
	v44 =	vmul.f32 v43, v18;
	v18 =	vmovc v53;
	v40 =	vadd.f32 v39, v54;
	v46 =	vld [tilespmem:s8+$0xFFFFFFD0];
	(pc) =	sbr.rel @p1 .LBB2_7-.Ltmp2, $4  }
0x25b: {  	v51 =	vadd.f32 v30, v51;
	v39 =	vadd.f32 v58, v56;
	v49 =	vld [tilespmem:s8+$0xFFFFFFC0];
	v54 =	vmul.f32 $5.000000000e-01, v55  }
0x25c: {  	v53 =	vshra.s32 v55, $0x1;
	v57 =	vmul.f32 v40, v40;
	v41 =	vadd.f32 v61, v41;
	v56 =	vld [tilespmem:s11+$0xA040]  }
0x25d: {  	v61 =	vadd.f32 v38, v51;
	v59 =	vadd.f32 v39, v40;
	v60 =	vmul.f32 v39, v39;
	v55 =	vld [tilespmem:s11+$0xA050]  }
0x25e: {  	s17 =	sadd.s32 $0x2, s17;
	v58 =	vadd.f32 v63, v0;
	v53 =	vsub.s32 $0x5F3759DF, v53;
	v51 =	vsub.f32 v62, v35  }
0x25f: {  	v0 =	vadd.f32 v60, v57;
	v57 =	vmul.f32 v41, v41  }
0x260: {  	v60 =	vadd.f32 v33, v61  }
0x261: {  	v62 =	vmul.f32 v32, v32;
	v49 =	vadd.f32 v56, v49;
	v0 =	vadd.f32 v57, v0  }
0x262: {  	v63 =	vadd.f32 v41, v59;
	v60 =	vadd.f32 v25, v60  }
0x263: {  	v46 =	vadd.f32 v55, v46;
	v0 =	vadd.f32 v62, v0;
	v61 =	vmul.f32 v49, v49  }
0x264: {  	v52 =	vadd.f32 v52, v58;
	v62 =	vadd.f32 v32, v63;
	(xrf2) =	vadd.scan.msk.f32 $0xffff, v60  }
0x265: {  	v63 =	vmul.f32 v46, v46;
	v0 =	vadd.f32 v61, v0  }
0x266: {  	v54 =	vmul.f32 v53, v54;
	(xrf2) =	vadd.scan.msk.f32 $0xffff, v52;
	v56 =	vadd.f32 v49, v62  }
0x267: {  	v59 =	vmul.f32 v37, v37;
	v17 =	vmul.f32 v43, v17;
	v0 =	vadd.f32 v63, v0  }
0x268: {  	v45 =	vsub.f32 v45, v35;
	v54 =	vmul.f32 v53, v54;
	v60 =	vadd.f32 v46, v56  }
0x269: {  	v44 =	vsub.f32 v44, v35;
	v61 =	vmul.f32 v34, v34;
	v0 =	vadd.f32 v59, v0  }
0x26a: {  	v54 =	vsub.f32 $1.500000000e+00, v54;
	v55 =	vadd.f32 v37, v60  }
0x26b: {  	v17 =	vsub.f32 v17, v35;
	v0 =	vadd.f32 v61, v0  }
0x26c: {  	v45 =	vmul.f32 v45, v4;
	v62 =	vmul.f32 v53, v54;
	v63 =	vadd.f32 v34, v55  }
0x26d: {  	v50 =	vadd.f32 v50, v10;
	v44 =	vmul.f32 v44, v3;
	v17 =	vmul.f32 v17, v8;
	(xrf2) =	vadd.scan.msk.f32 $0xffff, v0  }
0x26e: {  	v57 =	vimm.s32 $0xF;
	v42 =	vmul.f32 v62, v42;
	v24 =	vmul.f32 v62, v24;
	v54, _, _ =	vpop (xrf2);
	(xrf2) =	vadd.scan.msk.f32 $0xffff, v63  }
0x26f: {  	v47 =	vadd.f32 v47, v19;
	v0 =	vmul.f32 v43, v14;
	v43 =	vperm.xlane v54, v57  }
0x270: {  	v48 =	vadd.f32 v48, v16;
	v23 =	vmul.f32 v62, v23;
	v14 =	vmul.f32 v51, v5;
	v55, _, _ =	vpop (xrf2)  }
0x271: {  	v45 =	vadd.f32 v45, v13;
	v51 =	vperm.xlane v55, v57;
	v43 =	vmul.f32 $7.812500000e-03, v43  }
0x272: {  	v44 =	vadd.f32 v44, v9;
	v21 =	vmul.f32 v62, v21;
	v26 =	vmul.f32 v62, v26  }
0x273: {  	v17 =	vadd.f32 v17, v15;
	v51 =	vmul.f32 $7.812500000e-03, v51;
	v56 =	vmul.f32 v43, v43  }
0x274: {  	v22 =	vmul.f32 v62, v22;
	v28 =	vmul.f32 v62, v28;
	v24 =	vsub.f32 v24, v42  }
0x275: {  	v31 =	vmul.f32 v62, v31;
	v23 =	vsub.f32 v23, v42;
	v51 =	vsub.f32 v51, v56  }
0x276: {  	v20 =	vmul.f32 v62, v20;
	v26 =	vsub.f32 v26, v42;
	v22 =	vsub.f32 v22, v42  }
0x277: {  	v31 =	vsub.f32 v31, v42;
	v24 =	vmul.f32 v24, v1;
	v51 =	vadd.f32 $9.999999970e-07, v51;
	v58, _, _ =	vpop (xrf2)  }
0x278: {  	v28 =	vsub.f32 v28, v42;
	v26 =	vmul.f32 v26, v5;
	v22 =	vmul.f32 v22, v4;
	v59, _, _ =	vpop (xrf2)  }
0x279: {  	v60 =	vshra.s32 v51, $0x1;
	v51 =	vmul.f32 $5.000000000e-01, v51;
	v54 =	vperm.xlane v59, v57  }
0x27a: {  	v23 =	vmul.f32 v23, v3;
	v52 =	vperm.xlane v58, v57;
	v55 =	vsub.s32 $0x5F3759DF, v60  }
0x27b: {  	v21 =	vsub.f32 v21, v42;
	v51 =	vmul.f32 v55, v51;
	v54 =	vmul.f32 $7.812500000e-03, v54  }
0x27c: {  	v20 =	vsub.f32 v20, v42;
	v31 =	vmul.f32 v31, v12;
	v52 =	vmul.f32 $7.812500000e-03, v52  }
0x27d: {  	v24 =	vadd.f32 v24, v6;
	v62 =	vmul.f32 v55, v51;
	v61 =	vmul.f32 v54, v54  }
0x27e: {  	v28 =	vmul.f32 v28, v8;
	v26 =	vadd.f32 v26, v11;
	v0 =	vsub.f32 v0, v35  }
0x27f: {  	v21 =	vmul.f32 v21, v2;
	v35 =	vsub.f32 $1.500000000e+00, v62;
	v63 =	vsub.f32 v52, v61  }
0x280: {  	v20 =	vmul.f32 v20, v7;
	v22 =	vadd.f32 v22, v13;
	v23 =	vadd.f32 v23, v9  }
0x281: {  	[tilespmem:s13+$0x20] =	vst v50;
	v31 =	vadd.f32 v31, v19;
	v35 =	vmul.f32 v55, v35;
	v51 =	vadd.f32 $9.999999970e-07, v63  }
0x282: {  	v21 =	vadd.f32 v21, v10;
	[tilespmem:s13+$0xFFFFFF80] =	vst v24;
	v24 =	vadd.f32 v28, v15;
	v0 =	vmul.f32 v0, v1  }
0x283: {  	[tilespmem:s13+$0x60] =	vst v47;
	v43 =	vmul.f32 v35, v43;
	v55 =	vmul.f32 $5.000000000e-01, v51;
	v56 =	vshra.s32 v51, $0x1  }
0x284: {  	[tilespmem:s13+$0x70] =	vst v48;
	v28 =	vmul.f32 v35, v29;
	v29 =	vmul.f32 v35, v33;
	v47 =	vsub.s32 $0x5F3759DF, v56  }
0x285: {  	[tilespmem:s13+$0x50] =	vst v17;
	v20 =	vadd.f32 v20, v16;
	v25 =	vmul.f32 v35, v25;
	v42 =	vmul.f32 v47, v55  }
0x286: {  	v14 =	vadd.f32 v14, v11;
	[tilespmem:s13+$0xFFFFFFB0] =	vst v26;
	v27 =	vmul.f32 v35, v27;
	v17 =	vmul.f32 v35, v30  }
0x287: {  	[tilespmem:s13+$0xFFFFFFC0] =	vst v22;
	v22 =	vsub.f32 v28, v43;
	v28 =	vsub.f32 v29, v43;
	v26 =	vmul.f32 v47, v42  }
0x288: {  	[tilespmem:s13+$0x30] =	vst v14;
	v14 =	vmul.f32 v35, v18;
	v25 =	vsub.f32 v25, v43;
	v18 =	vsub.f32 v27, v43  }
0x289: {  	[tilespmem:s13+$0x40] =	vst v45;
	v27 =	vmul.f32 v35, v36;
	v28 =	vmul.f32 v28, v12;
	v26 =	vsub.f32 $1.500000000e+00, v26  }
0x28a: {  	[tilespmem:s13+$0xFFFFFF90] =	vst v23;
	v17 =	vsub.f32 v17, v43;
	v22 =	vmul.f32 v22, v2;
	v23 =	vmul.f32 v25, v7  }
0x28b: {  	[tilespmem:s13+$0x10] =	vst v44;
	v0 =	vadd.f32 v0, v6;
	v18 =	vmul.f32 v18, v5;
	v25 =	vmul.f32 v47, v26  }
0x28c: {  	[tilespmem:s13+$0xFFFFFFD0] =	vst v24;
	v17 =	vmul.f32 v17, v4;
	v22 =	vadd.f32 v22, v10;
	v24 =	vadd.f32 v28, v19  }
0x28d: {  	[tilespmem:s13+$0xFFFFFFA0] =	vst v21;
	v21 =	vadd.f32 v23, v16;
	v29 =	vmul.f32 v25, v54;
	v28 =	vmul.f32 v25, v40  }
0x28e: {  	[tilespmem:s13+$0xFFFFFFF0] =	vst v20;
	v17 =	vadd.f32 v17, v13;
	v26 =	vmul.f32 v35, v38;
	v23 =	vmul.f32 v25, v32  }
0x28f: {  	[tilespmem:s13+$0x0] =	vst v0;
	v30 =	vmul.f32 v25, v49;
	v0 =	vmul.f32 v25, v41;
	v28 =	vsub.f32 v28, v29  }
0x290: {  	[tilespmem:s6+$0x60] =	vst v24;
	v20 =	vmul.f32 v25, v39;
	v24 =	vsub.f32 v26, v43;
	v23 =	vsub.f32 v23, v29  }
0x291: {  	[tilespmem:s6+$0x20] =	vst v22;
	v0 =	vsub.f32 v0, v29;
	v22 =	vmul.f32 v28, v1;
	v28 =	vsub.f32 v30, v29  }
0x292: {  	[tilespmem:s13+$0xFFFFFFE0] =	vst v31;
	v20 =	vsub.f32 v20, v29;
	v30 =	vmul.f32 v25, v37;
	v5 =	vmul.f32 v23, v5  }
0x293: {  	[tilespmem:s6+$0x70] =	vst v21;
	v0 =	vmul.f32 v0, v2;
	v21 =	vadd.f32 v22, v6;
	v4 =	vmul.f32 v28, v4  }
0x294: {  	[tilespmem:s6+$0x40] =	vst v17;
	v17 =	vmul.f32 v24, v8;
	v22 =	vsub.f32 v30, v29;
	v5 =	vadd.f32 v5, v11  }
0x295: {  	v23 =	vmul.f32 v25, v46;
	v0 =	vadd.f32 v0, v10;
	[tilespmem:s6+$0xFFFFFF80] =	vst v21;
	v4 =	vadd.f32 v4, v13  }
0x296: {  	v12 =	vmul.f32 v22, v12;
	v13 =	vsub.f32 v14, v43;
	v14 =	vmul.f32 v20, v3;
	[tilespmem:s6+$0xFFFFFFB0] =	vst v5  }
0x297: {  	v5 =	vadd.f32 v17, v15;
	v17 =	vsub.f32 v23, v29;
	v20 =	vmul.f32 v25, v34;
	[tilespmem:s6+$0xFFFFFFA0] =	vst v0  }
0x298: {  	[tilespmem:s6+$0xFFFFFFC0] =	vst v4;
	v4 =	vadd.f32 v12, v19;
	v12 =	vadd.f32 v14, v9;
	v3 =	vmul.f32 v13, v3  }
0x299: {  	[tilespmem:s6+$0x50] =	vst v5;
	v5 =	vmul.f32 v17, v8;
	v8 =	vadd.f32 v18, v11;
	v11 =	vsub.f32 v27, v43  }
0x29a: {  	[tilespmem:s6+$0xFFFFFFE0] =	vst v4;
	v4 =	vsub.f32 v20, v29  }
0x29b: {  	[tilespmem:s6+$0xFFFFFF90] =	vst v12;
	v2 =	vadd.f32 v3, v9;
	v1 =	vmul.f32 v11, v1  }
0x29c: {  	[tilespmem:s6+$0x30] =	vst v8;
	v3 =	vmul.f32 v4, v7;
	v4 =	vadd.f32 v5, v15  }
0x29d: {  	[tilespmem:s6+$0x10] =	vst v2;
	v0 =	vadd.f32 v1, v6  }
0x29e: {  	v2 =	vadd.f32 v3, v16;
	[tilespmem:s6+$0xFFFFFFD0] =	vst v4  }
0x29f: {  	[tilespmem:s6+$0x0] =	vst v0  }
0x2a0: {  	s5 =	smul.u32 $0x50, s5;
	[tilespmem:s6+$0xFFFFFFF0] =	vst v2  }
0x2a1: {  	s8 =	simm.s32 @!p0 $0x50;
	_ =	swait.ge [sflag:s24], $0x2800  }
0x2a2: {  	s9 =	simm.s32 @!p0 $0x2800;
	s5 =	sadd.s32 s7, s5;
	[sflag:s24] =	ssyncset.done $0x0  }
0x2a3: {  	s5 =	sshll.u32 s5, $0x4;
	s6 =	sadd.s32 @!p0 $0x1CF20, s12;
	[sflag:s24] =	ssyncadd.s32 $0xFFFFD800  }
0x2a4: {  	[tilespmem:s9], [sflag:$0x2] =	stream.indirect.gather @!p0 [hbm4b:s2+s8], $0x80, s6, s8, $0xb8;
	[tilespmem:$0x1FF80] =	vst v63  }
0x2a5: {  	s5 =	sadd.s32 s3, s5  }
0x2a6: {  	[hbm4b:s5+s4] =	stream.linear.scatter [tilespmem:s18], [sflag:$0x7], $0x2800, $0x38;
	[tilespmem:$0x1FF80] =	vst v63  }
0x2a7: {  	_ =	swait.ge [sflag:s25], $0x2800  }
0x2a8: {  	[sflag:s25] =	ssyncset.done $0x0  }
0x2a9: {  	[sflag:s25] =	ssyncadd.s32 $0xFFFFD800  }
0x2aa: {  	v0 =	vld [tilespmem:s0+$0xFFFFFFFF]  }
0x2ab: {  	v1 =	vld [tilespmem:s0+$0x0];
	_ =	sdelay $0x3  }
0x2ac: {  	(v2sf) =	vpush v0, $0x0  }
0x2ad: {  	(v2sf) =	vpush v1, $0x0;
	_ =	sdelay $0x3  }
0x2ae: {  	v3 =	vld [tilespmem:$0x1FE90]  }
0x2af: {  	v2 =	vld [tilespmem:$0x1FEA0]  }
0x2b0: {  	v5 =	vld [tilespmem:$0x1FEB0]  }
0x2b1: {  	s13 =	simm.s32 $0x7880;
	v4 =	vld [tilespmem:$0x1FEC0]  }
0x2b2: {  	v6 =	vld [tilespmem:s13+$0x30]  }
0x2b3: {  	v7 =	vld [tilespmem:s13+$0x70]  }
0x2b4: {  	v8 =	vld [tilespmem:s13+$0x0]  }
0x2b5: {  	v9 =	vld [tilespmem:s13+$0x10]  }
0x2b6: {  	v15 =	vld [tilespmem:s13+$0x20]  }
0x2b7: {  	v17 =	vld [tilespmem:s13+$0x40]  }
0x2b8: {  	v20 =	vld [tilespmem:s13+$0x60];
	s29 =	spop (v2sf)  }
0x2b9: {  	v22 =	vld [tilespmem:s13+$0xFFFFFF90];
	s6 =	spop (v2sf)  }
0x2ba: {  	v25 =	vld [tilespmem:s13+$0xFFFFFFB0];
	s5 =	sshll.u32 s29, $0x9;
	s11 =	sshll.u32 s6, $0x9  }
0x2bb: {  	v0 =	vld [tilespmem:s13+$0xFFFFFFA0];
	s9 =	sshra.s32 s5, $0x2;
	s5 =	sshra.s32 s11, $0x2  }
0x2bc: {  	v13 =	vld [tilespmem:s5+$0xA010]  }
0x2bd: {  	v14 =	vld [tilespmem:s5+$0xA000]  }
0x2be: {  	v12 =	vld [tilespmem:s5+$0xA020]  }
0x2bf: {  	v10 =	vld [tilespmem:s9+$0xA000]  }
0x2c0: {  	v16 =	vld [tilespmem:s5+$0xA030]  }
0x2c1: {  	v26 =	vld [tilespmem:s9+$0xA030]  }
0x2c2: {  	v39 =	vadd.f32 v13, v9;
	v9 =	vld [tilespmem:s5+$0xA040];
	v14 =	vadd.f32 v14, v8  }
0x2c3: {  	v18 =	vld [tilespmem:s5+$0xA050];
	v19 =	vadd.f32 v12, v15  }
0x2c4: {  	v8 =	vld [tilespmem:s13+$0x50];
	v13 =	vmul.f32 v39, v39;
	v12 =	vmul.f32 v14, v14;
	v21 =	vadd.f32 v39, v14  }
0x2c5: {  	v11 =	vld [tilespmem:s5+$0xA070];
	v15 =	vadd.f32 v16, v6  }
0x2c6: {  	v6 =	vld [tilespmem:s5+$0xA060];
	v12 =	vadd.f32 v13, v12;
	v13 =	vmul.f32 v19, v19;
	v21 =	vadd.f32 v19, v21  }
0x2c7: {  	v16 =	vadd.f32 v9, v17;
	v9 =	vld [tilespmem:s13+$0xFFFFFF80]  }
0x2c8: {  	v23 =	vmul.f32 v15, v15;
	v12 =	vadd.f32 v13, v12;
	v13 =	vld [tilespmem:s9+$0xA010];
	v21 =	vadd.f32 v15, v21  }
0x2c9: {  	v26 =	vadd.f32 v26, v25;
	v17 =	vadd.f32 v18, v8;
	v18 =	vld [tilespmem:s9+$0xA020]  }
0x2ca: {  	v1 =	vld [tilespmem:$0x1FE80];
	v8 =	vmul.f32 v16, v16;
	v12 =	vadd.f32 v23, v12;
	v21 =	vadd.f32 v16, v21  }
0x2cb: {  	v25 =	vld [tilespmem:s13+$0xFFFFFFE0];
	v34 =	vadd.f32 v11, v7;
	v33 =	vadd.f32 v6, v20  }
0x2cc: {  	s5 =	sadd.s32 $0x2, s0;
	v6 =	vmul.f32 v17, v17;
	v7 =	vadd.f32 v8, v12;
	v8 =	vld [tilespmem:s13+$0xFFFFFFC0];
	v11 =	vadd.f32 v17, v21  }
0x2cd: {  	v24 =	vadd.f32 v10, v9;
	v9 =	vld [tilespmem:s5+$0xFFFFFFFF];
	v23 =	vadd.f32 v13, v22  }
0x2ce: {  	v10 =	vmul.f32 v33, v33;
	v21 =	vadd.f32 v18, v0;
	v13 =	vld [tilespmem:s5+$0x0];
	v6 =	vadd.f32 v6, v7  }
0x2cf: {  	v7 =	vld [tilespmem:s9+$0xA040];
	v11 =	vadd.f32 v33, v11;
	v12 =	vmul.f32 v24, v24;
	v0 =	vmul.f32 v23, v23  }
0x2d0: {  	v20 =	vld [tilespmem:s13+$0xFFFFFFD0];
	v18 =	vmul.f32 v34, v34;
	v6 =	vadd.f32 v10, v6  }
0x2d1: {  	v10 =	vadd.f32 v34, v11;
	v11 =	vld [tilespmem:s9+$0xA050];
	v0 =	vadd.f32 v0, v12  }
0x2d2: {  	v12 =	vmul.f32 v21, v21;
	(v2sf) =	vpush v9, $0x0;
	v9 =	vld [tilespmem:s9+$0xA060];
	v6 =	vadd.f32 v18, v6  }
0x2d3: {  	(xrf2) =	vadd.scan.msk.f32 $0xffff, v10;
	v10 =	vadd.f32 v23, v24;
	v18 =	vld [tilespmem:s13+$0xFFFFFFF0];
	(v2sf) =	vpush v13, $0x0  }
0x2d4: {  	s6 =	simm.s32 $0x7980;
	v13 =	vld [tilespmem:s9+$0xA070];
	v22 =	vadd.f32 v7, v8;
	v7 =	vmul.f32 v26, v26;
	v0 =	vadd.f32 v12, v0  }
0x2d5: {  	v41 =	vld [tilespmem:s6+$0xFFFFFFA0];
	(xrf2) =	vadd.scan.msk.f32 $0xffff, v6;
	v6 =	vadd.f32 v21, v10  }
0x2d6: {  	v30 =	vld [tilespmem:s6+$0x30];
	v28 =	vadd.f32 v11, v20;
	v0 =	vadd.f32 v7, v0;
	v10 =	vmul.f32 v22, v22  }
0x2d7: {  	v58 =	vld [tilespmem:s6+$0xFFFFFFB0];
	v11 =	vadd.f32 v26, v6  }
0x2d8: {  	v63 =	vld [tilespmem:s6+$0x20];
	v31 =	vadd.f32 v9, v25;
	v0 =	vadd.f32 v10, v0;
	v10 =	vmul.f32 v28, v28  }
0x2d9: {  	v56 =	vld [tilespmem:s6+$0x40];
	v20 =	vadd.f32 v13, v18;
	v11 =	vadd.f32 v22, v11  }
0x2da: {  	v45 =	vld [tilespmem:s6+$0x60];
	v13 =	vmul.f32 v31, v31;
	v0 =	vadd.f32 v10, v0  }
0x2db: {  	v53 =	vld [tilespmem:s6+$0xFFFFFF90];
	v25 =	vmul.f32 v20, v20;
	v18 =	vadd.f32 v28, v11  }
0x2dc: {  	v44 =	vld [tilespmem:s6+$0xFFFFFFE0];
	v0 =	vadd.f32 v13, v0  }
0x2dd: {  	v8 =	vld [tilespmem:$0x1FED0];
	v27, _, _ =	vpop (xrf2);
	v18 =	vadd.f32 v31, v18  }
0x2de: {  	v12 =	vld [tilespmem:$0x1FEE0];
	v27 =	vperm.xlane v27, v57;
	v0 =	vadd.f32 v25, v0  }
0x2df: {  	v7 =	vld [tilespmem:$0x1FEF0];
	v25, _, _ =	vpop (xrf2);
	v18 =	vadd.f32 v20, v18  }
0x2e0: {  	v6 =	vld [tilespmem:$0x1FF00];
	v35 =	vmul.f32 $7.812500000e-03, v27;
	v25 =	vperm.xlane v25, v57;
	(xrf2) =	vadd.scan.msk.f32 $0xffff, v0  }
0x2e1: {  	v9 =	vld [tilespmem:$0x1FF10];
	s17 =	spop (v2sf);
	(xrf2) =	vadd.scan.msk.f32 $0xffff, v18  }
0x2e2: {  	v27 =	vld [tilespmem:s6+$0x0];
	v25 =	vmul.f32 $7.812500000e-03, v25;
	v29 =	vmul.f32 v35, v35;
	s8 =	sshll.u32 s17, $0x9;
	s11 =	spop (v2sf)  }
0x2e3: {  	v18 =	vld [tilespmem:s6+$0x10];
	s28 =	sshra.s32 s8, $0x2;
	s29 =	sshll.u32 s11, $0x9  }
0x2e4: {  	v25 =	vsub.f32 v25, v29;
	v29 =	vld [tilespmem:s28+$0xA030];
	s8 =	sshra.s32 s29, $0x2  }
0x2e5: {  	v61 =	vld [tilespmem:s8+$0xA000]  }
0x2e6: {  	v54 =	vld [tilespmem:s8+$0xA030];
	v25 =	vadd.f32 $9.999999970e-07, v25  }
0x2e7: {  	v60 =	vld [tilespmem:s8+$0xA010]  }
0x2e8: {  	v0 =	vld [tilespmem:s6+$0x70];
	v59 =	vshra.s32 v25, $0x1;
	v25 =	vmul.f32 $5.000000000e-01, v25  }
0x2e9: {  	v38 =	vld [tilespmem:s8+$0xA020];
	v43 =	vsub.s32 $0x5F3759DF, v59  }
0x2ea: {  	v37 =	vld [tilespmem:s8+$0xA070];
	v32 =	vadd.f32 v29, v58;
	v25 =	vmul.f32 v43, v25;
	v62, _, _ =	vpop (xrf2)  }
0x2eb: {  	v58 =	vld [tilespmem:s8+$0xA040];
	v36 =	vadd.f32 v61, v27;
	v27 =	vadd.f32 v54, v30;
	v55, _, _ =	vpop (xrf2);
	v29 =	vperm.xlane v62, v57  }
0x2ec: {  	v18 =	vadd.f32 v60, v18;
	v60 =	vld [tilespmem:s6+$0x50];
	v25 =	vmul.f32 v43, v25;
	v47 =	vperm.xlane v55, v57  }
0x2ed: {  	v61 =	vld [tilespmem:s8+$0xA050];
	v62 =	vmul.f32 v36, v36;
	v52 =	vmul.f32 v27, v27  }
0x2ee: {  	v10 =	vld [tilespmem:$0x1FF20];
	v50 =	vmul.f32 $7.812500000e-03, v29;
	v29 =	vadd.f32 v38, v63;
	v59 =	vsub.f32 $1.500000000e+00, v25  }
0x2ef: {  	v49 =	vld [tilespmem:s8+$0xA060];
	v42 =	vmul.f32 $7.812500000e-03, v47;
	v25 =	vadd.f32 v37, v0;
	v0 =	vmul.f32 v18, v18  }
0x2f0: {  	v51 =	vld [tilespmem:s28+$0xA070];
	v47 =	vadd.f32 v18, v36;
	v30 =	vadd.f32 v58, v56;
	v43 =	vmul.f32 v43, v59  }
0x2f1: {  	v54 =	vld [tilespmem:s6+$0xFFFFFFF0];
	v63 =	vmul.f32 v29, v29;
	v46 =	vmul.f32 v42, v42;
	v0 =	vadd.f32 v0, v62  }
0x2f2: {  	v56 =	vld [tilespmem:s28+$0xA060];
	v38 =	vadd.f32 v61, v60;
	v55 =	vmul.f32 v30, v30;
	v35 =	vmul.f32 v43, v35  }
0x2f3: {  	v58 =	vld [tilespmem:s28+$0xA010];
	v19 =	vmul.f32 v43, v19;
	v37 =	vmul.f32 v43, v33;
	v0 =	vadd.f32 v63, v0  }
0x2f4: {  	v59 =	vld [tilespmem:s28+$0xA020];
	v34 =	vmul.f32 v43, v34;
	v33 =	vadd.f32 v49, v45;
	v46 =	vsub.f32 v50, v46  }
0x2f5: {  	v11 =	vld [tilespmem:$0x1FF30];
	v62 =	vmul.f32 v43, v15;
	v19 =	vsub.f32 v19, v35;
	v15 =	vsub.f32 v37, v35  }
0x2f6: {  	v40 =	vld [tilespmem:s28+$0xA000];
	v45 =	vmul.f32 v43, v16;
	v0 =	vadd.f32 v52, v0;
	v16 =	vsub.f32 v34, v35  }
0x2f7: {  	v57 =	vmul.f32 v38, v38;
	v49 =	vld [tilespmem:s6+$0xFFFFFF80];
	v52 =	vadd.f32 v29, v47;
	v34 =	vadd.f32 v51, v54  }
0x2f8: {  	v13 =	vld [tilespmem:$0x1FF40];
	v63 =	vmul.f32 v33, v33;
	v37 =	vadd.f32 v56, v44;
	v61 =	vadd.f32 $9.999999970e-07, v46  }
0x2f9: {  	v44 =	vmul.f32 v43, v39;
	v46 =	vld [tilespmem:s6+$0xFFFFFFD0];
	v39 =	vadd.f32 v58, v53;
	v41 =	vadd.f32 v59, v41  }
0x2fa: {  	v56 =	vld [tilespmem:s28+$0xA040];
	v47 =	vmul.f32 v15, v12;
	v50 =	vmul.f32 v19, v2;
	v60 =	vadd.f32 v27, v52  }
0x2fb: {  	v0 =	vadd.f32 v55, v0;
	v15 =	vld [tilespmem:$0x1FF50];
	v48 =	vmul.f32 v16, v7;
	v52 =	vmul.f32 v25, v25  }
0x2fc: {  	v19 =	vld [tilespmem:$0x1FF60];
	v53 =	vshra.s32 v61, $0x1;
	v40 =	vadd.f32 v40, v49;
	v51 =	vadd.f32 v30, v60  }
0x2fd: {  	v16 =	vld [tilespmem:$0x1FF70];
	v54 =	vmul.f32 $5.000000000e-01, v61;
	v53 =	vsub.s32 $0x5F3759DF, v53;
	v0 =	vadd.f32 v57, v0  }
0x2fe: {  	v49 =	vld [tilespmem:s6+$0xFFFFFFC0];
	v60 =	vmul.f32 v39, v39;
	v59 =	vadd.f32 v39, v40;
	v61 =	vadd.f32 v38, v51  }
0x2ff: {  	s9 =	sadd.s32 $0x2, s5;
	s5 =	simm.s32 $0x7980;
	s8 =	simm.s32 $0x2;
	v55 =	vld [tilespmem:s28+$0xA050];
	v57 =	vmul.f32 v40, v40;
	v58 =	vadd.f32 v63, v0;
	v51 =	vsub.f32 v62, v35  }
.LBB2_9:
0x300: {  	v59 =	vadd.f32 v41, v59  }
0x301: {  	v0 =	vld [tilespmem:s9+$0xFFFFFFFF];
	s8 =	sadd.s32 $0x2, s8;
	v61 =	vadd.f32 v33, v61;
	v54 =	vmul.f32 v53, v54;
	v57 =	vadd.f32 v60, v57  }
0x302: {  	v60 =	vmul.f32 v41, v41;
	v50 =	vadd.f32 v50, v10;
	v62 =	vld [tilespmem:s9+$0x0];
	p1 =	slt.u32 s8, $0x4E;
	v52 =	vadd.f32 v52, v58  }
0x303: {  	v49 =	vadd.f32 v56, v49;
	v56 =	vadd.f32 v25, v61;
	v54 =	vmul.f32 v53, v54  }
0x304: {  	v58 =	vadd.f32 v32, v59;
	v59 =	vmul.f32 v32, v32;
	v46 =	vadd.f32 v55, v46  }
0x305: {  	v51 =	vmul.f32 v51, v5;
	v55 =	vmul.f32 v43, v17;
	v17 =	vmovc v38;
	(xrf2) =	vadd.scan.msk.f32 $0xffff, v56;
	v54 =	vsub.f32 $1.500000000e+00, v54  }
0x306: {  	v38 =	vmul.f32 v43, v14;
	v14 =	vmovc v36;
	(v2sf) =	vpush v0, $0x0;
	v0 =	vadd.f32 v60, v57  }
0x307: {  	v43 =	vadd.f32 v47, v19;
	(v2sf) =	vpush v62, $0x0;
	v36 =	vmul.f32 v53, v54;
	[tilespmem:s13+$0x20] =	vst v50  }
0x308: {  	v47 =	vadd.f32 v49, v58;
	v50 =	vmul.f32 v49, v49;
	v0 =	vadd.f32 v59, v0;
	(xrf2) =	vadd.scan.msk.f32 $0xffff, v52  }
0x309: {  	v56 =	vimm.s32 $0xF;
	v42 =	vmul.f32 v36, v42;
	[tilespmem:s13+$0x60] =	vst v43;
	v43 =	vadd.f32 v48, v16  }
0x30a: {  	v47 =	vadd.f32 v46, v47;
	v48 =	vmul.f32 v46, v46;
	v0 =	vadd.f32 v50, v0  }
0x30b: {  	v53 =	vsub.f32 v45, v35;
	v52 =	vmul.f32 v36, v23;
	v50 =	vmul.f32 v36, v24;
	[tilespmem:s13+$0x70] =	vst v43  }
0x30c: {  	v45 =	vmul.f32 v37, v37;
	v24 =	vmovc v40;
	v43 =	vadd.f32 v37, v47;
	v0 =	vadd.f32 v48, v0  }
0x30d: {  	v23 =	vmovc v39;
	v47 =	vmul.f32 v36, v21;
	v40 =	vsub.f32 v50, v42;
	v48 =	vmul.f32 v53, v4  }
0x30e: {  	v21 =	vmovc v41;
	v39 =	vadd.f32 v34, v43;
	v43 =	vmul.f32 v34, v34;
	v0 =	vadd.f32 v45, v0  }
0x30f: {  	v26 =	vmul.f32 v36, v26;
	v40 =	vmul.f32 v40, v1;
	v45 =	vadd.f32 v48, v13;
	v41, _, _ =	vpop (xrf2)  }
0x310: {  	v48 =	vmul.f32 v36, v28;
	v53 =	vadd.f32 v43, v0;
	v43 =	vmul.f32 v36, v22;
	v22 =	vmovc v49  }
0x311: {  	s6 =	sadd.s32 $0x100, s6;
	v50 =	vsub.f32 v26, v42;
	v54 =	vperm.xlane v41, v56;
	v49 =	vsub.f32 v52, v42;
	[tilespmem:s13+$0x40] =	vst v45  }
0x312: {  	v57 =	vmul.f32 v36, v31;
	v40 =	vadd.f32 v40, v6;
	v41 =	vld [tilespmem:s6+$0xFFFFFFA0];
	(xrf2) =	vadd.scan.msk.f32 $0xffff, v53;
	v0, _, _ =	vpop (xrf2);
	v43 =	vsub.f32 v43, v42  }
0x313: {  	v26 =	vmovc v32;
	v28 =	vmovc v46;
	v52 =	vmul.f32 $7.812500000e-03, v54;
	v53 =	vsub.f32 v55, v35;
	v45 =	vld [tilespmem:s6+$0x30];
	v0 =	vperm.xlane v0, v56  }
0x314: {  	v32 =	vmul.f32 v50, v5;
	v46 =	vld [tilespmem:s6+$0x70];
	[tilespmem:s13+$0xFFFFFF80] =	vst v40;
	v40 =	vmul.f32 v43, v4;
	v43 =	vsub.f32 v44, v35  }
0x315: {  	v31 =	vmovc v37;
	v50 =	vmul.f32 v52, v52;
	v44 =	vld [tilespmem:s6+$0x0];
	s11 =	spop (v2sf);
	v0 =	vmul.f32 $7.812500000e-03, v0;
	(xrf2) =	vadd.scan.msk.f32 $0xffff, v39;
	v39 =	vsub.f32 v57, v42  }
0x316: {  	v32 =	vadd.f32 v32, v11;
	v53 =	vmul.f32 v53, v8;
	s11 =	sshll.u32 s11, $0x9;
	v37 =	vld [tilespmem:s6+$0x10];
	s17 =	spop (v2sf);
	v40 =	vadd.f32 v40, v13  }
0x317: {  	v48 =	vsub.f32 v48, v42;
	v49 =	vmul.f32 v49, v3;
	s11 =	sshra.s32 s11, $0x2;
	v54 =	vld [tilespmem:s6+$0xFFFFFFB0];
	s17 =	sshll.u32 s17, $0x9;
	v0 =	vsub.f32 v0, v50  }
0x318: {  	v36 =	vmul.f32 v36, v20;
	v53 =	vadd.f32 v53, v15;
	v50 =	vld [tilespmem:s11+$0xA030];
	s17 =	sshra.s32 s17, $0x2;
	[tilespmem:s13+$0xFFFFFFB0] =	vst v32;
	v32 =	vmul.f32 v39, v12  }
0x319: {  	v20 =	vmovc v34;
	v35 =	vsub.f32 v38, v35;
	v39 =	vld [tilespmem:s11+$0xA000];
	v0 =	vadd.f32 $9.999999970e-07, v0;
	[tilespmem:s13+$0xFFFFFFC0] =	vst v40;
	v40 =	vmul.f32 v48, v8  }
0x31a: {  	v38 =	vadd.f32 v49, v9;
	v43 =	vmul.f32 v43, v3;
	v34 =	vld [tilespmem:s17+$0xA070];
	v32 =	vadd.f32 v32, v19;
	[tilespmem:s13+$0x50] =	vst v53  }
0x31b: {  	v47 =	vsub.f32 v47, v42;
	v48 =	vld [tilespmem:s17+$0xA020];
	v49 =	vshra.s32 v0, $0x1;
	v0 =	vmul.f32 $5.000000000e-01, v0  }
0x31c: {  	v36 =	vsub.f32 v36, v42;
	v57 =	vadd.f32 v51, v11;
	v53 =	vld [tilespmem:s17+$0xA010];
	v49 =	vsub.s32 $0x5F3759DF, v49;
	v55, _, _ =	vpop (xrf2);
	[tilespmem:s13+$0xFFFFFFE0] =	vst v32  }
0x31d: {  	v32 =	vadd.f32 v50, v54;
	v50 =	vld [tilespmem:s17+$0xA000];
	v51 =	vperm.xlane v55, v56;
	v0 =	vmul.f32 v49, v0;
	[tilespmem:s13+$0xFFFFFF90] =	vst v38  }
0x31e: {  	v47 =	vmul.f32 v47, v2;
	v36 =	vmul.f32 v36, v7;
	v43 =	vadd.f32 v43, v9;
	v38 =	vld [tilespmem:s6+$0x20];
	[tilespmem:s13+$0x30] =	vst v57  }
0x31f: {  	v40 =	vadd.f32 v40, v15;
	v54 =	vld [tilespmem:s17+$0xA030];
	v51 =	vmul.f32 $7.812500000e-03, v51;
	v0 =	vmul.f32 v49, v0;
	v42, _, _ =	vpop (xrf2)  }
0x320: {  	v47 =	vadd.f32 v47, v10;
	v55 =	vld [tilespmem:s6+$0x40];
	v42 =	vperm.xlane v42, v56;
	v56 =	vadd.f32 v36, v16;
	[tilespmem:s13+$0x10] =	vst v43  }
0x321: {  	v53 =	vadd.f32 v53, v37;
	v37 =	vld [tilespmem:s17+$0xA040];
	v0 =	vsub.f32 $1.500000000e+00, v0;
	[tilespmem:s13+$0xFFFFFFD0] =	vst v40;
	v40 =	vmul.f32 v35, v1  }
0x322: {  	v46 =	vadd.f32 v34, v46;
	v36 =	vadd.f32 v50, v44;
	v44 =	vld [tilespmem:s6+$0x50];
	v42 =	vmul.f32 $7.812500000e-03, v42;
	[tilespmem:s13+$0xFFFFFFA0] =	vst v47  }
0x323: {  	v34 =	vmul.f32 v53, v53;
	v38 =	vadd.f32 v48, v38;
	v47 =	vld [tilespmem:s17+$0xA050];
	v43 =	vmul.f32 v49, v0;
	[tilespmem:s13+$0xFFFFFFF0] =	vst v56  }
0x324: {  	v0 =	vmul.f32 v36, v36;
	v45 =	vadd.f32 v54, v45;
	v48 =	vld [tilespmem:s6+$0x60];
	v49 =	vmul.f32 v42, v42  }
0x325: {  	v50 =	vadd.f32 v53, v36;
	v54 =	vld [tilespmem:s17+$0xA060];
	v35 =	vmul.f32 v43, v52;
	v52 =	vmul.f32 v43, v29;
	v29 =	vmovc v38  }
0x326: {  	v40 =	vadd.f32 v40, v6;
	v56 =	vld [tilespmem:s6+$0xFFFFFF90];
	v57 =	vmul.f32 v45, v45;
	v37 =	vadd.f32 v37, v55  }
0x327: {  	v58 =	vmul.f32 v43, v25;
	v25 =	vmovc v46;
	v0 =	vadd.f32 v34, v0;
	v34 =	vmul.f32 v38, v29;
	v55 =	vld [tilespmem:s6+$0xFFFFFFE0]  }
0x328: {  	v59 =	vld [tilespmem:s6+$0xFFFFFFF0];
	v60 =	vmul.f32 v37, v37;
	v38 =	vadd.f32 v47, v44;
	v44 =	vmul.f32 v43, v33;
	[tilespmem:s13+$0x0] =	vst v40;
	s13 =	smov.u32 s5;
	s5 =	smov.u32 s6  }
0x329: {  	v62 =	vmul.f32 v43, v27;
	v27 =	vmovc v45;
	v0 =	vadd.f32 v34, v0;
	v34 =	vsub.f32 v52, v35;
	v40 =	vld [tilespmem:s11+$0xA070]  }
0x32a: {  	v45 =	vmul.f32 v43, v30;
	v30 =	vmovc v37;
	v52 =	vld [tilespmem:s11+$0xA060];
	v33 =	vadd.f32 v54, v48;
	v44 =	vsub.f32 v44, v35  }
0x32b: {  	v37 =	vsub.f32 v58, v35;
	v0 =	vadd.f32 v57, v0;
	v57 =	vmul.f32 v38, v38;
	v54 =	vld [tilespmem:s6+$0xFFFFFF80]  }
0x32c: {  	v48 =	vadd.f32 v29, v50;
	v58 =	vld [tilespmem:s11+$0xA010];
	v63 =	vmul.f32 v33, v33;
	v47 =	vmul.f32 v44, v12  }
0x32d: {  	v50 =	vmul.f32 v34, v2;
	v0 =	vadd.f32 v60, v0;
	v44 =	vsub.f32 v51, v49;
	v61 =	vld [tilespmem:s11+$0xA020]  }
0x32e: {  	v51 =	vadd.f32 v27, v48;
	v48 =	vmul.f32 v37, v7;
	v34 =	vadd.f32 v40, v59  }
0x32f: {  	v37 =	vadd.f32 v52, v55;
	v52 =	vmul.f32 v46, v25;
	v55 =	vadd.f32 $9.999999970e-07, v44  }
.Ltmp3:
0x330: {  	v0 =	vadd.f32 v57, v0;
	v44 =	vmul.f32 v43, v18;
	v18 =	vmovc v53;
	v40 =	vadd.f32 v39, v54;
	v46 =	vld [tilespmem:s6+$0xFFFFFFD0];
	(pc) =	sbr.rel @p1 .LBB2_9-.Ltmp3, $4  }
0x331: {  	v51 =	vadd.f32 v30, v51;
	v39 =	vadd.f32 v58, v56;
	v49 =	vld [tilespmem:s6+$0xFFFFFFC0];
	v54 =	vmul.f32 $5.000000000e-01, v55  }
0x332: {  	v53 =	vshra.s32 v55, $0x1;
	v57 =	vmul.f32 v40, v40;
	v41 =	vadd.f32 v61, v41;
	v56 =	vld [tilespmem:s11+$0xA040]  }
0x333: {  	v61 =	vadd.f32 v38, v51;
	v59 =	vadd.f32 v39, v40;
	v60 =	vmul.f32 v39, v39;
	v55 =	vld [tilespmem:s11+$0xA050]  }
0x334: {  	s9 =	sadd.s32 $0x2, s9;
	v58 =	vadd.f32 v63, v0;
	v53 =	vsub.s32 $0x5F3759DF, v53;
	v51 =	vsub.f32 v62, v35  }
0x335: {  	v0 =	vadd.f32 v60, v57;
	v57 =	vmul.f32 v41, v41  }
0x336: {  	v60 =	vadd.f32 v33, v61  }
0x337: {  	v62 =	vmul.f32 v32, v32;
	v49 =	vadd.f32 v56, v49;
	v0 =	vadd.f32 v57, v0  }
0x338: {  	v63 =	vadd.f32 v41, v59;
	v60 =	vadd.f32 v25, v60  }
0x339: {  	v46 =	vadd.f32 v55, v46;
	v0 =	vadd.f32 v62, v0;
	v61 =	vmul.f32 v49, v49  }
0x33a: {  	v52 =	vadd.f32 v52, v58;
	v62 =	vadd.f32 v32, v63;
	(xrf2) =	vadd.scan.msk.f32 $0xffff, v60  }
0x33b: {  	v63 =	vmul.f32 v46, v46;
	v0 =	vadd.f32 v61, v0  }
0x33c: {  	v54 =	vmul.f32 v53, v54;
	(xrf2) =	vadd.scan.msk.f32 $0xffff, v52;
	v56 =	vadd.f32 v49, v62  }
0x33d: {  	v17 =	vmul.f32 v43, v17;
	v58 =	vmul.f32 v37, v37;
	v0 =	vadd.f32 v63, v0  }
0x33e: {  	v45 =	vsub.f32 v45, v35;
	v54 =	vmul.f32 v53, v54;
	v59 =	vadd.f32 v46, v56  }
0x33f: {  	v44 =	vsub.f32 v44, v35;
	v60 =	vmul.f32 v34, v34;
	v0 =	vadd.f32 v58, v0  }
0x340: {  	v54 =	vsub.f32 $1.500000000e+00, v54;
	v55 =	vadd.f32 v37, v59  }
0x341: {  	v17 =	vsub.f32 v17, v35;
	v0 =	vadd.f32 v60, v0  }
0x342: {  	v45 =	vmul.f32 v45, v4;
	v53 =	vmul.f32 v53, v54;
	v61 =	vadd.f32 v34, v55  }
0x343: {  	v44 =	vmul.f32 v44, v3;
	v17 =	vmul.f32 v17, v8;
	(xrf2) =	vadd.scan.msk.f32 $0xffff, v0  }
0x344: {  	v42 =	vmul.f32 v53, v42;
	v24 =	vmul.f32 v53, v24;
	v63 =	vimm.s32 $0xF;
	v62, _, _ =	vpop (xrf2);
	(xrf2) =	vadd.scan.msk.f32 $0xffff, v61  }
0x345: {  	v50 =	vadd.f32 v50, v10;
	v0 =	vmul.f32 v43, v14;
	v43 =	vperm.xlane v62, v63  }
0x346: {  	v47 =	vadd.f32 v47, v19;
	v23 =	vmul.f32 v53, v23;
	v14 =	vmul.f32 v51, v5;
	v58, _, _ =	vpop (xrf2)  }
0x347: {  	v48 =	vadd.f32 v48, v16;
	v51 =	vperm.xlane v58, v63;
	v43 =	vmul.f32 $7.812500000e-03, v43  }
0x348: {  	v45 =	vadd.f32 v45, v13;
	v21 =	vmul.f32 v53, v21;
	v26 =	vmul.f32 v53, v26  }
0x349: {  	v44 =	vadd.f32 v44, v9;
	v51 =	vmul.f32 $7.812500000e-03, v51;
	v59 =	vmul.f32 v43, v43  }
0x34a: {  	v17 =	vadd.f32 v17, v15;
	v22 =	vmul.f32 v53, v22;
	v28 =	vmul.f32 v53, v28  }
0x34b: {  	v31 =	vmul.f32 v53, v31;
	v24 =	vsub.f32 v24, v42;
	v51 =	vsub.f32 v51, v59  }
0x34c: {  	v20 =	vmul.f32 v53, v20;
	v26 =	vsub.f32 v26, v42;
	v22 =	vsub.f32 v22, v42  }
0x34d: {  	v23 =	vsub.f32 v23, v42;
	v24 =	vmul.f32 v24, v1;
	v51 =	vadd.f32 $9.999999970e-07, v51;
	v60, _, _ =	vpop (xrf2)  }
0x34e: {  	v31 =	vsub.f32 v31, v42;
	v26 =	vmul.f32 v26, v5;
	v22 =	vmul.f32 v22, v4;
	v61, _, _ =	vpop (xrf2)  }
0x34f: {  	v62 =	vshra.s32 v51, $0x1;
	v51 =	vmul.f32 $5.000000000e-01, v51;
	v54 =	vperm.xlane v61, v63  }
0x350: {  	v23 =	vmul.f32 v23, v3;
	v52 =	vperm.xlane v60, v63;
	v55 =	vsub.s32 $0x5F3759DF, v62  }
0x351: {  	v28 =	vsub.f32 v28, v42;
	v51 =	vmul.f32 v55, v51;
	v54 =	vmul.f32 $7.812500000e-03, v54  }
0x352: {  	v21 =	vsub.f32 v21, v42;
	v31 =	vmul.f32 v31, v12;
	v52 =	vmul.f32 $7.812500000e-03, v52  }
0x353: {  	v20 =	vsub.f32 v20, v42;
	v59 =	vmul.f32 v55, v51;
	v63 =	vmul.f32 v54, v54  }
0x354: {  	v28 =	vmul.f32 v28, v8;
	v24 =	vadd.f32 v24, v6;
	v0 =	vsub.f32 v0, v35  }
0x355: {  	v21 =	vmul.f32 v21, v2;
	v35 =	vsub.f32 $1.500000000e+00, v59;
	v60 =	vsub.f32 v52, v63  }
0x356: {  	v20 =	vmul.f32 v20, v7;
	v26 =	vadd.f32 v26, v11;
	v22 =	vadd.f32 v22, v13  }
0x357: {  	v23 =	vadd.f32 v23, v9;
	v35 =	vmul.f32 v55, v35;
	v51 =	vadd.f32 $9.999999970e-07, v60  }
0x358: {  	[tilespmem:s13+$0x60] =	vst v47;
	v31 =	vadd.f32 v31, v19;
	v21 =	vadd.f32 v21, v10;
	v0 =	vmul.f32 v0, v1  }
0x359: {  	[tilespmem:s13+$0x70] =	vst v48;
	v43 =	vmul.f32 v35, v43;
	v61 =	vmul.f32 $5.000000000e-01, v51;
	v62 =	vshra.s32 v51, $0x1  }
0x35a: {  	[tilespmem:s13+$0x40] =	vst v45;
	v45 =	vmul.f32 v35, v29;
	v48 =	vmul.f32 v35, v33;
	v47 =	vsub.s32 $0x5F3759DF, v62  }
0x35b: {  	[tilespmem:s13+$0x20] =	vst v50;
	v20 =	vadd.f32 v20, v16;
	v50 =	vmul.f32 v35, v25;
	v42 =	vmul.f32 v47, v61  }
0x35c: {  	[tilespmem:s13+$0x10] =	vst v44;
	v63 =	vadd.f32 v28, v15;
	v27 =	vmul.f32 v35, v27;
	v55 =	vmul.f32 v35, v30  }
0x35d: {  	[tilespmem:s13+$0x50] =	vst v17;
	v58 =	vmul.f32 v35, v18;
	v52 =	vsub.f32 v45, v43;
	v51 =	vmul.f32 v47, v42  }
0x35e: {  	[tilespmem:s13+$0xFFFFFF80] =	vst v24;
	v60 =	vmul.f32 v35, v38;
	v53 =	vsub.f32 v48, v43;
	v25 =	vsub.f32 v50, v43  }
0x35f: {  	[tilespmem:s13+$0xFFFFFFB0] =	vst v26;
	v59 =	vsub.f32 v27, v43;
	v27 =	vmul.f32 v35, v36;
	v26 =	vsub.f32 $1.500000000e+00, v51  }
0x360: {  	[tilespmem:s13+$0xFFFFFFC0] =	vst v22;
	v17 =	vsub.f32 v55, v43;
	v28 =	vmul.f32 v53, v12;
	v22 =	vmul.f32 v52, v2  }
0x361: {  	v14 =	vadd.f32 v14, v11;
	[tilespmem:s13+$0xFFFFFFE0] =	vst v31;
	v56 =	vmul.f32 v25, v7;
	v57 =	vmul.f32 v47, v26  }
0x362: {  	[tilespmem:s13+$0xFFFFFF90] =	vst v23;
	v0 =	vadd.f32 v0, v6;
	v18 =	vmul.f32 v59, v5;
	v17 =	vmul.f32 v17, v4  }
0x363: {  	[tilespmem:s13+$0xFFFFFFA0] =	vst v21;
	v42 =	vsub.f32 v60, v43;
	v22 =	vadd.f32 v22, v10;
	v61 =	vmul.f32 v57, v54  }
0x364: {  	[tilespmem:s13+$0xFFFFFFD0] =	vst v63;
	v62 =	vadd.f32 v28, v19;
	v63 =	vmul.f32 v57, v40;
	v35 =	vmul.f32 v57, v32  }
0x365: {  	[tilespmem:s13+$0xFFFFFFF0] =	vst v20;
	v33 =	vadd.f32 v56, v16;
	v36 =	vmul.f32 v57, v39;
	v38 =	vmul.f32 v57, v49  }
0x366: {  	[tilespmem:s13+$0x0] =	vst v0;
	v17 =	vadd.f32 v17, v13;
	v0 =	vmul.f32 v57, v41;
	v41 =	vmul.f32 v57, v37  }
0x367: {  	[tilespmem:s13+$0x30] =	vst v14;
	v49 =	vmul.f32 v42, v8;
	v28 =	vsub.f32 v63, v61;
	v23 =	vsub.f32 v35, v61  }
0x368: {  	[tilespmem:s5+$0x20] =	vst v22;
	v50 =	vmul.f32 v57, v46;
	v40 =	vsub.f32 v38, v61;
	v48 =	vsub.f32 v41, v61  }
0x369: {  	[tilespmem:s5+$0x60] =	vst v62;
	v56 =	vmul.f32 v57, v34;
	v20 =	vsub.f32 v36, v61;
	v54 =	vadd.f32 v49, v15  }
0x36a: {  	[tilespmem:s5+$0x70] =	vst v33;
	v55 =	vsub.f32 v50, v61;
	v0 =	vsub.f32 v0, v61;
	v39 =	vmul.f32 v28, v1  }
0x36b: {  	[tilespmem:s5+$0x40] =	vst v17;
	v60 =	vsub.f32 v56, v61;
	v61 =	vadd.f32 v18, v11;
	v44 =	vmul.f32 v23, v5  }
0x36c: {  	v47 =	vmul.f32 v40, v4;
	[tilespmem:s5+$0x50] =	vst v54;
	v45 =	vadd.f32 v39, v6  }
0x36d: {  	v52 =	vsub.f32 v58, v43;
	v51 =	vmul.f32 v48, v12;
	[tilespmem:s5+$0x30] =	vst v61;
	v5 =	vadd.f32 v44, v11  }
0x36e: {  	v53 =	vmul.f32 v20, v3;
	v4 =	vadd.f32 v47, v13;
	[tilespmem:s5+$0xFFFFFF80] =	vst v45  }
0x36f: {  	v3 =	vmul.f32 v52, v3;
	v57 =	vadd.f32 v51, v19;
	[tilespmem:s5+$0xFFFFFFB0] =	vst v5  }
0x370: {  	v59 =	vmul.f32 v55, v8;
	v58 =	vadd.f32 v53, v9;
	[tilespmem:s5+$0xFFFFFFC0] =	vst v4  }
0x371: {  	v62 =	vsub.f32 v27, v43;
	v0 =	vmul.f32 v0, v2;
	v2 =	vadd.f32 v3, v9;
	[tilespmem:s5+$0xFFFFFFE0] =	vst v57  }
0x372: {  	v3 =	vmul.f32 v60, v7;
	v63 =	vadd.f32 v59, v15;
	[tilespmem:s5+$0xFFFFFF90] =	vst v58  }
0x373: {  	v1 =	vmul.f32 v62, v1;
	v0 =	vadd.f32 v0, v10;
	[tilespmem:s5+$0x10] =	vst v2  }
0x374: {  	v2 =	vadd.f32 v3, v16;
	[tilespmem:s5+$0xFFFFFFD0] =	vst v63  }
0x375: {  	[tilespmem:s5+$0xFFFFFFA0] =	vst v0;
	v0 =	vadd.f32 v1, v6  }
0x376: {  	[tilespmem:s5+$0xFFFFFFF0] =	vst v2  }
0x377: {  	[tilespmem:s5+$0x0] =	vst v0  }
0x378: {  	_ =	swait.ge [sflag:s26], $0x2800  }
0x379: {  	s6 =	simm.s32 @!p0 $0x50;
	s8 =	simm.s32 @!p0 $0x5000;
	[sflag:s26] =	ssyncset.done $0x0  }
0x37a: {  	s10 =	sadd.s32 $0x1, s10;
	s5 =	sadd.s32 @!p0 $0x1CFC0, s12;
	[sflag:s26] =	ssyncadd.s32 $0xFFFFD800  }
0x37b: {  	[tilespmem:s8], [sflag:$0x3] =	stream.indirect.gather @!p0 [hbm4b:s2+s6], $0x80, s5, s6, $0xb8;
	[tilespmem:$0x1FF80] =	vst v63  }
0x37c: {  	s9 =	smul.u32 $0x50, s15;
	p0 =	sne.s32 s10, $0x14  }
.Ltmp4:
0x37d: {  	_ = 	snop;
	(pc) =	sbr.rel @p0 .LBB2_2-.Ltmp4, $4  }
0x37e: {  	s29 =	sadd.s32 s7, s9  }
0x37f: {  	s30 =	sadd.s32 $0x280, s30;
	s31 =	sadd.s32 $0x280, s31;
	s5 =	sshll.u32 s29, $0x4  }
0x380: {  	s1 =	sadd.s32 $0x280, s1;
	s0 =	sadd.s32 $0x280, s0;
	s5 =	sadd.s32 s3, s5  }
0x381: {  	v0 =	vimm.s32 $0xF;
	[hbm4b:s5+s4] =	stream.linear.scatter [tilespmem:s20], [sflag:$0x8], $0x2800, $0x38;
	[tilespmem:$0x1FF80] =	vst v63  }
0x382: {  	s1 =	simm.s32 $0x8  }
0x383: {  	_ =	swait.ge [sflag:s1], $0x2800  }
0x384: {  	s5 =	rddreg [dreg:$0x8]  }
0x385: {  	s0 =	rddreg [dreg:$0x7];
	s5 =	sadd.s32 $0x1, s5  }
0x386: {  	p0 =	sne.s32 s5, s0  }
.Ltmp5:
0x387: {  	_ = 	snop;
	(pc) =	sbr.rel @p0 .LBB2_1-.Ltmp5, $3  }
0x388: {  	_ =	sdelay $0x1  }
0x389: {  	[sflag:s1] =	ssyncset.done $0x0  }
0x38a: {  	[sflag:s1] =	ssyncadd.s32 $0xFFFFD800  }
0x38b: {  	_ =	sfence.sel $0x180000  }
0x38c: {  	[bflag:$0x0] =	sbarrier.arrive $0xFFFF  }
0x38d: {  	_ =	strace $0x90000047  }
0x38e: {  	s0 =	stileid.u32;
	[bflag:$0x2] =	sbarrier.arrive $0xFFFF  }
0x38f: {  	p0 =	sne.s32 s0, $0x0;
	s0 =	rddreg [dreg:$0x3]  }
0x390: {  	s0 =	sadd.s32 @!p0 $0x100000, s0  }
0x391: {  	[sflag:s0] =	ssyncadd.tile.s32 @!p0 $0x1;
	_ =	shalt  }
.Lfunc_end2:
_tile_overlayer_lowered:
.L_overlay_start_2:
0x392: {  	(tag) =	ssettag $0x2  }
0x393: {  	s0 =	rddreg [dreg:$0x0];
	s2 =	stileid.u32  }
0x394: {  	s1 =	rddreg [dreg:$0x1];
	p0 =	sne.s32 s2, $0x0  }
0x395: {  	s3 =	rddreg [dreg:$0x2];
	[bflag:$0x3] =	sbarrier.arrive $0xFFFF;
	s2 =	simm.s32 @!p0 $0x1C09  }
0x396: {  	[timem:s3], [sflag:s2] =	dma.local @!p0 [hbm:s0], s1  }
0x397: {  	s0 =	simm.s32 @!p0 $0x9  }
0x398: {  	_ =	swait.ge @!p0 [sflag:s0], s1  }
0x399: {  	s1 =	ssub.s32 @!p0 $0x0, s1;
	[sflag:s0] =	ssyncset.done @!p0 $0x0  }
0x39a: {  	[sflag:s0] =	ssyncadd.s32 @!p0 s1  }
0x39b: {  	[bflag:$0x3] =	sbarrier.arrive $0xFFFF  }
0x39c: {  	_ =	shalt  }

</sc_bundles>
